<compile_context>
chip_gen: v7x
topology: tpu7x:2x2x1
jax: 0.10.2.dev20260603
libtpu: 0.0.44.dev20260713+nightly
codegen_flags: <defaults>
</compile_context>

<pallas_src>
import functools

import jax
import jax.numpy as jnp
from jax import lax
from jax.experimental import pallas as pl
from jax.experimental.pallas import tpu as pltpu
from jax.experimental.pallas import tpu_sc as plsc

D = 256
H = 128
EPS = 1e-15
MAXNORM = 1.0 - 1e-5
SUBCORES = 16



def _norm(x):
    return jnp.clip(jnp.sqrt(jnp.sum(x * x, axis=-1, keepdims=True)), EPS, None)

def _artanh(x):
    x = jnp.clip(x, -1.0 + 1e-7, 1.0 - 1e-7)
    return 0.5 * jnp.log((1.0 + x) / (1.0 - x))

def _proj(x):
    n = _norm(x)
    return jnp.where(n > MAXNORM, x / n * MAXNORM, x)

def _expmap0(u):
    n = _norm(u)
    return _proj(jnp.tanh(n) * u / n)

def _logmap0(x):
    n = _norm(x)
    return _artanh(n) * x / n

def _mobius_add(x, y):
    x2 = jnp.sum(x * x, -1, keepdims=True)
    y2 = jnp.sum(y * y, -1, keepdims=True)
    xy = jnp.sum(x * y, -1, keepdims=True)
    num = (1 + 2 * xy + y2) * x + (1 - x2) * y
    den = 1 + 2 * xy + x2 * y2
    return num / jnp.clip(den, EPS, None)

def _poincare_linear_rows(x, wT, b_row):
    xn = _norm(x)
    mx = jnp.dot(x, wT, preferred_element_type=jnp.float32)
    mxn = _norm(mx)
    h = _proj(jnp.tanh(mxn / xn * _artanh(xn)) * mx / mxn)
    hb = _expmap0(b_row)
    return _proj(_mobius_add(h, jnp.broadcast_to(hb, h.shape)))


def _plin_scalars(xn, mxn, xy0, y2):
    t = jnp.tanh(mxn / xn * _artanh(xn))
    th = jnp.minimum(t, MAXNORM)
    s_h = th / mxn
    x2 = th * th
    xy = s_h * xy0
    a = 1.0 + 2.0 * xy + y2
    b = 1.0 - x2
    den = jnp.clip(1.0 + 2.0 * xy + x2 * y2, EPS, None)
    p = a * s_h / den
    q = b / den
    n2 = jnp.clip(jnp.sqrt(a * a * x2 + 2.0 * a * b * xy + b * b * y2) / den,
                  EPS, None)
    gam = jnp.where(n2 > MAXNORM, MAXNORM / n2, 1.0)
    n3 = jnp.clip(gam * n2, EPS, None)
    lam = _artanh(n3) / n3
    return lam * gam * p, lam * gam * q

def _layernorm(x, g, b):
    mu = jnp.mean(x, -1, keepdims=True)
    var = jnp.var(x, -1, keepdims=True)
    return (x - mu) / jnp.sqrt(var + 1e-5) * g + b



def _node_pre_body(x_ref, w1_ref, hb_ref, hbw_ref, bm1_ref, xt_ref, a_ref):
    x = x_ref[...]
    g = jnp.dot(x, w1_ref[...], preferred_element_type=jnp.float32)
    mx = g[:, :D]
    mxa = g[:, D:]
    hb = hb_ref[...]
    y2 = jnp.sum(hb * hb, -1, keepdims=True)
    xy0 = jnp.sum(mx * hb, -1, keepdims=True)
    P, Q = _plin_scalars(_norm(x), _norm(mx), xy0, y2)
    xt_ref[...] = P * mx + Q * hb
    a = P * mxa + (Q * hbw_ref[...] + bm1_ref[...])
    a_ref[0] = a[:, :H]
    a_ref[1] = a[:, H:]


def _edge_pre_body(e_ref, w1_ref, hb_ref, hbw_ref, eb1_ref, eb2_ref):
    x = e_ref[...]
    g = jnp.dot(x.astype(jnp.bfloat16), w1_ref[...],
                preferred_element_type=jnp.float32)
    mx = g[:, :D]
    mxw = g[:, D:]
    hb = hb_ref[...]
    y2 = jnp.sum(hb * hb, -1, keepdims=True)
    xy0 = jnp.sum(mx * hb, -1, keepdims=True)
    P, Q = _plin_scalars(_norm(x), _norm(mx), xy0, y2)
    eb = P * mxw + Q * hbw_ref[...]
    eb1_ref[0] = eb[:, 0 * H:1 * H]
    eb1_ref[1] = eb[:, 1 * H:2 * H]
    eb2_ref[0] = eb[:, 2 * H:3 * H]
    eb2_ref[1] = eb[:, 3 * H:4 * H]


def _mid_body(xt_ref, agg_ref, deg_ref, wu_ref, bu_ref, g_ref, bln_ref,
              wmtT_ref, bm_ref, xt2_ref, a2_ref):
    agg = jnp.concatenate([agg_ref[0], agg_ref[1]], axis=1)
    deg = jnp.clip(deg_ref[0, :, 0:1] + deg_ref[1, :, 0:1], 1.0, None)
    out_t = jnp.dot(xt_ref[...] + agg / deg, wu_ref[...],
                    preferred_element_type=jnp.float32) + bu_ref[...]
    z = jax.nn.relu(_layernorm(out_t, g_ref[...], bln_ref[...]))
    nz = _norm(z)
    r = _artanh(jnp.minimum(jnp.tanh(nz), MAXNORM)) / nz
    xt2_ref[...] = r * z
    a2 = r * jnp.dot(z, wmtT_ref[...], preferred_element_type=jnp.float32) \
        + bm_ref[...]
    a2_ref[0] = a2[:, :H]
    a2_ref[1] = a2[:, H:]


def _final_body(xt_ref, agg_ref, deg_ref, wu_ref, bu_ref, g_ref,
                bln_ref, out_ref):
    agg = jnp.concatenate([agg_ref[0], agg_ref[1]], axis=1)
    deg = jnp.clip(deg_ref[0, :, 0:1] + deg_ref[1, :, 0:1], 1.0, None)
    out_t = jnp.dot(xt_ref[...] + agg / deg, wu_ref[...],
                    preferred_element_type=jnp.float32) + bu_ref[...]
    z = jax.nn.relu(_layernorm(out_t, g_ref[...], bln_ref[...]))
    nz = _norm(z)
    out_ref[...] = (jnp.minimum(jnp.tanh(nz), MAXNORM) / nz) * z


def _row_spec(r, cols):
    return pl.BlockSpec((r, cols), lambda i: (i, 0))

def _full_spec(shape):
    nd = len(shape)
    return pl.BlockSpec(shape, lambda i: (0,) * nd)

def _half_spec(r, w=H):
    return pl.BlockSpec((2, r, w), lambda i: (0, i, 0))



@functools.lru_cache(maxsize=None)
def _make_sc_layer(with_deg, n, e):
    edges_per_sub = e // SUBCORES
    ch = 80 if edges_per_sub % 80 == 0 else edges_per_sub
    chunks = edges_per_sub // ch
    edges_per_w = e // (2 * SUBCORES)
    ch2 = max(d for d in range(8, 129, 8) if edges_per_w % d == 0)
    chunks2 = edges_per_w // ch2
    zch = 32
    rows_per_sub = -(-(n // SUBCORES) // zch) * zch
    n_pad = rows_per_sub * SUBCORES
    zreps = rows_per_sub // zch

    mesh = plsc.VectorSubcoreMesh(core_axis_name="c", subcore_axis_name="s",
                                  num_cores=2, num_subcores=SUBCORES)

    agg_t = jax.ShapeDtypeStruct((2 * n_pad, H), jnp.float32)
    scratch = [
        pltpu.VMEM((ch,), jnp.int32),
        pltpu.VMEM((ch,), jnp.int32),
        pltpu.VMEM((ch,), jnp.int32),
        pltpu.VMEM((ch, H), jnp.float32),
        pltpu.VMEM((ch, H), jnp.float32),
        pltpu.VMEM((ch, H), jnp.float32),
        pltpu.VMEM((zch, H), jnp.float32),
        pltpu.VMEM_SHARED((n_pad, H), jnp.float32),
        pltpu.SemaphoreType.DMA,
        pltpu.SemaphoreType.DMA,
        pltpu.SemaphoreType.DMA,
        pltpu.SemaphoreType.DMA,
    ]
    if with_deg:
        scratch += [
            pltpu.VMEM((ch2,), jnp.int32),
            pltpu.VMEM((ch2, H), jnp.float32),
        ]

    @functools.partial(
        pl.kernel,
        out_type=(agg_t, agg_t) if with_deg else agg_t,
        mesh=mesh,
        scratch_types=scratch,
    )
    def sc_layer(acat, ebcat, src, dst, *refs):
        if with_deg:
            (out, outd, src_v, dst_v, gidx_v, a_v, eb_v, msg_v, z_v, agg_sp,
             sem_src, sem_dst, sem_eb, sem_g, dst2_v, ones_v) = refs
        else:
            (out, src_v, dst_v, gidx_v, a_v, eb_v, msg_v, z_v, agg_sp,
             sem_src, sem_dst, sem_eb, sem_g) = refs
        c = lax.axis_index("c")
        s = lax.axis_index("s")
        row0 = s * rows_per_sub
        cN = c * n
        cNp = c * n_pad
        cE = c * e

        def zrow(r, carry):
            for j in range(H // 16):
                z_v[r, pl.ds(j * 16, 16)] = jnp.zeros((16,), jnp.float32)
            return carry
        lax.fori_loop(0, zch, zrow, 0)

        def zcopy(t, carry):
            pltpu.sync_copy(z_v, agg_sp.at[pl.ds(row0 + t * zch, zch)])
            return carry
        lax.fori_loop(0, zreps, zcopy, 0)

        plsc.subcore_barrier()

        def chunk(k, carry):
            base = s * edges_per_sub + k * ch
            h_eb = pltpu.async_copy(ebcat.at[pl.ds(cE + base, ch)], eb_v,
                                    sem_eb)
            h_dst = pltpu.async_copy(dst.at[pl.ds(base, ch)], dst_v, sem_dst)
            h_src = pltpu.async_copy(src.at[pl.ds(base, ch)], src_v, sem_src)
            h_src.wait()
            for j in range(ch // 16):
                sl = pl.ds(j * 16, 16)
                gidx_v[sl] = src_v[sl] + cN
            h_g = pltpu.async_copy(acat.at[gidx_v], a_v, sem_g)
            h_g.wait()
            h_eb.wait()

            def mrow(r, rc):
                for j in range(H // 16):
                    sl = pl.ds(j * 16, 16)
                    msg_v[r, sl] = jnp.maximum(a_v[r, sl] + eb_v[r, sl], 0.0)
                return rc
            lax.fori_loop(0, ch, mrow, 0)

            h_dst.wait()
            pltpu.sync_copy(msg_v, agg_sp.at[dst_v], add=True)
            return carry

        lax.fori_loop(0, chunks, chunk, 0)

        plsc.subcore_barrier()
        pltpu.sync_copy(agg_sp.at[pl.ds(row0, rows_per_sub)],
                        out.at[pl.ds(cNp + row0, rows_per_sub)])

        if with_deg:
            lax.fori_loop(0, zreps, zcopy, 0)

            def onerow(r, carry):
                for j in range(H // 16):
                    ones_v[r, pl.ds(j * 16, 16)] = jnp.ones((16,), jnp.float32)
                return carry
            lax.fori_loop(0, ch2, onerow, 0)

            plsc.subcore_barrier()
            w0 = (c * SUBCORES + s) * edges_per_w

            def dchunk(k, carry):
                pltpu.sync_copy(dst.at[pl.ds(w0 + k * ch2, ch2)], dst2_v)
                pltpu.sync_copy(ones_v, agg_sp.at[dst2_v], add=True)
                return carry
            lax.fori_loop(0, chunks2, dchunk, 0)

            plsc.subcore_barrier()
            pltpu.sync_copy(agg_sp.at[pl.ds(row0, rows_per_sub)],
                            outd.at[pl.ds(cNp + row0, rows_per_sub)])

    return sc_layer



def kernel(x, adj, e, Wn, bn, We, be, Wm1, bm1, Wu1, bu1, g1, bln1,
           Wm2, bm2, Wu2, bu2, g2, bln2):
    f32 = jnp.float32
    n = x.shape[0]
    ne = e.shape[0]
    rn = 1000 if n % 1000 == 0 else n
    re_ = 640 if ne % 640 == 0 else ne
    n_pad = (-(-(n // SUBCORES) // 32) * 32) * SUBCORES

    src = adj[0]
    dst = adj[1]

    wm1t = Wm1[:D]
    wm2t = Wm2[:D]
    wmbot = jnp.concatenate([Wm1[D:], Wm2[D:]], axis=1)
    wnT = Wn.T
    weT = We.T
    w1n = jnp.concatenate([wnT, wnT @ wm1t], axis=1)
    w1e = jnp.concatenate([weT, weT @ wmbot], axis=1).astype(jnp.bfloat16)
    hb_n = _expmap0(bn.reshape(1, D))
    hb_e = _expmap0(be.reshape(1, D))
    hbw_n = hb_n @ wm1t
    hbw_e = hb_e @ wmbot
    bm1_r = bm1.reshape(1, D)
    bm2_r = bm2.reshape(1, D)
    bu1_r = bu1.reshape(1, D)
    bu2_r = bu2.reshape(1, D)
    g1_r = g1.reshape(1, D)
    g2_r = g2.reshape(1, D)
    bln1_r = bln1.reshape(1, D)
    bln2_r = bln2.reshape(1, D)

    xt1, a1 = pl.pallas_call(
        _node_pre_body,
        grid=(n // rn,),
        in_specs=[_row_spec(rn, D), _full_spec((D, 2 * D)), _full_spec((1, D)),
                  _full_spec((1, D)), _full_spec((1, D))],
        out_specs=[_row_spec(rn, D), _half_spec(rn)],
        out_shape=[jax.ShapeDtypeStruct((n, D), f32),
                   jax.ShapeDtypeStruct((2, n, H), f32)],
    )(x, w1n, hb_n, hbw_n, bm1_r)

    eb1, eb2 = pl.pallas_call(
        _edge_pre_body,
        grid=(ne // re_,),
        in_specs=[_row_spec(re_, D), _full_spec((D, 3 * D)), _full_spec((1, D)),
                  _full_spec((1, 2 * D))],
        out_specs=[_half_spec(re_), _half_spec(re_)],
        out_shape=[jax.ShapeDtypeStruct((2, ne, H), f32),
                   jax.ShapeDtypeStruct((2, ne, H), f32)],
    )(e, w1e, hb_e, hbw_e)

    agg1, deg1 = _make_sc_layer(True, n, ne)(
        a1.reshape(2 * n, H), eb1.reshape(2 * ne, H), src, dst)
    agg1 = agg1.reshape(2, n_pad, H)
    deg1 = deg1.reshape(2, n_pad, H)

    xt2, a2 = pl.pallas_call(
        _mid_body,
        grid=(n // rn,),
        in_specs=[_row_spec(rn, D), _half_spec(rn, H), _half_spec(rn, H),
                  _full_spec((D, D)), _full_spec((1, D)), _full_spec((1, D)),
                  _full_spec((1, D)), _full_spec((D, D)), _full_spec((1, D))],
        out_specs=[_row_spec(rn, D), _half_spec(rn)],
        out_shape=[jax.ShapeDtypeStruct((n, D), f32),
                   jax.ShapeDtypeStruct((2, n, H), f32)],
    )(xt1, agg1, deg1, Wu1, bu1_r, g1_r, bln1_r, wm2t, bm2_r)

    agg2 = _make_sc_layer(False, n, ne)(
        a2.reshape(2 * n, H), eb2.reshape(2 * ne, H), src, dst)
    agg2 = agg2.reshape(2, n_pad, H)

    out = pl.pallas_call(
        _final_body,
        grid=(n // rn,),
        in_specs=[_row_spec(rn, D), _half_spec(rn, H), _half_spec(rn, H),
                  _full_spec((D, D)), _full_spec((1, D)), _full_spec((1, D)),
                  _full_spec((1, D))],
        out_specs=_row_spec(rn, D),
        out_shape=jax.ShapeDtypeStruct((n, D), f32),
    )(xt2, agg2, deg1, Wu2, bu2_r, g2_r, bln2_r)

    return out

# --- scband reference (transcript-rebuilt; emitter-appended) ---
"""Pipeline reference for scband-poincare-gcn-27685359190145 (READ-ONLY COPY).

The authoritative reference and input builder live on the scoring server;
editing this copy changes nothing except your own understanding.
"""

import jax, jax.numpy as jnp
import numpy as np

C = 1.0
EPS = 1e-15

def _artanh(x):
    x = jnp.clip(x, -1.0 + 1e-7, 1.0 - 1e-7)
    return 0.5 * jnp.log((1.0 + x) / (1.0 - x))

def _norm(x):
    return jnp.clip(jnp.linalg.norm(x, axis=-1, keepdims=True), EPS, None)

def _proj(x, c=C):
    maxnorm = (1.0 - 1e-5) / jnp.sqrt(c)
    n = _norm(x)
    return jnp.where(n > maxnorm, x / n * maxnorm, x)

def _expmap0(u, c=C):
    sc = jnp.sqrt(c)
    n = _norm(u)
    return _proj(jnp.tanh(sc * n) * u / (sc * n), c)

def _logmap0(x, c=C):
    sc = jnp.sqrt(c)
    n = _norm(x)
    return _artanh(sc * n) * x / (sc * n)

def _mobius_add(x, y, c=C):
    x2 = jnp.sum(x * x, -1, keepdims=True)
    y2 = jnp.sum(y * y, -1, keepdims=True)
    xy = jnp.sum(x * y, -1, keepdims=True)
    num = (1 + 2 * c * xy + c * y2) * x + (1 - c * x2) * y
    den = 1 + 2 * c * xy + c * c * x2 * y2
    return num / jnp.clip(den, EPS, None)

def _mobius_matvec(W, x, c=C):
    sc = jnp.sqrt(c)
    xn = _norm(x)
    mx = x @ W.T
    mxn = _norm(mx)
    res = jnp.tanh(mxn / xn * _artanh(sc * xn)) * mx / (mxn * sc)
    return _proj(res, c)

def _poincare_linear(x, W, b, c=C):
    h = _mobius_matvec(W, x, c)
    hb = _expmap0(jnp.broadcast_to(b, h.shape), c)
    return _proj(_mobius_add(h, hb, c), c)

def _layernorm(x, g, b):
    mu = jnp.mean(x, -1, keepdims=True)
    var = jnp.var(x, -1, keepdims=True)
    return (x - mu) / jnp.sqrt(var + 1e-5) * g + b

def _pgnn_layer(h_n, adj, h_e, Wm, bm, Wu, bu, g, bln, c=C):
    N = h_n.shape[0]
    xt = _logmap0(h_n, c)
    et = _logmap0(h_e, c)
    src, dst = adj[0], adj[1]
    m = jax.nn.relu(jnp.concatenate([xt[src], et], axis=-1) @ Wm + bm)
    agg = jax.ops.segment_sum(m, dst, num_segments=N)
    deg = jnp.clip(jax.ops.segment_sum(jnp.ones((adj.shape[1], 1), m.dtype), dst, num_segments=N), 1.0, None)
    out_t = (xt + agg / deg) @ Wu + bu
    out_t = _layernorm(out_t, g, bln)
    out_t = jax.nn.relu(out_t)
    return _proj(_expmap0(out_t, c), c)

def setup_inputs(seed: int = 0):
    key = jax.random.key(seed)
    N, E, D = 10000, 160000, 256
    ks = jax.random.split(key, 16)
    s = 0.05
    inp = {}
    inp['x'] = jax.random.normal(ks[0], (N, D), jnp.float32) * 0.01
    inp['adj'] = jax.random.randint(ks[1], (2, E), 0, N, jnp.int32)
    inp['e'] = jax.random.normal(ks[2], (E, D), jnp.float32) * 0.01
    inp['Wn'] = jax.random.normal(ks[3], (D, D), jnp.float32) * s
    inp['bn'] = jax.random.normal(ks[4], (D,), jnp.float32) * s
    inp['We'] = jax.random.normal(ks[5], (D, D), jnp.float32) * s
    inp['be'] = jax.random.normal(ks[6], (D,), jnp.float32) * s
    inp['Wm1'] = jax.random.normal(ks[7], (2 * D, D), jnp.float32) * s
    inp['bm1'] = jnp.zeros((D,), jnp.float32)
    inp['Wu1'] = jax.random.normal(ks[8], (D, D), jnp.float32) * s
    inp['bu1'] = jnp.zeros((D,), jnp.float32)
    inp['g1'] = jnp.ones((D,), jnp.float32)
    inp['bln1'] = jnp.zeros((D,), jnp.float32)
    inp['Wm2'] = jax.random.normal(ks[9], (2 * D, D), jnp.float32) * s
    inp['bm2'] = jnp.zeros((D,), jnp.float32)
    inp['Wu2'] = jax.random.normal(ks[10], (D, D), jnp.float32) * s
    inp['bu2'] = jnp.zeros((D,), jnp.float32)
    inp['g2'] = jnp.ones((D,), jnp.float32)
    inp['bln2'] = jnp.zeros((D,), jnp.float32)
    return inp

def reference(x, adj, e, Wn, bn, We, be, Wm1, bm1, Wu1, bu1, g1, bln1, Wm2, bm2, Wu2, bu2, g2, bln2):
    # PoincareGCN.encode with x_manifold='hyp' (inputs already on the ball)
    h_n = _poincare_linear(x, Wn, bn)
    h_e = _poincare_linear(e, We, be)
    out = _pgnn_layer(h_n, adj, h_e, Wm1, bm1, Wu1, bu1, g1, bln1)
    out = _pgnn_layer(out, adj, h_e, Wm2, bm2, Wu2, bu2, g2, bln2)
    return out

if __name__ == "__main__":
    import jax
    _d = setup_inputs()
    print(jax.jit(kernel)(*tuple(_d.values())))

</pallas_src>

<mosaic_0001>
#map = affine_map<(d0, d1) -> (0, 0)>
#map1 = affine_map<(d0, d1) -> (0)>
module attributes {stable_mosaic.version = 14 : i64} {
  func.func @sc_layer(%arg0: i32, %arg1: i32, %arg2: memref<20000x128xf32, #tpu.memory_space<hbm>>, %arg3: memref<320000x128xf32, #tpu.memory_space<hbm>>, %arg4: memref<160000xi32, #tpu.memory_space<hbm>>, %arg5: memref<160000xi32, #tpu.memory_space<hbm>>, %arg6: memref<20480x128xf32, #tpu.memory_space<hbm>>, %arg7: memref<80xi32, #tpu.memory_space<vmem>>, %arg8: memref<80xi32, #tpu.memory_space<vmem>>, %arg9: memref<80xi32, #tpu.memory_space<vmem>>, %arg10: memref<80x128xf32, #tpu.memory_space<vmem>>, %arg11: memref<80x128xf32, #tpu.memory_space<vmem>>, %arg12: memref<80x128xf32, #tpu.memory_space<vmem>>, %arg13: memref<32x128xf32, #tpu.memory_space<vmem>>, %arg14: memref<10240x128xf32, #tpu.memory_space<vmem_shared>>, %arg15: memref<!tpu.dma_semaphore, #tpu.memory_space<semaphore_mem>>, %arg16: memref<!tpu.dma_semaphore, #tpu.memory_space<semaphore_mem>>, %arg17: memref<!tpu.dma_semaphore, #tpu.memory_space<semaphore_mem>>, %arg18: memref<!tpu.dma_semaphore, #tpu.memory_space<semaphore_mem>>) attributes {dimension_semantics = [#tpu.dimension_semantics<core_parallel>, #tpu.dimension_semantics<subcore_parallel>], iteration_bounds = array<i64: 2, 16>, scalar_prefetch = 0 : i64, scratch_operands = 12 : i64, tpu.core_type = #tpu.core_type<sc_vector_subcore>, window_params = [{transform_indices = #map}, {transform_indices = #map}, {transform_indices = #map1}, {transform_indices = #map1}, {transform_indices = #map}]} {
    %mul3A = arith.constant 640 : i32
    %mul3A_0 = arith.muli %arg1, %mul3A : i32
    %mul3A_1 = arith.constant 10000 : i32
    %mul3A_2 = arith.muli %arg0, %mul3A_1 : i32
    %mul3A_3 = arith.constant 10240 : i32
    %mul3A_4 = arith.muli %arg0, %mul3A_3 : i32
    %mul3A_5 = arith.constant 160000 : i32
    %mul3A_6 = arith.muli %arg0, %mul3A_5 : i32
    %scan3A = arith.constant 0 : i32
    %scan3A_7 = arith.constant 0 : i32
    %scan3A_8 = arith.constant 32 : i32
    %scan3A_9 = arith.addi %scan3A_7, %scan3A_8 : i32
    %scan3A_10 = arith.constant 1 : i32
    scf.for %scan3A_25 = %scan3A_7 to %scan3A_9 step %scan3A_10  : i32 {
      %broadcast_in_dim3A = arith.constant 0.000000e+00 : f32
      %broadcast_in_dim3A_26 = vector.broadcast %broadcast_in_dim3A : f32 to vector<16xf32>
      %swap3A = arith.index_cast %scan3A_25 : i32 to index
      %swap3A_27 = arith.constant 0 : index
      %swap3A_28 = tpu.vector_load %arg13[%swap3A, %swap3A_27] {strides = array<i32>} : memref<32x128xf32, #tpu.memory_space<vmem>>, vector<1x16xf32>,
      %swap3A_29 = vector.shape_cast %swap3A_28 : vector<1x16xf32> to vector<16xf32>
      %swap3A_30 = vector.shape_cast %broadcast_in_dim3A_26 : vector<16xf32> to vector<1x16xf32>
      tpu.vector_store %arg13[%swap3A, %swap3A_27], %swap3A_30 {strides = array<i32>} : memref<32x128xf32, #tpu.memory_space<vmem>>, vector<1x16xf32>,
      %broadcast_in_dim3A_31 = arith.constant 0.000000e+00 : f32
      %broadcast_in_dim3A_32 = vector.broadcast %broadcast_in_dim3A_31 : f32 to vector<16xf32>
      %swap3A_33 = arith.index_cast %scan3A_25 : i32 to index
      %swap3A_34 = arith.constant 16 : index
      %swap3A_35 = tpu.vector_load %arg13[%swap3A_33, %swap3A_34] {strides = array<i32>} : memref<32x128xf32, #tpu.memory_space<vmem>>, vector<1x16xf32>,
      %swap3A_36 = vector.shape_cast %swap3A_35 : vector<1x16xf32> to vector<16xf32>
      %swap3A_37 = vector.shape_cast %broadcast_in_dim3A_32 : vector<16xf32> to vector<1x16xf32>
      tpu.vector_store %arg13[%swap3A_33, %swap3A_34], %swap3A_37 {strides = array<i32>} : memref<32x128xf32, #tpu.memory_space<vmem>>, vector<1x16xf32>,
      %broadcast_in_dim3A_38 = arith.constant 0.000000e+00 : f32
      %broadcast_in_dim3A_39 = vector.broadcast %broadcast_in_dim3A_38 : f32 to vector<16xf32>
      %swap3A_40 = arith.index_cast %scan3A_25 : i32 to index
      %swap3A_41 = arith.constant 32 : index
      %swap3A_42 = tpu.vector_load %arg13[%swap3A_40, %swap3A_41] {strides = array<i32>} : memref<32x128xf32, #tpu.memory_space<vmem>>, vector<1x16xf32>,
      %swap3A_43 = vector.shape_cast %swap3A_42 : vector<1x16xf32> to vector<16xf32>
      %swap3A_44 = vector.shape_cast %broadcast_in_dim3A_39 : vector<16xf32> to vector<1x16xf32>
      tpu.vector_store %arg13[%swap3A_40, %swap3A_41], %swap3A_44 {strides = array<i32>} : memref<32x128xf32, #tpu.memory_space<vmem>>, vector<1x16xf32>,
      %broadcast_in_dim3A_45 = arith.constant 0.000000e+00 : f32
      %broadcast_in_dim3A_46 = vector.broadcast %broadcast_in_dim3A_45 : f32 to vector<16xf32>
      %swap3A_47 = arith.index_cast %scan3A_25 : i32 to index
      %swap3A_48 = arith.constant 48 : index
      %swap3A_49 = tpu.vector_load %arg13[%swap3A_47, %swap3A_48] {strides = array<i32>} : memref<32x128xf32, #tpu.memory_space<vmem>>, vector<1x16xf32>,
      %swap3A_50 = vector.shape_cast %swap3A_49 : vector<1x16xf32> to vector<16xf32>
      %swap3A_51 = vector.shape_cast %broadcast_in_dim3A_46 : vector<16xf32> to vector<1x16xf32>
      tpu.vector_store %arg13[%swap3A_47, %swap3A_48], %swap3A_51 {strides = array<i32>} : memref<32x128xf32, #tpu.memory_space<vmem>>, vector<1x16xf32>,
      %broadcast_in_dim3A_52 = arith.constant 0.000000e+00 : f32
      %broadcast_in_dim3A_53 = vector.broadcast %broadcast_in_dim3A_52 : f32 to vector<16xf32>
      %swap3A_54 = arith.index_cast %scan3A_25 : i32 to index
      %swap3A_55 = arith.constant 64 : index
      %swap3A_56 = tpu.vector_load %arg13[%swap3A_54, %swap3A_55] {strides = array<i32>} : memref<32x128xf32, #tpu.memory_space<vmem>>, vector<1x16xf32>,
      %swap3A_57 = vector.shape_cast %swap3A_56 : vector<1x16xf32> to vector<16xf32>
      %swap3A_58 = vector.shape_cast %broadcast_in_dim3A_53 : vector<16xf32> to vector<1x16xf32>
      tpu.vector_store %arg13[%swap3A_54, %swap3A_55], %swap3A_58 {strides = array<i32>} : memref<32x128xf32, #tpu.memory_space<vmem>>, vector<1x16xf32>,
      %broadcast_in_dim3A_59 = arith.constant 0.000000e+00 : f32
      %broadcast_in_dim3A_60 = vector.broadcast %broadcast_in_dim3A_59 : f32 to vector<16xf32>
      %swap3A_61 = arith.index_cast %scan3A_25 : i32 to index
      %swap3A_62 = arith.constant 80 : index
      %swap3A_63 = tpu.vector_load %arg13[%swap3A_61, %swap3A_62] {strides = array<i32>} : memref<32x128xf32, #tpu.memory_space<vmem>>, vector<1x16xf32>,
      %swap3A_64 = vector.shape_cast %swap3A_63 : vector<1x16xf32> to vector<16xf32>
      %swap3A_65 = vector.shape_cast %broadcast_in_dim3A_60 : vector<16xf32> to vector<1x16xf32>
      tpu.vector_store %arg13[%swap3A_61, %swap3A_62], %swap3A_65 {strides = array<i32>} : memref<32x128xf32, #tpu.memory_space<vmem>>, vector<1x16xf32>,
      %broadcast_in_dim3A_66 = arith.constant 0.000000e+00 : f32
      %broadcast_in_dim3A_67 = vector.broadcast %broadcast_in_dim3A_66 : f32 to vector<16xf32>
      %swap3A_68 = arith.index_cast %scan3A_25 : i32 to index
      %swap3A_69 = arith.constant 96 : index
      %swap3A_70 = tpu.vector_load %arg13[%swap3A_68, %swap3A_69] {strides = array<i32>} : memref<32x128xf32, #tpu.memory_space<vmem>>, vector<1x16xf32>,
      %swap3A_71 = vector.shape_cast %swap3A_70 : vector<1x16xf32> to vector<16xf32>
      %swap3A_72 = vector.shape_cast %broadcast_in_dim3A_67 : vector<16xf32> to vector<1x16xf32>
      tpu.vector_store %arg13[%swap3A_68, %swap3A_69], %swap3A_72 {strides = array<i32>} : memref<32x128xf32, #tpu.memory_space<vmem>>, vector<1x16xf32>,
      %broadcast_in_dim3A_73 = arith.constant 0.000000e+00 : f32
      %broadcast_in_dim3A_74 = vector.broadcast %broadcast_in_dim3A_73 : f32 to vector<16xf32>
      %swap3A_75 = arith.index_cast %scan3A_25 : i32 to index
      %swap3A_76 = arith.constant 112 : index
      %swap3A_77 = tpu.vector_load %arg13[%swap3A_75, %swap3A_76] {strides = array<i32>} : memref<32x128xf32, #tpu.memory_space<vmem>>, vector<1x16xf32>,
      %swap3A_78 = vector.shape_cast %swap3A_77 : vector<1x16xf32> to vector<16xf32>
      %swap3A_79 = vector.shape_cast %broadcast_in_dim3A_74 : vector<16xf32> to vector<1x16xf32>
      tpu.vector_store %arg13[%swap3A_75, %swap3A_76], %swap3A_79 {strides = array<i32>} : memref<32x128xf32, #tpu.memory_space<vmem>>, vector<1x16xf32>,
    }
    %scan3A_11 = arith.constant 32 : i32
    %scan3A_12 = arith.constant 0 : i32
    %scan3A_13 = arith.constant 0 : i32
    %scan3A_14 = arith.constant 20 : i32
    %scan3A_15 = arith.addi %scan3A_13, %scan3A_14 : i32
    %scan3A_16 = arith.constant 1 : i32
    scf.for %scan3A_25 = %scan3A_13 to %scan3A_15 step %scan3A_16  : i32 {
      %mul3A_26 = arith.constant 32 : i32
      %mul3A_27 = arith.muli %scan3A_25, %mul3A_26 : i32
      %add3A_28 = arith.addi %mul3A_0, %mul3A_27 : i32
      "tpu.region"() ({
        %run_scoped3A = tpu.sem_alloc : memref<!tpu.dma_semaphore, #tpu.memory_space<semaphore_mem>>
        %dma_start3A = arith.constant 0 : i32
        %dma_start3A_29 = tpu.memref_slice %arg14[%add3A_28, %dma_start3A] : memref<10240x128xf32, #tpu.memory_space<vmem_shared>> -> memref<32x128xf32, #tpu.memory_space<vmem_shared>>
        %dma_start3A_30 = arith.constant 0 : i32
        %dma_start3A_31 = tpu.memref_slice %arg14[%add3A_28, %dma_start3A_30] : memref<10240x128xf32, #tpu.memory_space<vmem_shared>> -> memref<32x128xf32, #tpu.memory_space<vmem_shared>>
        tpu.enqueue_dma source(%arg13 : memref<32x128xf32, #tpu.memory_space<vmem>>) target(%dma_start3A_31 : memref<32x128xf32, #tpu.memory_space<vmem_shared>>) target_semaphore(%run_scoped3A : memref<!tpu.dma_semaphore, #tpu.memory_space<semaphore_mem>>)
        %dma_wait3A = arith.constant 0 : i32
        %dma_wait3A_32 = tpu.memref_slice %arg14[%add3A_28, %dma_wait3A] : memref<10240x128xf32, #tpu.memory_space<vmem_shared>> -> memref<32x128xf32, #tpu.memory_space<vmem_shared>>
        %dma_wait3A_33 = arith.constant 0 : i32
        %dma_wait3A_34 = tpu.memref_slice %arg14[%add3A_28, %dma_wait3A_33] : memref<10240x128xf32, #tpu.memory_space<vmem_shared>> -> memref<32x128xf32, #tpu.memory_space<vmem_shared>>
        tpu.wait_dma2 semaphore(%run_scoped3A : memref<!tpu.dma_semaphore, #tpu.memory_space<semaphore_mem>>) src(%arg13 : memref<32x128xf32, #tpu.memory_space<vmem>>) dst(%dma_wait3A_34 : memref<32x128xf32, #tpu.memory_space<vmem_shared>>)
        tpu.yield
      }) : () -> ()
    }
    %scan3A_17 = arith.constant 20 : i32
    %barrier3A = arith.constant 0 : index
    tpu.barrier barrier_id(%barrier3A)
    %scan3A_18 = arith.constant 0 : i32
    %scan3A_19 = arith.constant 0 : i32
    %scan3A_20 = arith.constant 125 : i32
    %scan3A_21 = arith.addi %scan3A_19, %scan3A_20 : i32
    %scan3A_22 = arith.constant 1 : i32
    scf.for %scan3A_25 = %scan3A_19 to %scan3A_21 step %scan3A_22  : i32 {
      %mul3A_26 = arith.constant 10000 : i32
      %mul3A_27 = arith.muli %arg1, %mul3A_26 : i32
      %mul3A_28 = arith.constant 80 : i32
      %mul3A_29 = arith.muli %scan3A_25, %mul3A_28 : i32
      %add3A_30 = arith.addi %mul3A_27, %mul3A_29 : i32
      %add3A_31 = arith.addi %mul3A_6, %add3A_30 : i32
      %dma_start3A = arith.constant 0 : i32
      %dma_start3A_32 = tpu.memref_slice %arg3[%add3A_31, %dma_start3A] : memref<320000x128xf32, #tpu.memory_space<hbm>> -> memref<80x128xf32, #tpu.memory_space<hbm>>
      %dma_start3A_33 = arith.constant 0 : i32
      %dma_start3A_34 = tpu.memref_slice %arg3[%add3A_31, %dma_start3A_33] : memref<320000x128xf32, #tpu.memory_space<hbm>> -> memref<80x128xf32, #tpu.memory_space<hbm>>
      tpu.enqueue_dma source(%dma_start3A_34 : memref<80x128xf32, #tpu.memory_space<hbm>>) target(%arg11 : memref<80x128xf32, #tpu.memory_space<vmem>>) target_semaphore(%arg17 : memref<!tpu.dma_semaphore, #tpu.memory_space<semaphore_mem>>)
      %dma_start3A_35 = tpu.memref_slice %arg5[%add3A_30] : memref<160000xi32, #tpu.memory_space<hbm>> -> memref<80xi32, #tpu.memory_space<hbm>>
      %dma_start3A_36 = tpu.memref_slice %arg5[%add3A_30] : memref<160000xi32, #tpu.memory_space<hbm>> -> memref<80xi32, #tpu.memory_space<hbm>>
      tpu.enqueue_dma source(%dma_start3A_36 : memref<80xi32, #tpu.memory_space<hbm>>) target(%arg8 : memref<80xi32, #tpu.memory_space<vmem>>) target_semaphore(%arg16 : memref<!tpu.dma_semaphore, #tpu.memory_space<semaphore_mem>>)
      %dma_start3A_37 = tpu.memref_slice %arg4[%add3A_30] : memref<160000xi32, #tpu.memory_space<hbm>> -> memref<80xi32, #tpu.memory_space<hbm>>
      %dma_start3A_38 = tpu.memref_slice %arg4[%add3A_30] : memref<160000xi32, #tpu.memory_space<hbm>> -> memref<80xi32, #tpu.memory_space<hbm>>
      tpu.enqueue_dma source(%dma_start3A_38 : memref<80xi32, #tpu.memory_space<hbm>>) target(%arg7 : memref<80xi32, #tpu.memory_space<vmem>>) target_semaphore(%arg15 : memref<!tpu.dma_semaphore, #tpu.memory_space<semaphore_mem>>)
      %dma_wait3A = tpu.memref_slice %arg4[%add3A_30] : memref<160000xi32, #tpu.memory_space<hbm>> -> memref<80xi32, #tpu.memory_space<hbm>>
      %dma_wait3A_39 = tpu.memref_slice %arg4[%add3A_30] : memref<160000xi32, #tpu.memory_space<hbm>> -> memref<80xi32, #tpu.memory_space<hbm>>
      tpu.wait_dma2 semaphore(%arg15 : memref<!tpu.dma_semaphore, #tpu.memory_space<semaphore_mem>>) src(%dma_wait3A_39 : memref<80xi32, #tpu.memory_space<hbm>>) dst(%arg7 : memref<80xi32, #tpu.memory_space<vmem>>)
      %get3A = arith.constant 0 : index
      %get3A_40 = tpu.vector_load %arg7[%get3A] {strides = array<i32>} : memref<80xi32, #tpu.memory_space<vmem>>, vector<16xi32>,
      %get3A_41 = vector.shape_cast %get3A_40 : vector<16xi32> to vector<16xi32>
      %add3A_42 = vector.broadcast %mul3A_2 : i32 to vector<16xi32>
      %add3A_43 = arith.addi %get3A_41, %add3A_42 : vector<16xi32>
      %swap3A = arith.constant 0 : index
      %swap3A_44 = tpu.vector_load %arg9[%swap3A] {strides = array<i32>} : memref<80xi32, #tpu.memory_space<vmem>>, vector<16xi32>,
      %swap3A_45 = vector.shape_cast %swap3A_44 : vector<16xi32> to vector<16xi32>
      %swap3A_46 = vector.shape_cast %add3A_43 : vector<16xi32> to vector<16xi32>
      tpu.vector_store %arg9[%swap3A], %swap3A_46 {strides = array<i32>} : memref<80xi32, #tpu.memory_space<vmem>>, vector<16xi32>,
      %get3A_47 = arith.constant 16 : index
      %get3A_48 = tpu.vector_load %arg7[%get3A_47] {strides = array<i32>} : memref<80xi32, #tpu.memory_space<vmem>>, vector<16xi32>,
      %get3A_49 = vector.shape_cast %get3A_48 : vector<16xi32> to vector<16xi32>
      %add3A_50 = vector.broadcast %mul3A_2 : i32 to vector<16xi32>
      %add3A_51 = arith.addi %get3A_49, %add3A_50 : vector<16xi32>
      %swap3A_52 = arith.constant 16 : index
      %swap3A_53 = tpu.vector_load %arg9[%swap3A_52] {strides = array<i32>} : memref<80xi32, #tpu.memory_space<vmem>>, vector<16xi32>,
      %swap3A_54 = vector.shape_cast %swap3A_53 : vector<16xi32> to vector<16xi32>
      %swap3A_55 = vector.shape_cast %add3A_51 : vector<16xi32> to vector<16xi32>
      tpu.vector_store %arg9[%swap3A_52], %swap3A_55 {strides = array<i32>} : memref<80xi32, #tpu.memory_space<vmem>>, vector<16xi32>,
      %get3A_56 = arith.constant 32 : index
      %get3A_57 = tpu.vector_load %arg7[%get3A_56] {strides = array<i32>} : memref<80xi32, #tpu.memory_space<vmem>>, vector<16xi32>,
      %get3A_58 = vector.shape_cast %get3A_57 : vector<16xi32> to vector<16xi32>
      %add3A_59 = vector.broadcast %mul3A_2 : i32 to vector<16xi32>
      %add3A_60 = arith.addi %get3A_58, %add3A_59 : vector<16xi32>
      %swap3A_61 = arith.constant 32 : index
      %swap3A_62 = tpu.vector_load %arg9[%swap3A_61] {strides = array<i32>} : memref<80xi32, #tpu.memory_space<vmem>>, vector<16xi32>,
      %swap3A_63 = vector.shape_cast %swap3A_62 : vector<16xi32> to vector<16xi32>
      %swap3A_64 = vector.shape_cast %add3A_60 : vector<16xi32> to vector<16xi32>
      tpu.vector_store %arg9[%swap3A_61], %swap3A_64 {strides = array<i32>} : memref<80xi32, #tpu.memory_space<vmem>>, vector<16xi32>,
      %get3A_65 = arith.constant 48 : index
      %get3A_66 = tpu.vector_load %arg7[%get3A_65] {strides = array<i32>} : memref<80xi32, #tpu.memory_space<vmem>>, vector<16xi32>,
      %get3A_67 = vector.shape_cast %get3A_66 : vector<16xi32> to vector<16xi32>
      %add3A_68 = vector.broadcast %mul3A_2 : i32 to vector<16xi32>
      %add3A_69 = arith.addi %get3A_67, %add3A_68 : vector<16xi32>
      %swap3A_70 = arith.constant 48 : index
      %swap3A_71 = tpu.vector_load %arg9[%swap3A_70] {strides = array<i32>} : memref<80xi32, #tpu.memory_space<vmem>>, vector<16xi32>,
      %swap3A_72 = vector.shape_cast %swap3A_71 : vector<16xi32> to vector<16xi32>
      %swap3A_73 = vector.shape_cast %add3A_69 : vector<16xi32> to vector<16xi32>
      tpu.vector_store %arg9[%swap3A_70], %swap3A_73 {strides = array<i32>} : memref<80xi32, #tpu.memory_space<vmem>>, vector<16xi32>,
      %get3A_74 = arith.constant 64 : index
      %get3A_75 = tpu.vector_load %arg7[%get3A_74] {strides = array<i32>} : memref<80xi32, #tpu.memory_space<vmem>>, vector<16xi32>,
      %get3A_76 = vector.shape_cast %get3A_75 : vector<16xi32> to vector<16xi32>
      %add3A_77 = vector.broadcast %mul3A_2 : i32 to vector<16xi32>
      %add3A_78 = arith.addi %get3A_76, %add3A_77 : vector<16xi32>
      %swap3A_79 = arith.constant 64 : index
      %swap3A_80 = tpu.vector_load %arg9[%swap3A_79] {strides = array<i32>} : memref<80xi32, #tpu.memory_space<vmem>>, vector<16xi32>,
      %swap3A_81 = vector.shape_cast %swap3A_80 : vector<16xi32> to vector<16xi32>
      %swap3A_82 = vector.shape_cast %add3A_78 : vector<16xi32> to vector<16xi32>
      tpu.vector_store %arg9[%swap3A_79], %swap3A_82 {strides = array<i32>} : memref<80xi32, #tpu.memory_space<vmem>>, vector<16xi32>,
      %dma_start3A_83 = arith.constant 0 : i32
      %dma_start3A_84 = arith.constant 0 : i32
      %dma_start3A_85 = tpu.memref_slice %arg2[%dma_start3A_83, %dma_start3A_84] : memref<20000x128xf32, #tpu.memory_space<hbm>> -> memref<20000x128xf32, #tpu.memory_space<hbm>>
      tpu.enqueue_indirect_dma source(%dma_start3A_85 : memref<20000x128xf32, #tpu.memory_space<hbm>>) target(%arg10 : memref<80x128xf32, #tpu.memory_space<vmem>>) offsets(%arg9 : memref<80xi32, #tpu.memory_space<vmem>>) semaphore(%arg18 : memref<!tpu.dma_semaphore, #tpu.memory_space<semaphore_mem>>)
      %dma_wait3A_86 = arith.constant 0 : i32
      %dma_wait3A_87 = arith.constant 0 : i32
      %dma_wait3A_88 = tpu.memref_slice %arg2[%dma_wait3A_86, %dma_wait3A_87] : memref<20000x128xf32, #tpu.memory_space<hbm>> -> memref<20000x128xf32, #tpu.memory_space<hbm>>
      tpu.wait_indirect_dma semaphore(%arg18 : memref<!tpu.dma_semaphore, #tpu.memory_space<semaphore_mem>>) src(%dma_wait3A_88 : memref<20000x128xf32, #tpu.memory_space<hbm>>) dst(%arg10 : memref<80x128xf32, #tpu.memory_space<vmem>>)
      %dma_wait3A_89 = arith.constant 0 : i32
      %dma_wait3A_90 = tpu.memref_slice %arg3[%add3A_31, %dma_wait3A_89] : memref<320000x128xf32, #tpu.memory_space<hbm>> -> memref<80x128xf32, #tpu.memory_space<hbm>>
      %dma_wait3A_91 = arith.constant 0 : i32
      %dma_wait3A_92 = tpu.memref_slice %arg3[%add3A_31, %dma_wait3A_91] : memref<320000x128xf32, #tpu.memory_space<hbm>> -> memref<80x128xf32, #tpu.memory_space<hbm>>
      tpu.wait_dma2 semaphore(%arg17 : memref<!tpu.dma_semaphore, #tpu.memory_space<semaphore_mem>>) src(%dma_wait3A_92 : memref<80x128xf32, #tpu.memory_space<hbm>>) dst(%arg11 : memref<80x128xf32, #tpu.memory_space<vmem>>)
      %scan3A_93 = arith.constant 0 : i32
      %scan3A_94 = arith.constant 0 : i32
      %scan3A_95 = arith.constant 80 : i32
      %scan3A_96 = arith.addi %scan3A_94, %scan3A_95 : i32
      %scan3A_97 = arith.constant 1 : i32
      scf.for %scan3A_101 = %scan3A_94 to %scan3A_96 step %scan3A_97  : i32 {
        %get3A_102 = arith.index_cast %scan3A_101 : i32 to index
        %get3A_103 = arith.constant 0 : index
        %get3A_104 = tpu.vector_load %arg10[%get3A_102, %get3A_103] {strides = array<i32>} : memref<80x128xf32, #tpu.memory_space<vmem>>, vector<1x16xf32>,
        %get3A_105 = vector.shape_cast %get3A_104 : vector<1x16xf32> to vector<16xf32>
        %get3A_106 = arith.index_cast %scan3A_101 : i32 to index
        %get3A_107 = arith.constant 0 : index
        %get3A_108 = tpu.vector_load %arg11[%get3A_106, %get3A_107] {strides = array<i32>} : memref<80x128xf32, #tpu.memory_space<vmem>>, vector<1x16xf32>,
        %get3A_109 = vector.shape_cast %get3A_108 : vector<1x16xf32> to vector<16xf32>
        %add3A_110 = arith.addf %get3A_105, %get3A_109 : vector<16xf32>
        %max3A = arith.constant 0.000000e+00 : f32
        %max3A_111 = vector.broadcast %max3A : f32 to vector<16xf32>
        %max3A_112 = arith.maximumf %add3A_110, %max3A_111 : vector<16xf32>
        %swap3A_113 = arith.index_cast %scan3A_101 : i32 to index
        %swap3A_114 = arith.constant 0 : index
        %swap3A_115 = tpu.vector_load %arg12[%swap3A_113, %swap3A_114] {strides = array<i32>} : memref<80x128xf32, #tpu.memory_space<vmem>>, vector<1x16xf32>,
        %swap3A_116 = vector.shape_cast %swap3A_115 : vector<1x16xf32> to vector<16xf32>
        %swap3A_117 = vector.shape_cast %max3A_112 : vector<16xf32> to vector<1x16xf32>
        tpu.vector_store %arg12[%swap3A_113, %swap3A_114], %swap3A_117 {strides = array<i32>} : memref<80x128xf32, #tpu.memory_space<vmem>>, vector<1x16xf32>,
        %get3A_118 = arith.index_cast %scan3A_101 : i32 to index
        %get3A_119 = arith.constant 16 : index
        %get3A_120 = tpu.vector_load %arg10[%get3A_118, %get3A_119] {strides = array<i32>} : memref<80x128xf32, #tpu.memory_space<vmem>>, vector<1x16xf32>,
        %get3A_121 = vector.shape_cast %get3A_120 : vector<1x16xf32> to vector<16xf32>
        %get3A_122 = arith.index_cast %scan3A_101 : i32 to index
        %get3A_123 = arith.constant 16 : index
        %get3A_124 = tpu.vector_load %arg11[%get3A_122, %get3A_123] {strides = array<i32>} : memref<80x128xf32, #tpu.memory_space<vmem>>, vector<1x16xf32>,
        %get3A_125 = vector.shape_cast %get3A_124 : vector<1x16xf32> to vector<16xf32>
        %add3A_126 = arith.addf %get3A_121, %get3A_125 : vector<16xf32>
        %max3A_127 = arith.constant 0.000000e+00 : f32
        %max3A_128 = vector.broadcast %max3A_127 : f32 to vector<16xf32>
        %max3A_129 = arith.maximumf %add3A_126, %max3A_128 : vector<16xf32>
        %swap3A_130 = arith.index_cast %scan3A_101 : i32 to index
        %swap3A_131 = arith.constant 16 : index
        %swap3A_132 = tpu.vector_load %arg12[%swap3A_130, %swap3A_131] {strides = array<i32>} : memref<80x128xf32, #tpu.memory_space<vmem>>, vector<1x16xf32>,
        %swap3A_133 = vector.shape_cast %swap3A_132 : vector<1x16xf32> to vector<16xf32>
        %swap3A_134 = vector.shape_cast %max3A_129 : vector<16xf32> to vector<1x16xf32>
        tpu.vector_store %arg12[%swap3A_130, %swap3A_131], %swap3A_134 {strides = array<i32>} : memref<80x128xf32, #tpu.memory_space<vmem>>, vector<1x16xf32>,
        %get3A_135 = arith.index_cast %scan3A_101 : i32 to index
        %get3A_136 = arith.constant 32 : index
        %get3A_137 = tpu.vector_load %arg10[%get3A_135, %get3A_136] {strides = array<i32>} : memref<80x128xf32, #tpu.memory_space<vmem>>, vector<1x16xf32>,
        %get3A_138 = vector.shape_cast %get3A_137 : vector<1x16xf32> to vector<16xf32>
        %get3A_139 = arith.index_cast %scan3A_101 : i32 to index
        %get3A_140 = arith.constant 32 : index
        %get3A_141 = tpu.vector_load %arg11[%get3A_139, %get3A_140] {strides = array<i32>} : memref<80x128xf32, #tpu.memory_space<vmem>>, vector<1x16xf32>,
        %get3A_142 = vector.shape_cast %get3A_141 : vector<1x16xf32> to vector<16xf32>
        %add3A_143 = arith.addf %get3A_138, %get3A_142 : vector<16xf32>
        %max3A_144 = arith.constant 0.000000e+00 : f32
        %max3A_145 = vector.broadcast %max3A_144 : f32 to vector<16xf32>
        %max3A_146 = arith.maximumf %add3A_143, %max3A_145 : vector<16xf32>
        %swap3A_147 = arith.index_cast %scan3A_101 : i32 to index
        %swap3A_148 = arith.constant 32 : index
        %swap3A_149 = tpu.vector_load %arg12[%swap3A_147, %swap3A_148] {strides = array<i32>} : memref<80x128xf32, #tpu.memory_space<vmem>>, vector<1x16xf32>,
        %swap3A_150 = vector.shape_cast %swap3A_149 : vector<1x16xf32> to vector<16xf32>
        %swap3A_151 = vector.shape_cast %max3A_146 : vector<16xf32> to vector<1x16xf32>
        tpu.vector_store %arg12[%swap3A_147, %swap3A_148], %swap3A_151 {strides = array<i32>} : memref<80x128xf32, #tpu.memory_space<vmem>>, vector<1x16xf32>,
        %get3A_152 = arith.index_cast %scan3A_101 : i32 to index
        %get3A_153 = arith.constant 48 : index
        %get3A_154 = tpu.vector_load %arg10[%get3A_152, %get3A_153] {strides = array<i32>} : memref<80x128xf32, #tpu.memory_space<vmem>>, vector<1x16xf32>,
        %get3A_155 = vector.shape_cast %get3A_154 : vector<1x16xf32> to vector<16xf32>
        %get3A_156 = arith.index_cast %scan3A_101 : i32 to index
        %get3A_157 = arith.constant 48 : index
        %get3A_158 = tpu.vector_load %arg11[%get3A_156, %get3A_157] {strides = array<i32>} : memref<80x128xf32, #tpu.memory_space<vmem>>, vector<1x16xf32>,
        %get3A_159 = vector.shape_cast %get3A_158 : vector<1x16xf32> to vector<16xf32>
        %add3A_160 = arith.addf %get3A_155, %get3A_159 : vector<16xf32>
        %max3A_161 = arith.constant 0.000000e+00 : f32
        %max3A_162 = vector.broadcast %max3A_161 : f32 to vector<16xf32>
        %max3A_163 = arith.maximumf %add3A_160, %max3A_162 : vector<16xf32>
        %swap3A_164 = arith.index_cast %scan3A_101 : i32 to index
        %swap3A_165 = arith.constant 48 : index
        %swap3A_166 = tpu.vector_load %arg12[%swap3A_164, %swap3A_165] {strides = array<i32>} : memref<80x128xf32, #tpu.memory_space<vmem>>, vector<1x16xf32>,
        %swap3A_167 = vector.shape_cast %swap3A_166 : vector<1x16xf32> to vector<16xf32>
        %swap3A_168 = vector.shape_cast %max3A_163 : vector<16xf32> to vector<1x16xf32>
        tpu.vector_store %arg12[%swap3A_164, %swap3A_165], %swap3A_168 {strides = array<i32>} : memref<80x128xf32, #tpu.memory_space<vmem>>, vector<1x16xf32>,
        %get3A_169 = arith.index_cast %scan3A_101 : i32 to index
        %get3A_170 = arith.constant 64 : index
        %get3A_171 = tpu.vector_load %arg10[%get3A_169, %get3A_170] {strides = array<i32>} : memref<80x128xf32, #tpu.memory_space<vmem>>, vector<1x16xf32>,
        %get3A_172 = vector.shape_cast %get3A_171 : vector<1x16xf32> to vector<16xf32>
        %get3A_173 = arith.index_cast %scan3A_101 : i32 to index
        %get3A_174 = arith.constant 64 : index
        %get3A_175 = tpu.vector_load %arg11[%get3A_173, %get3A_174] {strides = array<i32>} : memref<80x128xf32, #tpu.memory_space<vmem>>, vector<1x16xf32>,
        %get3A_176 = vector.shape_cast %get3A_175 : vector<1x16xf32> to vector<16xf32>
        %add3A_177 = arith.addf %get3A_172, %get3A_176 : vector<16xf32>
        %max3A_178 = arith.constant 0.000000e+00 : f32
        %max3A_179 = vector.broadcast %max3A_178 : f32 to vector<16xf32>
        %max3A_180 = arith.maximumf %add3A_177, %max3A_179 : vector<16xf32>
        %swap3A_181 = arith.index_cast %scan3A_101 : i32 to index
        %swap3A_182 = arith.constant 64 : index
        %swap3A_183 = tpu.vector_load %arg12[%swap3A_181, %swap3A_182] {strides = array<i32>} : memref<80x128xf32, #tpu.memory_space<vmem>>, vector<1x16xf32>,
        %swap3A_184 = vector.shape_cast %swap3A_183 : vector<1x16xf32> to vector<16xf32>
        %swap3A_185 = vector.shape_cast %max3A_180 : vector<16xf32> to vector<1x16xf32>
        tpu.vector_store %arg12[%swap3A_181, %swap3A_182], %swap3A_185 {strides = array<i32>} : memref<80x128xf32, #tpu.memory_space<vmem>>, vector<1x16xf32>,
        %get3A_186 = arith.index_cast %scan3A_101 : i32 to index
        %get3A_187 = arith.constant 80 : index
        %get3A_188 = tpu.vector_load %arg10[%get3A_186, %get3A_187] {strides = array<i32>} : memref<80x128xf32, #tpu.memory_space<vmem>>, vector<1x16xf32>,
        %get3A_189 = vector.shape_cast %get3A_188 : vector<1x16xf32> to vector<16xf32>
        %get3A_190 = arith.index_cast %scan3A_101 : i32 to index
        %get3A_191 = arith.constant 80 : index
        %get3A_192 = tpu.vector_load %arg11[%get3A_190, %get3A_191] {strides = array<i32>} : memref<80x128xf32, #tpu.memory_space<vmem>>, vector<1x16xf32>,
        %get3A_193 = vector.shape_cast %get3A_192 : vector<1x16xf32> to vector<16xf32>
        %add3A_194 = arith.addf %get3A_189, %get3A_193 : vector<16xf32>
        %max3A_195 = arith.constant 0.000000e+00 : f32
        %max3A_196 = vector.broadcast %max3A_195 : f32 to vector<16xf32>
        %max3A_197 = arith.maximumf %add3A_194, %max3A_196 : vector<16xf32>
        %swap3A_198 = arith.index_cast %scan3A_101 : i32 to index
        %swap3A_199 = arith.constant 80 : index
        %swap3A_200 = tpu.vector_load %arg12[%swap3A_198, %swap3A_199] {strides = array<i32>} : memref<80x128xf32, #tpu.memory_space<vmem>>, vector<1x16xf32>,
        %swap3A_201 = vector.shape_cast %swap3A_200 : vector<1x16xf32> to vector<16xf32>
        %swap3A_202 = vector.shape_cast %max3A_197 : vector<16xf32> to vector<1x16xf32>
        tpu.vector_store %arg12[%swap3A_198, %swap3A_199], %swap3A_202 {strides = array<i32>} : memref<80x128xf32, #tpu.memory_space<vmem>>, vector<1x16xf32>,
        %get3A_203 = arith.index_cast %scan3A_101 : i32 to index
        %get3A_204 = arith.constant 96 : index
        %get3A_205 = tpu.vector_load %arg10[%get3A_203, %get3A_204] {strides = array<i32>} : memref<80x128xf32, #tpu.memory_space<vmem>>, vector<1x16xf32>,
        %get3A_206 = vector.shape_cast %get3A_205 : vector<1x16xf32> to vector<16xf32>
        %get3A_207 = arith.index_cast %scan3A_101 : i32 to index
        %get3A_208 = arith.constant 96 : index
        %get3A_209 = tpu.vector_load %arg11[%get3A_207, %get3A_208] {strides = array<i32>} : memref<80x128xf32, #tpu.memory_space<vmem>>, vector<1x16xf32>,
        %get3A_210 = vector.shape_cast %get3A_209 : vector<1x16xf32> to vector<16xf32>
        %add3A_211 = arith.addf %get3A_206, %get3A_210 : vector<16xf32>
        %max3A_212 = arith.constant 0.000000e+00 : f32
        %max3A_213 = vector.broadcast %max3A_212 : f32 to vector<16xf32>
        %max3A_214 = arith.maximumf %add3A_211, %max3A_213 : vector<16xf32>
        %swap3A_215 = arith.index_cast %scan3A_101 : i32 to index
        %swap3A_216 = arith.constant 96 : index
        %swap3A_217 = tpu.vector_load %arg12[%swap3A_215, %swap3A_216] {strides = array<i32>} : memref<80x128xf32, #tpu.memory_space<vmem>>, vector<1x16xf32>,
        %swap3A_218 = vector.shape_cast %swap3A_217 : vector<1x16xf32> to vector<16xf32>
        %swap3A_219 = vector.shape_cast %max3A_214 : vector<16xf32> to vector<1x16xf32>
        tpu.vector_store %arg12[%swap3A_215, %swap3A_216], %swap3A_219 {strides = array<i32>} : memref<80x128xf32, #tpu.memory_space<vmem>>, vector<1x16xf32>,
        %get3A_220 = arith.index_cast %scan3A_101 : i32 to index
        %get3A_221 = arith.constant 112 : index
        %get3A_222 = tpu.vector_load %arg10[%get3A_220, %get3A_221] {strides = array<i32>} : memref<80x128xf32, #tpu.memory_space<vmem>>, vector<1x16xf32>,
        %get3A_223 = vector.shape_cast %get3A_222 : vector<1x16xf32> to vector<16xf32>
        %get3A_224 = arith.index_cast %scan3A_101 : i32 to index
        %get3A_225 = arith.constant 112 : index
        %get3A_226 = tpu.vector_load %arg11[%get3A_224, %get3A_225] {strides = array<i32>} : memref<80x128xf32, #tpu.memory_space<vmem>>, vector<1x16xf32>,
        %get3A_227 = vector.shape_cast %get3A_226 : vector<1x16xf32> to vector<16xf32>
        %add3A_228 = arith.addf %get3A_223, %get3A_227 : vector<16xf32>
        %max3A_229 = arith.constant 0.000000e+00 : f32
        %max3A_230 = vector.broadcast %max3A_229 : f32 to vector<16xf32>
        %max3A_231 = arith.maximumf %add3A_228, %max3A_230 : vector<16xf32>
        %swap3A_232 = arith.index_cast %scan3A_101 : i32 to index
        %swap3A_233 = arith.constant 112 : index
        %swap3A_234 = tpu.vector_load %arg12[%swap3A_232, %swap3A_233] {strides = array<i32>} : memref<80x128xf32, #tpu.memory_space<vmem>>, vector<1x16xf32>,
        %swap3A_235 = vector.shape_cast %swap3A_234 : vector<1x16xf32> to vector<16xf32>
        %swap3A_236 = vector.shape_cast %max3A_231 : vector<16xf32> to vector<1x16xf32>
        tpu.vector_store %arg12[%swap3A_232, %swap3A_233], %swap3A_236 {strides = array<i32>} : memref<80x128xf32, #tpu.memory_space<vmem>>, vector<1x16xf32>,
      }
      %scan3A_98 = arith.constant 80 : i32
      %dma_wait3A_99 = tpu.memref_slice %arg5[%add3A_30] : memref<160000xi32, #tpu.memory_space<hbm>> -> memref<80xi32, #tpu.memory_space<hbm>>
      %dma_wait3A_100 = tpu.memref_slice %arg5[%add3A_30] : memref<160000xi32, #tpu.memory_space<hbm>> -> memref<80xi32, #tpu.memory_space<hbm>>
      tpu.wait_dma2 semaphore(%arg16 : memref<!tpu.dma_semaphore, #tpu.memory_space<semaphore_mem>>) src(%dma_wait3A_100 : memref<80xi32, #tpu.memory_space<hbm>>) dst(%arg8 : memref<80xi32, #tpu.memory_space<vmem>>)
      "tpu.region"() ({
        %run_scoped3A = tpu.sem_alloc : memref<!tpu.dma_semaphore, #tpu.memory_space<semaphore_mem>>
        %dma_start3A_101 = arith.constant 0 : i32
        %dma_start3A_102 = arith.constant 0 : i32
        %dma_start3A_103 = tpu.memref_slice %arg14[%dma_start3A_101, %dma_start3A_102] : memref<10240x128xf32, #tpu.memory_space<vmem_shared>> -> memref<10240x128xf32, #tpu.memory_space<vmem_shared>>
        tpu.enqueue_indirect_dma source(%arg12 : memref<80x128xf32, #tpu.memory_space<vmem>>) target(%dma_start3A_103 : memref<10240x128xf32, #tpu.memory_space<vmem_shared>>) offsets(%arg8 : memref<80xi32, #tpu.memory_space<vmem>>) semaphore(%run_scoped3A : memref<!tpu.dma_semaphore, #tpu.memory_space<semaphore_mem>>) {add = true}
        %dma_wait3A_104 = arith.constant 0 : i32
        %dma_wait3A_105 = arith.constant 0 : i32
        %dma_wait3A_106 = tpu.memref_slice %arg14[%dma_wait3A_104, %dma_wait3A_105] : memref<10240x128xf32, #tpu.memory_space<vmem_shared>> -> memref<10240x128xf32, #tpu.memory_space<vmem_shared>>
        tpu.wait_indirect_dma semaphore(%run_scoped3A : memref<!tpu.dma_semaphore, #tpu.memory_space<semaphore_mem>>) src(%arg12 : memref<80x128xf32, #tpu.memory_space<vmem>>) dst(%dma_wait3A_106 : memref<10240x128xf32, #tpu.memory_space<vmem_shared>>)
        tpu.yield
      }) : () -> ()
    }
    %scan3A_23 = arith.constant 125 : i32
    %barrier3A_24 = arith.constant 0 : index
    tpu.barrier barrier_id(%barrier3A_24)
    %add3A = arith.addi %mul3A_4, %mul3A_0 : i32
    "tpu.region"() ({
      %run_scoped3A = tpu.sem_alloc : memref<!tpu.dma_semaphore, #tpu.memory_space<semaphore_mem>>
      %dma_start3A = arith.constant 0 : i32
      %dma_start3A_25 = tpu.memref_slice %arg6[%add3A, %dma_start3A] : memref<20480x128xf32, #tpu.memory_space<hbm>> -> memref<640x128xf32, #tpu.memory_space<hbm>>
      %dma_start3A_26 = arith.constant 0 : i32
      %dma_start3A_27 = tpu.memref_slice %arg14[%mul3A_0, %dma_start3A_26] : memref<10240x128xf32, #tpu.memory_space<vmem_shared>> -> memref<640x128xf32, #tpu.memory_space<vmem_shared>>
      tpu.enqueue_dma source(%dma_start3A_27 : memref<640x128xf32, #tpu.memory_space<vmem_shared>>) target(%dma_start3A_25 : memref<640x128xf32, #tpu.memory_space<hbm>>) target_semaphore(%run_scoped3A : memref<!tpu.dma_semaphore, #tpu.memory_space<semaphore_mem>>)
      %dma_wait3A = arith.constant 0 : i32
      %dma_wait3A_28 = tpu.memref_slice %arg6[%add3A, %dma_wait3A] : memref<20480x128xf32, #tpu.memory_space<hbm>> -> memref<640x128xf32, #tpu.memory_space<hbm>>
      %dma_wait3A_29 = arith.constant 0 : i32
      %dma_wait3A_30 = tpu.memref_slice %arg14[%mul3A_0, %dma_wait3A_29] : memref<10240x128xf32, #tpu.memory_space<vmem_shared>> -> memref<640x128xf32, #tpu.memory_space<vmem_shared>>
      tpu.wait_dma2 semaphore(%run_scoped3A : memref<!tpu.dma_semaphore, #tpu.memory_space<semaphore_mem>>) src(%dma_wait3A_30 : memref<640x128xf32, #tpu.memory_space<vmem_shared>>) dst(%dma_wait3A_28 : memref<640x128xf32, #tpu.memory_space<hbm>>)
      tpu.yield
    }) : () -> ()
    return
  }
}

#map = affine_map<(d0, d1) -> (0, 0)>
#map1 = affine_map<(d0, d1) -> (0)>
module attributes {stable_mosaic.version = 14 : i64} {
  func.func @sc_layer(%arg0: i32, %arg1: i32, %arg2: memref<20000x128xf32, #tpu.memory_space<hbm>>, %arg3: memref<320000x128xf32, #tpu.memory_space<hbm>>, %arg4: memref<160000xi32, #tpu.memory_space<hbm>>, %arg5: memref<160000xi32, #tpu.memory_space<hbm>>, %arg6: memref<20480x128xf32, #tpu.memory_space<hbm>>, %arg7: memref<20480x128xf32, #tpu.memory_space<hbm>>, %arg8: memref<80xi32, #tpu.memory_space<vmem>>, %arg9: memref<80xi32, #tpu.memory_space<vmem>>, %arg10: memref<80xi32, #tpu.memory_space<vmem>>, %arg11: memref<80x128xf32, #tpu.memory_space<vmem>>, %arg12: memref<80x128xf32, #tpu.memory_space<vmem>>, %arg13: memref<80x128xf32, #tpu.memory_space<vmem>>, %arg14: memref<32x128xf32, #tpu.memory_space<vmem>>, %arg15: memref<10240x128xf32, #tpu.memory_space<vmem_shared>>, %arg16: memref<!tpu.dma_semaphore, #tpu.memory_space<semaphore_mem>>, %arg17: memref<!tpu.dma_semaphore, #tpu.memory_space<semaphore_mem>>, %arg18: memref<!tpu.dma_semaphore, #tpu.memory_space<semaphore_mem>>, %arg19: memref<!tpu.dma_semaphore, #tpu.memory_space<semaphore_mem>>, %arg20: memref<40xi32, #tpu.memory_space<vmem>>, %arg21: memref<40x128xf32, #tpu.memory_space<vmem>>) attributes {dimension_semantics = [#tpu.dimension_semantics<core_parallel>, #tpu.dimension_semantics<subcore_parallel>], iteration_bounds = array<i64: 2, 16>, scalar_prefetch = 0 : i64, scratch_operands = 14 : i64, tpu.core_type = #tpu.core_type<sc_vector_subcore>, window_params = [{transform_indices = #map}, {transform_indices = #map}, {transform_indices = #map1}, {transform_indices = #map1}, {transform_indices = #map}, {transform_indices = #map}]} {
    %mul3A = arith.constant 640 : i32
    %mul3A_0 = arith.muli %arg1, %mul3A : i32
    %mul3A_1 = arith.constant 10000 : i32
    %mul3A_2 = arith.muli %arg0, %mul3A_1 : i32
    %mul3A_3 = arith.constant 10240 : i32
    %mul3A_4 = arith.muli %arg0, %mul3A_3 : i32
    %mul3A_5 = arith.constant 160000 : i32
    %mul3A_6 = arith.muli %arg0, %mul3A_5 : i32
    %scan3A = arith.constant 0 : i32
    %scan3A_7 = arith.constant 0 : i32
    %scan3A_8 = arith.constant 32 : i32
    %scan3A_9 = arith.addi %scan3A_7, %scan3A_8 : i32
    %scan3A_10 = arith.constant 1 : i32
    scf.for %scan3A_51 = %scan3A_7 to %scan3A_9 step %scan3A_10  : i32 {
      %broadcast_in_dim3A = arith.constant 0.000000e+00 : f32
      %broadcast_in_dim3A_52 = vector.broadcast %broadcast_in_dim3A : f32 to vector<16xf32>
      %swap3A = arith.index_cast %scan3A_51 : i32 to index
      %swap3A_53 = arith.constant 0 : index
      %swap3A_54 = tpu.vector_load %arg14[%swap3A, %swap3A_53] {strides = array<i32>} : memref<32x128xf32, #tpu.memory_space<vmem>>, vector<1x16xf32>,
      %swap3A_55 = vector.shape_cast %swap3A_54 : vector<1x16xf32> to vector<16xf32>
      %swap3A_56 = vector.shape_cast %broadcast_in_dim3A_52 : vector<16xf32> to vector<1x16xf32>
      tpu.vector_store %arg14[%swap3A, %swap3A_53], %swap3A_56 {strides = array<i32>} : memref<32x128xf32, #tpu.memory_space<vmem>>, vector<1x16xf32>,
      %broadcast_in_dim3A_57 = arith.constant 0.000000e+00 : f32
      %broadcast_in_dim3A_58 = vector.broadcast %broadcast_in_dim3A_57 : f32 to vector<16xf32>
      %swap3A_59 = arith.index_cast %scan3A_51 : i32 to index
      %swap3A_60 = arith.constant 16 : index
      %swap3A_61 = tpu.vector_load %arg14[%swap3A_59, %swap3A_60] {strides = array<i32>} : memref<32x128xf32, #tpu.memory_space<vmem>>, vector<1x16xf32>,
      %swap3A_62 = vector.shape_cast %swap3A_61 : vector<1x16xf32> to vector<16xf32>
      %swap3A_63 = vector.shape_cast %broadcast_in_dim3A_58 : vector<16xf32> to vector<1x16xf32>
      tpu.vector_store %arg14[%swap3A_59, %swap3A_60], %swap3A_63 {strides = array<i32>} : memref<32x128xf32, #tpu.memory_space<vmem>>, vector<1x16xf32>,
      %broadcast_in_dim3A_64 = arith.constant 0.000000e+00 : f32
      %broadcast_in_dim3A_65 = vector.broadcast %broadcast_in_dim3A_64 : f32 to vector<16xf32>
      %swap3A_66 = arith.index_cast %scan3A_51 : i32 to index
      %swap3A_67 = arith.constant 32 : index
      %swap3A_68 = tpu.vector_load %arg14[%swap3A_66, %swap3A_67] {strides = array<i32>} : memref<32x128xf32, #tpu.memory_space<vmem>>, vector<1x16xf32>,
      %swap3A_69 = vector.shape_cast %swap3A_68 : vector<1x16xf32> to vector<16xf32>
      %swap3A_70 = vector.shape_cast %broadcast_in_dim3A_65 : vector<16xf32> to vector<1x16xf32>
      tpu.vector_store %arg14[%swap3A_66, %swap3A_67], %swap3A_70 {strides = array<i32>} : memref<32x128xf32, #tpu.memory_space<vmem>>, vector<1x16xf32>,
      %broadcast_in_dim3A_71 = arith.constant 0.000000e+00 : f32
      %broadcast_in_dim3A_72 = vector.broadcast %broadcast_in_dim3A_71 : f32 to vector<16xf32>
      %swap3A_73 = arith.index_cast %scan3A_51 : i32 to index
      %swap3A_74 = arith.constant 48 : index
      %swap3A_75 = tpu.vector_load %arg14[%swap3A_73, %swap3A_74] {strides = array<i32>} : memref<32x128xf32, #tpu.memory_space<vmem>>, vector<1x16xf32>,
      %swap3A_76 = vector.shape_cast %swap3A_75 : vector<1x16xf32> to vector<16xf32>
      %swap3A_77 = vector.shape_cast %broadcast_in_dim3A_72 : vector<16xf32> to vector<1x16xf32>
      tpu.vector_store %arg14[%swap3A_73, %swap3A_74], %swap3A_77 {strides = array<i32>} : memref<32x128xf32, #tpu.memory_space<vmem>>, vector<1x16xf32>,
      %broadcast_in_dim3A_78 = arith.constant 0.000000e+00 : f32
      %broadcast_in_dim3A_79 = vector.broadcast %broadcast_in_dim3A_78 : f32 to vector<16xf32>
      %swap3A_80 = arith.index_cast %scan3A_51 : i32 to index
      %swap3A_81 = arith.constant 64 : index
      %swap3A_82 = tpu.vector_load %arg14[%swap3A_80, %swap3A_81] {strides = array<i32>} : memref<32x128xf32, #tpu.memory_space<vmem>>, vector<1x16xf32>,
      %swap3A_83 = vector.shape_cast %swap3A_82 : vector<1x16xf32> to vector<16xf32>
      %swap3A_84 = vector.shape_cast %broadcast_in_dim3A_79 : vector<16xf32> to vector<1x16xf32>
      tpu.vector_store %arg14[%swap3A_80, %swap3A_81], %swap3A_84 {strides = array<i32>} : memref<32x128xf32, #tpu.memory_space<vmem>>, vector<1x16xf32>,
      %broadcast_in_dim3A_85 = arith.constant 0.000000e+00 : f32
      %broadcast_in_dim3A_86 = vector.broadcast %broadcast_in_dim3A_85 : f32 to vector<16xf32>
      %swap3A_87 = arith.index_cast %scan3A_51 : i32 to index
      %swap3A_88 = arith.constant 80 : index
      %swap3A_89 = tpu.vector_load %arg14[%swap3A_87, %swap3A_88] {strides = array<i32>} : memref<32x128xf32, #tpu.memory_space<vmem>>, vector<1x16xf32>,
      %swap3A_90 = vector.shape_cast %swap3A_89 : vector<1x16xf32> to vector<16xf32>
      %swap3A_91 = vector.shape_cast %broadcast_in_dim3A_86 : vector<16xf32> to vector<1x16xf32>
      tpu.vector_store %arg14[%swap3A_87, %swap3A_88], %swap3A_91 {strides = array<i32>} : memref<32x128xf32, #tpu.memory_space<vmem>>, vector<1x16xf32>,
      %broadcast_in_dim3A_92 = arith.constant 0.000000e+00 : f32
      %broadcast_in_dim3A_93 = vector.broadcast %broadcast_in_dim3A_92 : f32 to vector<16xf32>
      %swap3A_94 = arith.index_cast %scan3A_51 : i32 to index
      %swap3A_95 = arith.constant 96 : index
      %swap3A_96 = tpu.vector_load %arg14[%swap3A_94, %swap3A_95] {strides = array<i32>} : memref<32x128xf32, #tpu.memory_space<vmem>>, vector<1x16xf32>,
      %swap3A_97 = vector.shape_cast %swap3A_96 : vector<1x16xf32> to vector<16xf32>
      %swap3A_98 = vector.shape_cast %broadcast_in_dim3A_93 : vector<16xf32> to vector<1x16xf32>
      tpu.vector_store %arg14[%swap3A_94, %swap3A_95], %swap3A_98 {strides = array<i32>} : memref<32x128xf32, #tpu.memory_space<vmem>>, vector<1x16xf32>,
      %broadcast_in_dim3A_99 = arith.constant 0.000000e+00 : f32
      %broadcast_in_dim3A_100 = vector.broadcast %broadcast_in_dim3A_99 : f32 to vector<16xf32>
      %swap3A_101 = arith.index_cast %scan3A_51 : i32 to index
      %swap3A_102 = arith.constant 112 : index
      %swap3A_103 = tpu.vector_load %arg14[%swap3A_101, %swap3A_102] {strides = array<i32>} : memref<32x128xf32, #tpu.memory_space<vmem>>, vector<1x16xf32>,
      %swap3A_104 = vector.shape_cast %swap3A_103 : vector<1x16xf32> to vector<16xf32>
      %swap3A_105 = vector.shape_cast %broadcast_in_dim3A_100 : vector<16xf32> to vector<1x16xf32>
      tpu.vector_store %arg14[%swap3A_101, %swap3A_102], %swap3A_105 {strides = array<i32>} : memref<32x128xf32, #tpu.memory_space<vmem>>, vector<1x16xf32>,
    }
    %scan3A_11 = arith.constant 32 : i32
    %scan3A_12 = arith.constant 0 : i32
    %scan3A_13 = arith.constant 0 : i32
    %scan3A_14 = arith.constant 20 : i32
    %scan3A_15 = arith.addi %scan3A_13, %scan3A_14 : i32
    %scan3A_16 = arith.constant 1 : i32
    scf.for %scan3A_51 = %scan3A_13 to %scan3A_15 step %scan3A_16  : i32 {
      %mul3A_52 = arith.constant 32 : i32
      %mul3A_53 = arith.muli %scan3A_51, %mul3A_52 : i32
      %add3A_54 = arith.addi %mul3A_0, %mul3A_53 : i32
      "tpu.region"() ({
        %run_scoped3A = tpu.sem_alloc : memref<!tpu.dma_semaphore, #tpu.memory_space<semaphore_mem>>
        %dma_start3A = arith.constant 0 : i32
        %dma_start3A_55 = tpu.memref_slice %arg15[%add3A_54, %dma_start3A] : memref<10240x128xf32, #tpu.memory_space<vmem_shared>> -> memref<32x128xf32, #tpu.memory_space<vmem_shared>>
        %dma_start3A_56 = arith.constant 0 : i32
        %dma_start3A_57 = tpu.memref_slice %arg15[%add3A_54, %dma_start3A_56] : memref<10240x128xf32, #tpu.memory_space<vmem_shared>> -> memref<32x128xf32, #tpu.memory_space<vmem_shared>>
        tpu.enqueue_dma source(%arg14 : memref<32x128xf32, #tpu.memory_space<vmem>>) target(%dma_start3A_57 : memref<32x128xf32, #tpu.memory_space<vmem_shared>>) target_semaphore(%run_scoped3A : memref<!tpu.dma_semaphore, #tpu.memory_space<semaphore_mem>>)
        %dma_wait3A = arith.constant 0 : i32
        %dma_wait3A_58 = tpu.memref_slice %arg15[%add3A_54, %dma_wait3A] : memref<10240x128xf32, #tpu.memory_space<vmem_shared>> -> memref<32x128xf32, #tpu.memory_space<vmem_shared>>
        %dma_wait3A_59 = arith.constant 0 : i32
        %dma_wait3A_60 = tpu.memref_slice %arg15[%add3A_54, %dma_wait3A_59] : memref<10240x128xf32, #tpu.memory_space<vmem_shared>> -> memref<32x128xf32, #tpu.memory_space<vmem_shared>>
        tpu.wait_dma2 semaphore(%run_scoped3A : memref<!tpu.dma_semaphore, #tpu.memory_space<semaphore_mem>>) src(%arg14 : memref<32x128xf32, #tpu.memory_space<vmem>>) dst(%dma_wait3A_60 : memref<32x128xf32, #tpu.memory_space<vmem_shared>>)
        tpu.yield
      }) : () -> ()
    }
    %scan3A_17 = arith.constant 20 : i32
    %barrier3A = arith.constant 0 : index
    tpu.barrier barrier_id(%barrier3A)
    %scan3A_18 = arith.constant 0 : i32
    %scan3A_19 = arith.constant 0 : i32
    %scan3A_20 = arith.constant 125 : i32
    %scan3A_21 = arith.addi %scan3A_19, %scan3A_20 : i32
    %scan3A_22 = arith.constant 1 : i32
    scf.for %scan3A_51 = %scan3A_19 to %scan3A_21 step %scan3A_22  : i32 {
      %mul3A_52 = arith.constant 10000 : i32
      %mul3A_53 = arith.muli %arg1, %mul3A_52 : i32
      %mul3A_54 = arith.constant 80 : i32
      %mul3A_55 = arith.muli %scan3A_51, %mul3A_54 : i32
      %add3A_56 = arith.addi %mul3A_53, %mul3A_55 : i32
      %add3A_57 = arith.addi %mul3A_6, %add3A_56 : i32
      %dma_start3A = arith.constant 0 : i32
      %dma_start3A_58 = tpu.memref_slice %arg3[%add3A_57, %dma_start3A] : memref<320000x128xf32, #tpu.memory_space<hbm>> -> memref<80x128xf32, #tpu.memory_space<hbm>>
      %dma_start3A_59 = arith.constant 0 : i32
      %dma_start3A_60 = tpu.memref_slice %arg3[%add3A_57, %dma_start3A_59] : memref<320000x128xf32, #tpu.memory_space<hbm>> -> memref<80x128xf32, #tpu.memory_space<hbm>>
      tpu.enqueue_dma source(%dma_start3A_60 : memref<80x128xf32, #tpu.memory_space<hbm>>) target(%arg12 : memref<80x128xf32, #tpu.memory_space<vmem>>) target_semaphore(%arg18 : memref<!tpu.dma_semaphore, #tpu.memory_space<semaphore_mem>>)
      %dma_start3A_61 = tpu.memref_slice %arg5[%add3A_56] : memref<160000xi32, #tpu.memory_space<hbm>> -> memref<80xi32, #tpu.memory_space<hbm>>
      %dma_start3A_62 = tpu.memref_slice %arg5[%add3A_56] : memref<160000xi32, #tpu.memory_space<hbm>> -> memref<80xi32, #tpu.memory_space<hbm>>
      tpu.enqueue_dma source(%dma_start3A_62 : memref<80xi32, #tpu.memory_space<hbm>>) target(%arg9 : memref<80xi32, #tpu.memory_space<vmem>>) target_semaphore(%arg17 : memref<!tpu.dma_semaphore, #tpu.memory_space<semaphore_mem>>)
      %dma_start3A_63 = tpu.memref_slice %arg4[%add3A_56] : memref<160000xi32, #tpu.memory_space<hbm>> -> memref<80xi32, #tpu.memory_space<hbm>>
      %dma_start3A_64 = tpu.memref_slice %arg4[%add3A_56] : memref<160000xi32, #tpu.memory_space<hbm>> -> memref<80xi32, #tpu.memory_space<hbm>>
      tpu.enqueue_dma source(%dma_start3A_64 : memref<80xi32, #tpu.memory_space<hbm>>) target(%arg8 : memref<80xi32, #tpu.memory_space<vmem>>) target_semaphore(%arg16 : memref<!tpu.dma_semaphore, #tpu.memory_space<semaphore_mem>>)
      %dma_wait3A = tpu.memref_slice %arg4[%add3A_56] : memref<160000xi32, #tpu.memory_space<hbm>> -> memref<80xi32, #tpu.memory_space<hbm>>
      %dma_wait3A_65 = tpu.memref_slice %arg4[%add3A_56] : memref<160000xi32, #tpu.memory_space<hbm>> -> memref<80xi32, #tpu.memory_space<hbm>>
      tpu.wait_dma2 semaphore(%arg16 : memref<!tpu.dma_semaphore, #tpu.memory_space<semaphore_mem>>) src(%dma_wait3A_65 : memref<80xi32, #tpu.memory_space<hbm>>) dst(%arg8 : memref<80xi32, #tpu.memory_space<vmem>>)
      %get3A = arith.constant 0 : index
      %get3A_66 = tpu.vector_load %arg8[%get3A] {strides = array<i32>} : memref<80xi32, #tpu.memory_space<vmem>>, vector<16xi32>,
      %get3A_67 = vector.shape_cast %get3A_66 : vector<16xi32> to vector<16xi32>
      %add3A_68 = vector.broadcast %mul3A_2 : i32 to vector<16xi32>
      %add3A_69 = arith.addi %get3A_67, %add3A_68 : vector<16xi32>
      %swap3A = arith.constant 0 : index
      %swap3A_70 = tpu.vector_load %arg10[%swap3A] {strides = array<i32>} : memref<80xi32, #tpu.memory_space<vmem>>, vector<16xi32>,
      %swap3A_71 = vector.shape_cast %swap3A_70 : vector<16xi32> to vector<16xi32>
      %swap3A_72 = vector.shape_cast %add3A_69 : vector<16xi32> to vector<16xi32>
      tpu.vector_store %arg10[%swap3A], %swap3A_72 {strides = array<i32>} : memref<80xi32, #tpu.memory_space<vmem>>, vector<16xi32>,
      %get3A_73 = arith.constant 16 : index
      %get3A_74 = tpu.vector_load %arg8[%get3A_73] {strides = array<i32>} : memref<80xi32, #tpu.memory_space<vmem>>, vector<16xi32>,
      %get3A_75 = vector.shape_cast %get3A_74 : vector<16xi32> to vector<16xi32>
      %add3A_76 = vector.broadcast %mul3A_2 : i32 to vector<16xi32>
      %add3A_77 = arith.addi %get3A_75, %add3A_76 : vector<16xi32>
      %swap3A_78 = arith.constant 16 : index
      %swap3A_79 = tpu.vector_load %arg10[%swap3A_78] {strides = array<i32>} : memref<80xi32, #tpu.memory_space<vmem>>, vector<16xi32>,
      %swap3A_80 = vector.shape_cast %swap3A_79 : vector<16xi32> to vector<16xi32>
      %swap3A_81 = vector.shape_cast %add3A_77 : vector<16xi32> to vector<16xi32>
      tpu.vector_store %arg10[%swap3A_78], %swap3A_81 {strides = array<i32>} : memref<80xi32, #tpu.memory_space<vmem>>, vector<16xi32>,
      %get3A_82 = arith.constant 32 : index
      %get3A_83 = tpu.vector_load %arg8[%get3A_82] {strides = array<i32>} : memref<80xi32, #tpu.memory_space<vmem>>, vector<16xi32>,
      %get3A_84 = vector.shape_cast %get3A_83 : vector<16xi32> to vector<16xi32>
      %add3A_85 = vector.broadcast %mul3A_2 : i32 to vector<16xi32>
      %add3A_86 = arith.addi %get3A_84, %add3A_85 : vector<16xi32>
      %swap3A_87 = arith.constant 32 : index
      %swap3A_88 = tpu.vector_load %arg10[%swap3A_87] {strides = array<i32>} : memref<80xi32, #tpu.memory_space<vmem>>, vector<16xi32>,
      %swap3A_89 = vector.shape_cast %swap3A_88 : vector<16xi32> to vector<16xi32>
      %swap3A_90 = vector.shape_cast %add3A_86 : vector<16xi32> to vector<16xi32>
      tpu.vector_store %arg10[%swap3A_87], %swap3A_90 {strides = array<i32>} : memref<80xi32, #tpu.memory_space<vmem>>, vector<16xi32>,
      %get3A_91 = arith.constant 48 : index
      %get3A_92 = tpu.vector_load %arg8[%get3A_91] {strides = array<i32>} : memref<80xi32, #tpu.memory_space<vmem>>, vector<16xi32>,
      %get3A_93 = vector.shape_cast %get3A_92 : vector<16xi32> to vector<16xi32>
      %add3A_94 = vector.broadcast %mul3A_2 : i32 to vector<16xi32>
      %add3A_95 = arith.addi %get3A_93, %add3A_94 : vector<16xi32>
      %swap3A_96 = arith.constant 48 : index
      %swap3A_97 = tpu.vector_load %arg10[%swap3A_96] {strides = array<i32>} : memref<80xi32, #tpu.memory_space<vmem>>, vector<16xi32>,
      %swap3A_98 = vector.shape_cast %swap3A_97 : vector<16xi32> to vector<16xi32>
      %swap3A_99 = vector.shape_cast %add3A_95 : vector<16xi32> to vector<16xi32>
      tpu.vector_store %arg10[%swap3A_96], %swap3A_99 {strides = array<i32>} : memref<80xi32, #tpu.memory_space<vmem>>, vector<16xi32>,
      %get3A_100 = arith.constant 64 : index
      %get3A_101 = tpu.vector_load %arg8[%get3A_100] {strides = array<i32>} : memref<80xi32, #tpu.memory_space<vmem>>, vector<16xi32>,
      %get3A_102 = vector.shape_cast %get3A_101 : vector<16xi32> to vector<16xi32>
      %add3A_103 = vector.broadcast %mul3A_2 : i32 to vector<16xi32>
      %add3A_104 = arith.addi %get3A_102, %add3A_103 : vector<16xi32>
      %swap3A_105 = arith.constant 64 : index
      %swap3A_106 = tpu.vector_load %arg10[%swap3A_105] {strides = array<i32>} : memref<80xi32, #tpu.memory_space<vmem>>, vector<16xi32>,
      %swap3A_107 = vector.shape_cast %swap3A_106 : vector<16xi32> to vector<16xi32>
      %swap3A_108 = vector.shape_cast %add3A_104 : vector<16xi32> to vector<16xi32>
      tpu.vector_store %arg10[%swap3A_105], %swap3A_108 {strides = array<i32>} : memref<80xi32, #tpu.memory_space<vmem>>, vector<16xi32>,
      %dma_start3A_109 = arith.constant 0 : i32
      %dma_start3A_110 = arith.constant 0 : i32
      %dma_start3A_111 = tpu.memref_slice %arg2[%dma_start3A_109, %dma_start3A_110] : memref<20000x128xf32, #tpu.memory_space<hbm>> -> memref<20000x128xf32, #tpu.memory_space<hbm>>
      tpu.enqueue_indirect_dma source(%dma_start3A_111 : memref<20000x128xf32, #tpu.memory_space<hbm>>) target(%arg11 : memref<80x128xf32, #tpu.memory_space<vmem>>) offsets(%arg10 : memref<80xi32, #tpu.memory_space<vmem>>) semaphore(%arg19 : memref<!tpu.dma_semaphore, #tpu.memory_space<semaphore_mem>>)
      %dma_wait3A_112 = arith.constant 0 : i32
      %dma_wait3A_113 = arith.constant 0 : i32
      %dma_wait3A_114 = tpu.memref_slice %arg2[%dma_wait3A_112, %dma_wait3A_113] : memref<20000x128xf32, #tpu.memory_space<hbm>> -> memref<20000x128xf32, #tpu.memory_space<hbm>>
      tpu.wait_indirect_dma semaphore(%arg19 : memref<!tpu.dma_semaphore, #tpu.memory_space<semaphore_mem>>) src(%dma_wait3A_114 : memref<20000x128xf32, #tpu.memory_space<hbm>>) dst(%arg11 : memref<80x128xf32, #tpu.memory_space<vmem>>)
      %dma_wait3A_115 = arith.constant 0 : i32
      %dma_wait3A_116 = tpu.memref_slice %arg3[%add3A_57, %dma_wait3A_115] : memref<320000x128xf32, #tpu.memory_space<hbm>> -> memref<80x128xf32, #tpu.memory_space<hbm>>
      %dma_wait3A_117 = arith.constant 0 : i32
      %dma_wait3A_118 = tpu.memref_slice %arg3[%add3A_57, %dma_wait3A_117] : memref<320000x128xf32, #tpu.memory_space<hbm>> -> memref<80x128xf32, #tpu.memory_space<hbm>>
      tpu.wait_dma2 semaphore(%arg18 : memref<!tpu.dma_semaphore, #tpu.memory_space<semaphore_mem>>) src(%dma_wait3A_118 : memref<80x128xf32, #tpu.memory_space<hbm>>) dst(%arg12 : memref<80x128xf32, #tpu.memory_space<vmem>>)
      %scan3A_119 = arith.constant 0 : i32
      %scan3A_120 = arith.constant 0 : i32
      %scan3A_121 = arith.constant 80 : i32
      %scan3A_122 = arith.addi %scan3A_120, %scan3A_121 : i32
      %scan3A_123 = arith.constant 1 : i32
      scf.for %scan3A_127 = %scan3A_120 to %scan3A_122 step %scan3A_123  : i32 {
        %get3A_128 = arith.index_cast %scan3A_127 : i32 to index
        %get3A_129 = arith.constant 0 : index
        %get3A_130 = tpu.vector_load %arg11[%get3A_128, %get3A_129] {strides = array<i32>} : memref<80x128xf32, #tpu.memory_space<vmem>>, vector<1x16xf32>,
        %get3A_131 = vector.shape_cast %get3A_130 : vector<1x16xf32> to vector<16xf32>
        %get3A_132 = arith.index_cast %scan3A_127 : i32 to index
        %get3A_133 = arith.constant 0 : index
        %get3A_134 = tpu.vector_load %arg12[%get3A_132, %get3A_133] {strides = array<i32>} : memref<80x128xf32, #tpu.memory_space<vmem>>, vector<1x16xf32>,
        %get3A_135 = vector.shape_cast %get3A_134 : vector<1x16xf32> to vector<16xf32>
        %add3A_136 = arith.addf %get3A_131, %get3A_135 : vector<16xf32>
        %max3A = arith.constant 0.000000e+00 : f32
        %max3A_137 = vector.broadcast %max3A : f32 to vector<16xf32>
        %max3A_138 = arith.maximumf %add3A_136, %max3A_137 : vector<16xf32>
        %swap3A_139 = arith.index_cast %scan3A_127 : i32 to index
        %swap3A_140 = arith.constant 0 : index
        %swap3A_141 = tpu.vector_load %arg13[%swap3A_139, %swap3A_140] {strides = array<i32>} : memref<80x128xf32, #tpu.memory_space<vmem>>, vector<1x16xf32>,
        %swap3A_142 = vector.shape_cast %swap3A_141 : vector<1x16xf32> to vector<16xf32>
        %swap3A_143 = vector.shape_cast %max3A_138 : vector<16xf32> to vector<1x16xf32>
        tpu.vector_store %arg13[%swap3A_139, %swap3A_140], %swap3A_143 {strides = array<i32>} : memref<80x128xf32, #tpu.memory_space<vmem>>, vector<1x16xf32>,
        %get3A_144 = arith.index_cast %scan3A_127 : i32 to index
        %get3A_145 = arith.constant 16 : index
        %get3A_146 = tpu.vector_load %arg11[%get3A_144, %get3A_145] {strides = array<i32>} : memref<80x128xf32, #tpu.memory_space<vmem>>, vector<1x16xf32>,
        %get3A_147 = vector.shape_cast %get3A_146 : vector<1x16xf32> to vector<16xf32>
        %get3A_148 = arith.index_cast %scan3A_127 : i32 to index
        %get3A_149 = arith.constant 16 : index
        %get3A_150 = tpu.vector_load %arg12[%get3A_148, %get3A_149] {strides = array<i32>} : memref<80x128xf32, #tpu.memory_space<vmem>>, vector<1x16xf32>,
        %get3A_151 = vector.shape_cast %get3A_150 : vector<1x16xf32> to vector<16xf32>
        %add3A_152 = arith.addf %get3A_147, %get3A_151 : vector<16xf32>
        %max3A_153 = arith.constant 0.000000e+00 : f32
        %max3A_154 = vector.broadcast %max3A_153 : f32 to vector<16xf32>
        %max3A_155 = arith.maximumf %add3A_152, %max3A_154 : vector<16xf32>
        %swap3A_156 = arith.index_cast %scan3A_127 : i32 to index
        %swap3A_157 = arith.constant 16 : index
        %swap3A_158 = tpu.vector_load %arg13[%swap3A_156, %swap3A_157] {strides = array<i32>} : memref<80x128xf32, #tpu.memory_space<vmem>>, vector<1x16xf32>,
        %swap3A_159 = vector.shape_cast %swap3A_158 : vector<1x16xf32> to vector<16xf32>
        %swap3A_160 = vector.shape_cast %max3A_155 : vector<16xf32> to vector<1x16xf32>
        tpu.vector_store %arg13[%swap3A_156, %swap3A_157], %swap3A_160 {strides = array<i32>} : memref<80x128xf32, #tpu.memory_space<vmem>>, vector<1x16xf32>,
        %get3A_161 = arith.index_cast %scan3A_127 : i32 to index
        %get3A_162 = arith.constant 32 : index
        %get3A_163 = tpu.vector_load %arg11[%get3A_161, %get3A_162] {strides = array<i32>} : memref<80x128xf32, #tpu.memory_space<vmem>>, vector<1x16xf32>,
        %get3A_164 = vector.shape_cast %get3A_163 : vector<1x16xf32> to vector<16xf32>
        %get3A_165 = arith.index_cast %scan3A_127 : i32 to index
        %get3A_166 = arith.constant 32 : index
        %get3A_167 = tpu.vector_load %arg12[%get3A_165, %get3A_166] {strides = array<i32>} : memref<80x128xf32, #tpu.memory_space<vmem>>, vector<1x16xf32>,
        %get3A_168 = vector.shape_cast %get3A_167 : vector<1x16xf32> to vector<16xf32>
        %add3A_169 = arith.addf %get3A_164, %get3A_168 : vector<16xf32>
        %max3A_170 = arith.constant 0.000000e+00 : f32
        %max3A_171 = vector.broadcast %max3A_170 : f32 to vector<16xf32>
        %max3A_172 = arith.maximumf %add3A_169, %max3A_171 : vector<16xf32>
        %swap3A_173 = arith.index_cast %scan3A_127 : i32 to index
        %swap3A_174 = arith.constant 32 : index
        %swap3A_175 = tpu.vector_load %arg13[%swap3A_173, %swap3A_174] {strides = array<i32>} : memref<80x128xf32, #tpu.memory_space<vmem>>, vector<1x16xf32>,
        %swap3A_176 = vector.shape_cast %swap3A_175 : vector<1x16xf32> to vector<16xf32>
        %swap3A_177 = vector.shape_cast %max3A_172 : vector<16xf32> to vector<1x16xf32>
        tpu.vector_store %arg13[%swap3A_173, %swap3A_174], %swap3A_177 {strides = array<i32>} : memref<80x128xf32, #tpu.memory_space<vmem>>, vector<1x16xf32>,
        %get3A_178 = arith.index_cast %scan3A_127 : i32 to index
        %get3A_179 = arith.constant 48 : index
        %get3A_180 = tpu.vector_load %arg11[%get3A_178, %get3A_179] {strides = array<i32>} : memref<80x128xf32, #tpu.memory_space<vmem>>, vector<1x16xf32>,
        %get3A_181 = vector.shape_cast %get3A_180 : vector<1x16xf32> to vector<16xf32>
        %get3A_182 = arith.index_cast %scan3A_127 : i32 to index
        %get3A_183 = arith.constant 48 : index
        %get3A_184 = tpu.vector_load %arg12[%get3A_182, %get3A_183] {strides = array<i32>} : memref<80x128xf32, #tpu.memory_space<vmem>>, vector<1x16xf32>,
        %get3A_185 = vector.shape_cast %get3A_184 : vector<1x16xf32> to vector<16xf32>
        %add3A_186 = arith.addf %get3A_181, %get3A_185 : vector<16xf32>
        %max3A_187 = arith.constant 0.000000e+00 : f32
        %max3A_188 = vector.broadcast %max3A_187 : f32 to vector<16xf32>
        %max3A_189 = arith.maximumf %add3A_186, %max3A_188 : vector<16xf32>
        %swap3A_190 = arith.index_cast %scan3A_127 : i32 to index
        %swap3A_191 = arith.constant 48 : index
        %swap3A_192 = tpu.vector_load %arg13[%swap3A_190, %swap3A_191] {strides = array<i32>} : memref<80x128xf32, #tpu.memory_space<vmem>>, vector<1x16xf32>,
        %swap3A_193 = vector.shape_cast %swap3A_192 : vector<1x16xf32> to vector<16xf32>
        %swap3A_194 = vector.shape_cast %max3A_189 : vector<16xf32> to vector<1x16xf32>
        tpu.vector_store %arg13[%swap3A_190, %swap3A_191], %swap3A_194 {strides = array<i32>} : memref<80x128xf32, #tpu.memory_space<vmem>>, vector<1x16xf32>,
        %get3A_195 = arith.index_cast %scan3A_127 : i32 to index
        %get3A_196 = arith.constant 64 : index
        %get3A_197 = tpu.vector_load %arg11[%get3A_195, %get3A_196] {strides = array<i32>} : memref<80x128xf32, #tpu.memory_space<vmem>>, vector<1x16xf32>,
        %get3A_198 = vector.shape_cast %get3A_197 : vector<1x16xf32> to vector<16xf32>
        %get3A_199 = arith.index_cast %scan3A_127 : i32 to index
        %get3A_200 = arith.constant 64 : index
        %get3A_201 = tpu.vector_load %arg12[%get3A_199, %get3A_200] {strides = array<i32>} : memref<80x128xf32, #tpu.memory_space<vmem>>, vector<1x16xf32>,
        %get3A_202 = vector.shape_cast %get3A_201 : vector<1x16xf32> to vector<16xf32>
        %add3A_203 = arith.addf %get3A_198, %get3A_202 : vector<16xf32>
        %max3A_204 = arith.constant 0.000000e+00 : f32
        %max3A_205 = vector.broadcast %max3A_204 : f32 to vector<16xf32>
        %max3A_206 = arith.maximumf %add3A_203, %max3A_205 : vector<16xf32>
        %swap3A_207 = arith.index_cast %scan3A_127 : i32 to index
        %swap3A_208 = arith.constant 64 : index
        %swap3A_209 = tpu.vector_load %arg13[%swap3A_207, %swap3A_208] {strides = array<i32>} : memref<80x128xf32, #tpu.memory_space<vmem>>, vector<1x16xf32>,
        %swap3A_210 = vector.shape_cast %swap3A_209 : vector<1x16xf32> to vector<16xf32>
        %swap3A_211 = vector.shape_cast %max3A_206 : vector<16xf32> to vector<1x16xf32>
        tpu.vector_store %arg13[%swap3A_207, %swap3A_208], %swap3A_211 {strides = array<i32>} : memref<80x128xf32, #tpu.memory_space<vmem>>, vector<1x16xf32>,
        %get3A_212 = arith.index_cast %scan3A_127 : i32 to index
        %get3A_213 = arith.constant 80 : index
        %get3A_214 = tpu.vector_load %arg11[%get3A_212, %get3A_213] {strides = array<i32>} : memref<80x128xf32, #tpu.memory_space<vmem>>, vector<1x16xf32>,
        %get3A_215 = vector.shape_cast %get3A_214 : vector<1x16xf32> to vector<16xf32>
        %get3A_216 = arith.index_cast %scan3A_127 : i32 to index
        %get3A_217 = arith.constant 80 : index
        %get3A_218 = tpu.vector_load %arg12[%get3A_216, %get3A_217] {strides = array<i32>} : memref<80x128xf32, #tpu.memory_space<vmem>>, vector<1x16xf32>,
        %get3A_219 = vector.shape_cast %get3A_218 : vector<1x16xf32> to vector<16xf32>
        %add3A_220 = arith.addf %get3A_215, %get3A_219 : vector<16xf32>
        %max3A_221 = arith.constant 0.000000e+00 : f32
        %max3A_222 = vector.broadcast %max3A_221 : f32 to vector<16xf32>
        %max3A_223 = arith.maximumf %add3A_220, %max3A_222 : vector<16xf32>
        %swap3A_224 = arith.index_cast %scan3A_127 : i32 to index
        %swap3A_225 = arith.constant 80 : index
        %swap3A_226 = tpu.vector_load %arg13[%swap3A_224, %swap3A_225] {strides = array<i32>} : memref<80x128xf32, #tpu.memory_space<vmem>>, vector<1x16xf32>,
        %swap3A_227 = vector.shape_cast %swap3A_226 : vector<1x16xf32> to vector<16xf32>
        %swap3A_228 = vector.shape_cast %max3A_223 : vector<16xf32> to vector<1x16xf32>
        tpu.vector_store %arg13[%swap3A_224, %swap3A_225], %swap3A_228 {strides = array<i32>} : memref<80x128xf32, #tpu.memory_space<vmem>>, vector<1x16xf32>,
        %get3A_229 = arith.index_cast %scan3A_127 : i32 to index
        %get3A_230 = arith.constant 96 : index
        %get3A_231 = tpu.vector_load %arg11[%get3A_229, %get3A_230] {strides = array<i32>} : memref<80x128xf32, #tpu.memory_space<vmem>>, vector<1x16xf32>,
        %get3A_232 = vector.shape_cast %get3A_231 : vector<1x16xf32> to vector<16xf32>
        %get3A_233 = arith.index_cast %scan3A_127 : i32 to index
        %get3A_234 = arith.constant 96 : index
        %get3A_235 = tpu.vector_load %arg12[%get3A_233, %get3A_234] {strides = array<i32>} : memref<80x128xf32, #tpu.memory_space<vmem>>, vector<1x16xf32>,
        %get3A_236 = vector.shape_cast %get3A_235 : vector<1x16xf32> to vector<16xf32>
        %add3A_237 = arith.addf %get3A_232, %get3A_236 : vector<16xf32>
        %max3A_238 = arith.constant 0.000000e+00 : f32
        %max3A_239 = vector.broadcast %max3A_238 : f32 to vector<16xf32>
        %max3A_240 = arith.maximumf %add3A_237, %max3A_239 : vector<16xf32>
        %swap3A_241 = arith.index_cast %scan3A_127 : i32 to index
        %swap3A_242 = arith.constant 96 : index
        %swap3A_243 = tpu.vector_load %arg13[%swap3A_241, %swap3A_242] {strides = array<i32>} : memref<80x128xf32, #tpu.memory_space<vmem>>, vector<1x16xf32>,
        %swap3A_244 = vector.shape_cast %swap3A_243 : vector<1x16xf32> to vector<16xf32>
        %swap3A_245 = vector.shape_cast %max3A_240 : vector<16xf32> to vector<1x16xf32>
        tpu.vector_store %arg13[%swap3A_241, %swap3A_242], %swap3A_245 {strides = array<i32>} : memref<80x128xf32, #tpu.memory_space<vmem>>, vector<1x16xf32>,
        %get3A_246 = arith.index_cast %scan3A_127 : i32 to index
        %get3A_247 = arith.constant 112 : index
        %get3A_248 = tpu.vector_load %arg11[%get3A_246, %get3A_247] {strides = array<i32>} : memref<80x128xf32, #tpu.memory_space<vmem>>, vector<1x16xf32>,
        %get3A_249 = vector.shape_cast %get3A_248 : vector<1x16xf32> to vector<16xf32>
        %get3A_250 = arith.index_cast %scan3A_127 : i32 to index
        %get3A_251 = arith.constant 112 : index
        %get3A_252 = tpu.vector_load %arg12[%get3A_250, %get3A_251] {strides = array<i32>} : memref<80x128xf32, #tpu.memory_space<vmem>>, vector<1x16xf32>,
        %get3A_253 = vector.shape_cast %get3A_252 : vector<1x16xf32> to vector<16xf32>
        %add3A_254 = arith.addf %get3A_249, %get3A_253 : vector<16xf32>
        %max3A_255 = arith.constant 0.000000e+00 : f32
        %max3A_256 = vector.broadcast %max3A_255 : f32 to vector<16xf32>
        %max3A_257 = arith.maximumf %add3A_254, %max3A_256 : vector<16xf32>
        %swap3A_258 = arith.index_cast %scan3A_127 : i32 to index
        %swap3A_259 = arith.constant 112 : index
        %swap3A_260 = tpu.vector_load %arg13[%swap3A_258, %swap3A_259] {strides = array<i32>} : memref<80x128xf32, #tpu.memory_space<vmem>>, vector<1x16xf32>,
        %swap3A_261 = vector.shape_cast %swap3A_260 : vector<1x16xf32> to vector<16xf32>
        %swap3A_262 = vector.shape_cast %max3A_257 : vector<16xf32> to vector<1x16xf32>
        tpu.vector_store %arg13[%swap3A_258, %swap3A_259], %swap3A_262 {strides = array<i32>} : memref<80x128xf32, #tpu.memory_space<vmem>>, vector<1x16xf32>,
      }
      %scan3A_124 = arith.constant 80 : i32
      %dma_wait3A_125 = tpu.memref_slice %arg5[%add3A_56] : memref<160000xi32, #tpu.memory_space<hbm>> -> memref<80xi32, #tpu.memory_space<hbm>>
      %dma_wait3A_126 = tpu.memref_slice %arg5[%add3A_56] : memref<160000xi32, #tpu.memory_space<hbm>> -> memref<80xi32, #tpu.memory_space<hbm>>
      tpu.wait_dma2 semaphore(%arg17 : memref<!tpu.dma_semaphore, #tpu.memory_space<semaphore_mem>>) src(%dma_wait3A_126 : memref<80xi32, #tpu.memory_space<hbm>>) dst(%arg9 : memref<80xi32, #tpu.memory_space<vmem>>)
      "tpu.region"() ({
        %run_scoped3A = tpu.sem_alloc : memref<!tpu.dma_semaphore, #tpu.memory_space<semaphore_mem>>
        %dma_start3A_127 = arith.constant 0 : i32
        %dma_start3A_128 = arith.constant 0 : i32
        %dma_start3A_129 = tpu.memref_slice %arg15[%dma_start3A_127, %dma_start3A_128] : memref<10240x128xf32, #tpu.memory_space<vmem_shared>> -> memref<10240x128xf32, #tpu.memory_space<vmem_shared>>
        tpu.enqueue_indirect_dma source(%arg13 : memref<80x128xf32, #tpu.memory_space<vmem>>) target(%dma_start3A_129 : memref<10240x128xf32, #tpu.memory_space<vmem_shared>>) offsets(%arg9 : memref<80xi32, #tpu.memory_space<vmem>>) semaphore(%run_scoped3A : memref<!tpu.dma_semaphore, #tpu.memory_space<semaphore_mem>>) {add = true}
        %dma_wait3A_130 = arith.constant 0 : i32
        %dma_wait3A_131 = arith.constant 0 : i32
        %dma_wait3A_132 = tpu.memref_slice %arg15[%dma_wait3A_130, %dma_wait3A_131] : memref<10240x128xf32, #tpu.memory_space<vmem_shared>> -> memref<10240x128xf32, #tpu.memory_space<vmem_shared>>
        tpu.wait_indirect_dma semaphore(%run_scoped3A : memref<!tpu.dma_semaphore, #tpu.memory_space<semaphore_mem>>) src(%arg13 : memref<80x128xf32, #tpu.memory_space<vmem>>) dst(%dma_wait3A_132 : memref<10240x128xf32, #tpu.memory_space<vmem_shared>>)
        tpu.yield
      }) : () -> ()
    }
    %scan3A_23 = arith.constant 125 : i32
    %barrier3A_24 = arith.constant 0 : index
    tpu.barrier barrier_id(%barrier3A_24)
    %add3A = arith.addi %mul3A_4, %mul3A_0 : i32
    "tpu.region"() ({
      %run_scoped3A = tpu.sem_alloc : memref<!tpu.dma_semaphore, #tpu.memory_space<semaphore_mem>>
      %dma_start3A = arith.constant 0 : i32
      %dma_start3A_51 = tpu.memref_slice %arg6[%add3A, %dma_start3A] : memref<20480x128xf32, #tpu.memory_space<hbm>> -> memref<640x128xf32, #tpu.memory_space<hbm>>
      %dma_start3A_52 = arith.constant 0 : i32
      %dma_start3A_53 = tpu.memref_slice %arg15[%mul3A_0, %dma_start3A_52] : memref<10240x128xf32, #tpu.memory_space<vmem_shared>> -> memref<640x128xf32, #tpu.memory_space<vmem_shared>>
      tpu.enqueue_dma source(%dma_start3A_53 : memref<640x128xf32, #tpu.memory_space<vmem_shared>>) target(%dma_start3A_51 : memref<640x128xf32, #tpu.memory_space<hbm>>) target_semaphore(%run_scoped3A : memref<!tpu.dma_semaphore, #tpu.memory_space<semaphore_mem>>)
      %dma_wait3A = arith.constant 0 : i32
      %dma_wait3A_54 = tpu.memref_slice %arg6[%add3A, %dma_wait3A] : memref<20480x128xf32, #tpu.memory_space<hbm>> -> memref<640x128xf32, #tpu.memory_space<hbm>>
      %dma_wait3A_55 = arith.constant 0 : i32
      %dma_wait3A_56 = tpu.memref_slice %arg15[%mul3A_0, %dma_wait3A_55] : memref<10240x128xf32, #tpu.memory_space<vmem_shared>> -> memref<640x128xf32, #tpu.memory_space<vmem_shared>>
      tpu.wait_dma2 semaphore(%run_scoped3A : memref<!tpu.dma_semaphore, #tpu.memory_space<semaphore_mem>>) src(%dma_wait3A_56 : memref<640x128xf32, #tpu.memory_space<vmem_shared>>) dst(%dma_wait3A_54 : memref<640x128xf32, #tpu.memory_space<hbm>>)
      tpu.yield
    }) : () -> ()
    %scan3A_25 = arith.constant 0 : i32
    %scan3A_26 = arith.constant 0 : i32
    %scan3A_27 = arith.constant 20 : i32
    %scan3A_28 = arith.addi %scan3A_26, %scan3A_27 : i32
    %scan3A_29 = arith.constant 1 : i32
    scf.for %scan3A_51 = %scan3A_26 to %scan3A_28 step %scan3A_29  : i32 {
      %mul3A_52 = arith.constant 32 : i32
      %mul3A_53 = arith.muli %scan3A_51, %mul3A_52 : i32
      %add3A_54 = arith.addi %mul3A_0, %mul3A_53 : i32
      "tpu.region"() ({
        %run_scoped3A = tpu.sem_alloc : memref<!tpu.dma_semaphore, #tpu.memory_space<semaphore_mem>>
        %dma_start3A = arith.constant 0 : i32
        %dma_start3A_55 = tpu.memref_slice %arg15[%add3A_54, %dma_start3A] : memref<10240x128xf32, #tpu.memory_space<vmem_shared>> -> memref<32x128xf32, #tpu.memory_space<vmem_shared>>
        %dma_start3A_56 = arith.constant 0 : i32
        %dma_start3A_57 = tpu.memref_slice %arg15[%add3A_54, %dma_start3A_56] : memref<10240x128xf32, #tpu.memory_space<vmem_shared>> -> memref<32x128xf32, #tpu.memory_space<vmem_shared>>
        tpu.enqueue_dma source(%arg14 : memref<32x128xf32, #tpu.memory_space<vmem>>) target(%dma_start3A_57 : memref<32x128xf32, #tpu.memory_space<vmem_shared>>) target_semaphore(%run_scoped3A : memref<!tpu.dma_semaphore, #tpu.memory_space<semaphore_mem>>)
        %dma_wait3A = arith.constant 0 : i32
        %dma_wait3A_58 = tpu.memref_slice %arg15[%add3A_54, %dma_wait3A] : memref<10240x128xf32, #tpu.memory_space<vmem_shared>> -> memref<32x128xf32, #tpu.memory_space<vmem_shared>>
        %dma_wait3A_59 = arith.constant 0 : i32
        %dma_wait3A_60 = tpu.memref_slice %arg15[%add3A_54, %dma_wait3A_59] : memref<10240x128xf32, #tpu.memory_space<vmem_shared>> -> memref<32x128xf32, #tpu.memory_space<vmem_shared>>
        tpu.wait_dma2 semaphore(%run_scoped3A : memref<!tpu.dma_semaphore, #tpu.memory_space<semaphore_mem>>) src(%arg14 : memref<32x128xf32, #tpu.memory_space<vmem>>) dst(%dma_wait3A_60 : memref<32x128xf32, #tpu.memory_space<vmem_shared>>)
        tpu.yield
      }) : () -> ()
    }
    %scan3A_30 = arith.constant 20 : i32
    %scan3A_31 = arith.constant 0 : i32
    %scan3A_32 = arith.constant 0 : i32
    %scan3A_33 = arith.constant 40 : i32
    %scan3A_34 = arith.addi %scan3A_32, %scan3A_33 : i32
    %scan3A_35 = arith.constant 1 : i32
    scf.for %scan3A_51 = %scan3A_32 to %scan3A_34 step %scan3A_35  : i32 {
      %broadcast_in_dim3A = arith.constant 1.000000e+00 : f32
      %broadcast_in_dim3A_52 = vector.broadcast %broadcast_in_dim3A : f32 to vector<16xf32>
      %swap3A = arith.index_cast %scan3A_51 : i32 to index
      %swap3A_53 = arith.constant 0 : index
      %swap3A_54 = tpu.vector_load %arg21[%swap3A, %swap3A_53] {strides = array<i32>} : memref<40x128xf32, #tpu.memory_space<vmem>>, vector<1x16xf32>,
      %swap3A_55 = vector.shape_cast %swap3A_54 : vector<1x16xf32> to vector<16xf32>
      %swap3A_56 = vector.shape_cast %broadcast_in_dim3A_52 : vector<16xf32> to vector<1x16xf32>
      tpu.vector_store %arg21[%swap3A, %swap3A_53], %swap3A_56 {strides = array<i32>} : memref<40x128xf32, #tpu.memory_space<vmem>>, vector<1x16xf32>,
      %broadcast_in_dim3A_57 = arith.constant 1.000000e+00 : f32
      %broadcast_in_dim3A_58 = vector.broadcast %broadcast_in_dim3A_57 : f32 to vector<16xf32>
      %swap3A_59 = arith.index_cast %scan3A_51 : i32 to index
      %swap3A_60 = arith.constant 16 : index
      %swap3A_61 = tpu.vector_load %arg21[%swap3A_59, %swap3A_60] {strides = array<i32>} : memref<40x128xf32, #tpu.memory_space<vmem>>, vector<1x16xf32>,
      %swap3A_62 = vector.shape_cast %swap3A_61 : vector<1x16xf32> to vector<16xf32>
      %swap3A_63 = vector.shape_cast %broadcast_in_dim3A_58 : vector<16xf32> to vector<1x16xf32>
      tpu.vector_store %arg21[%swap3A_59, %swap3A_60], %swap3A_63 {strides = array<i32>} : memref<40x128xf32, #tpu.memory_space<vmem>>, vector<1x16xf32>,
      %broadcast_in_dim3A_64 = arith.constant 1.000000e+00 : f32
      %broadcast_in_dim3A_65 = vector.broadcast %broadcast_in_dim3A_64 : f32 to vector<16xf32>
      %swap3A_66 = arith.index_cast %scan3A_51 : i32 to index
      %swap3A_67 = arith.constant 32 : index
      %swap3A_68 = tpu.vector_load %arg21[%swap3A_66, %swap3A_67] {strides = array<i32>} : memref<40x128xf32, #tpu.memory_space<vmem>>, vector<1x16xf32>,
      %swap3A_69 = vector.shape_cast %swap3A_68 : vector<1x16xf32> to vector<16xf32>
      %swap3A_70 = vector.shape_cast %broadcast_in_dim3A_65 : vector<16xf32> to vector<1x16xf32>
      tpu.vector_store %arg21[%swap3A_66, %swap3A_67], %swap3A_70 {strides = array<i32>} : memref<40x128xf32, #tpu.memory_space<vmem>>, vector<1x16xf32>,
      %broadcast_in_dim3A_71 = arith.constant 1.000000e+00 : f32
      %broadcast_in_dim3A_72 = vector.broadcast %broadcast_in_dim3A_71 : f32 to vector<16xf32>
      %swap3A_73 = arith.index_cast %scan3A_51 : i32 to index
      %swap3A_74 = arith.constant 48 : index
      %swap3A_75 = tpu.vector_load %arg21[%swap3A_73, %swap3A_74] {strides = array<i32>} : memref<40x128xf32, #tpu.memory_space<vmem>>, vector<1x16xf32>,
      %swap3A_76 = vector.shape_cast %swap3A_75 : vector<1x16xf32> to vector<16xf32>
      %swap3A_77 = vector.shape_cast %broadcast_in_dim3A_72 : vector<16xf32> to vector<1x16xf32>
      tpu.vector_store %arg21[%swap3A_73, %swap3A_74], %swap3A_77 {strides = array<i32>} : memref<40x128xf32, #tpu.memory_space<vmem>>, vector<1x16xf32>,
      %broadcast_in_dim3A_78 = arith.constant 1.000000e+00 : f32
      %broadcast_in_dim3A_79 = vector.broadcast %broadcast_in_dim3A_78 : f32 to vector<16xf32>
      %swap3A_80 = arith.index_cast %scan3A_51 : i32 to index
      %swap3A_81 = arith.constant 64 : index
      %swap3A_82 = tpu.vector_load %arg21[%swap3A_80, %swap3A_81] {strides = array<i32>} : memref<40x128xf32, #tpu.memory_space<vmem>>, vector<1x16xf32>,
      %swap3A_83 = vector.shape_cast %swap3A_82 : vector<1x16xf32> to vector<16xf32>
      %swap3A_84 = vector.shape_cast %broadcast_in_dim3A_79 : vector<16xf32> to vector<1x16xf32>
      tpu.vector_store %arg21[%swap3A_80, %swap3A_81], %swap3A_84 {strides = array<i32>} : memref<40x128xf32, #tpu.memory_space<vmem>>, vector<1x16xf32>,
      %broadcast_in_dim3A_85 = arith.constant 1.000000e+00 : f32
      %broadcast_in_dim3A_86 = vector.broadcast %broadcast_in_dim3A_85 : f32 to vector<16xf32>
      %swap3A_87 = arith.index_cast %scan3A_51 : i32 to index
      %swap3A_88 = arith.constant 80 : index
      %swap3A_89 = tpu.vector_load %arg21[%swap3A_87, %swap3A_88] {strides = array<i32>} : memref<40x128xf32, #tpu.memory_space<vmem>>, vector<1x16xf32>,
      %swap3A_90 = vector.shape_cast %swap3A_89 : vector<1x16xf32> to vector<16xf32>
      %swap3A_91 = vector.shape_cast %broadcast_in_dim3A_86 : vector<16xf32> to vector<1x16xf32>
      tpu.vector_store %arg21[%swap3A_87, %swap3A_88], %swap3A_91 {strides = array<i32>} : memref<40x128xf32, #tpu.memory_space<vmem>>, vector<1x16xf32>,
      %broadcast_in_dim3A_92 = arith.constant 1.000000e+00 : f32
      %broadcast_in_dim3A_93 = vector.broadcast %broadcast_in_dim3A_92 : f32 to vector<16xf32>
      %swap3A_94 = arith.index_cast %scan3A_51 : i32 to index
      %swap3A_95 = arith.constant 96 : index
      %swap3A_96 = tpu.vector_load %arg21[%swap3A_94, %swap3A_95] {strides = array<i32>} : memref<40x128xf32, #tpu.memory_space<vmem>>, vector<1x16xf32>,
      %swap3A_97 = vector.shape_cast %swap3A_96 : vector<1x16xf32> to vector<16xf32>
      %swap3A_98 = vector.shape_cast %broadcast_in_dim3A_93 : vector<16xf32> to vector<1x16xf32>
      tpu.vector_store %arg21[%swap3A_94, %swap3A_95], %swap3A_98 {strides = array<i32>} : memref<40x128xf32, #tpu.memory_space<vmem>>, vector<1x16xf32>,
      %broadcast_in_dim3A_99 = arith.constant 1.000000e+00 : f32
      %broadcast_in_dim3A_100 = vector.broadcast %broadcast_in_dim3A_99 : f32 to vector<16xf32>
      %swap3A_101 = arith.index_cast %scan3A_51 : i32 to index
      %swap3A_102 = arith.constant 112 : index
      %swap3A_103 = tpu.vector_load %arg21[%swap3A_101, %swap3A_102] {strides = array<i32>} : memref<40x128xf32, #tpu.memory_space<vmem>>, vector<1x16xf32>,
      %swap3A_104 = vector.shape_cast %swap3A_103 : vector<1x16xf32> to vector<16xf32>
      %swap3A_105 = vector.shape_cast %broadcast_in_dim3A_100 : vector<16xf32> to vector<1x16xf32>
      tpu.vector_store %arg21[%swap3A_101, %swap3A_102], %swap3A_105 {strides = array<i32>} : memref<40x128xf32, #tpu.memory_space<vmem>>, vector<1x16xf32>,
    }
    %scan3A_36 = arith.constant 40 : i32
    %barrier3A_37 = arith.constant 0 : index
    tpu.barrier barrier_id(%barrier3A_37)
    %mul3A_38 = arith.constant 16 : i32
    %mul3A_39 = arith.muli %arg0, %mul3A_38 : i32
    %add3A_40 = arith.addi %mul3A_39, %arg1 : i32
    %mul3A_41 = arith.constant 5000 : i32
    %mul3A_42 = arith.muli %add3A_40, %mul3A_41 : i32
    %scan3A_43 = arith.constant 0 : i32
    %scan3A_44 = arith.constant 0 : i32
    %scan3A_45 = arith.constant 125 : i32
    %scan3A_46 = arith.addi %scan3A_44, %scan3A_45 : i32
    %scan3A_47 = arith.constant 1 : i32
    scf.for %scan3A_51 = %scan3A_44 to %scan3A_46 step %scan3A_47  : i32 {
      %mul3A_52 = arith.constant 40 : i32
      %mul3A_53 = arith.muli %scan3A_51, %mul3A_52 : i32
      %add3A_54 = arith.addi %mul3A_42, %mul3A_53 : i32
      "tpu.region"() ({
        %run_scoped3A = tpu.sem_alloc : memref<!tpu.dma_semaphore, #tpu.memory_space<semaphore_mem>>
        %dma_start3A = tpu.memref_slice %arg5[%add3A_54] : memref<160000xi32, #tpu.memory_space<hbm>> -> memref<40xi32, #tpu.memory_space<hbm>>
        %dma_start3A_55 = tpu.memref_slice %arg5[%add3A_54] : memref<160000xi32, #tpu.memory_space<hbm>> -> memref<40xi32, #tpu.memory_space<hbm>>
        tpu.enqueue_dma source(%dma_start3A_55 : memref<40xi32, #tpu.memory_space<hbm>>) target(%arg20 : memref<40xi32, #tpu.memory_space<vmem>>) target_semaphore(%run_scoped3A : memref<!tpu.dma_semaphore, #tpu.memory_space<semaphore_mem>>)
        %dma_wait3A = tpu.memref_slice %arg5[%add3A_54] : memref<160000xi32, #tpu.memory_space<hbm>> -> memref<40xi32, #tpu.memory_space<hbm>>
        %dma_wait3A_56 = tpu.memref_slice %arg5[%add3A_54] : memref<160000xi32, #tpu.memory_space<hbm>> -> memref<40xi32, #tpu.memory_space<hbm>>
        tpu.wait_dma2 semaphore(%run_scoped3A : memref<!tpu.dma_semaphore, #tpu.memory_space<semaphore_mem>>) src(%dma_wait3A_56 : memref<40xi32, #tpu.memory_space<hbm>>) dst(%arg20 : memref<40xi32, #tpu.memory_space<vmem>>)
        tpu.yield
      }) : () -> ()
      "tpu.region"() ({
        %run_scoped3A = tpu.sem_alloc : memref<!tpu.dma_semaphore, #tpu.memory_space<semaphore_mem>>
        %dma_start3A = arith.constant 0 : i32
        %dma_start3A_55 = arith.constant 0 : i32
        %dma_start3A_56 = tpu.memref_slice %arg15[%dma_start3A, %dma_start3A_55] : memref<10240x128xf32, #tpu.memory_space<vmem_shared>> -> memref<10240x128xf32, #tpu.memory_space<vmem_shared>>
        tpu.enqueue_indirect_dma source(%arg21 : memref<40x128xf32, #tpu.memory_space<vmem>>) target(%dma_start3A_56 : memref<10240x128xf32, #tpu.memory_space<vmem_shared>>) offsets(%arg20 : memref<40xi32, #tpu.memory_space<vmem>>) semaphore(%run_scoped3A : memref<!tpu.dma_semaphore, #tpu.memory_space<semaphore_mem>>) {add = true}
        %dma_wait3A = arith.constant 0 : i32
        %dma_wait3A_57 = arith.constant 0 : i32
        %dma_wait3A_58 = tpu.memref_slice %arg15[%dma_wait3A, %dma_wait3A_57] : memref<10240x128xf32, #tpu.memory_space<vmem_shared>> -> memref<10240x128xf32, #tpu.memory_space<vmem_shared>>
        tpu.wait_indirect_dma semaphore(%run_scoped3A : memref<!tpu.dma_semaphore, #tpu.memory_space<semaphore_mem>>) src(%arg21 : memref<40x128xf32, #tpu.memory_space<vmem>>) dst(%dma_wait3A_58 : memref<10240x128xf32, #tpu.memory_space<vmem_shared>>)
        tpu.yield
      }) : () -> ()
    }
    %scan3A_48 = arith.constant 125 : i32
    %barrier3A_49 = arith.constant 0 : index
    tpu.barrier barrier_id(%barrier3A_49)
    %add3A_50 = arith.addi %mul3A_4, %mul3A_0 : i32
    "tpu.region"() ({
      %run_scoped3A = tpu.sem_alloc : memref<!tpu.dma_semaphore, #tpu.memory_space<semaphore_mem>>
      %dma_start3A = arith.constant 0 : i32
      %dma_start3A_51 = tpu.memref_slice %arg7[%add3A_50, %dma_start3A] : memref<20480x128xf32, #tpu.memory_space<hbm>> -> memref<640x128xf32, #tpu.memory_space<hbm>>
      %dma_start3A_52 = arith.constant 0 : i32
      %dma_start3A_53 = tpu.memref_slice %arg15[%mul3A_0, %dma_start3A_52] : memref<10240x128xf32, #tpu.memory_space<vmem_shared>> -> memref<640x128xf32, #tpu.memory_space<vmem_shared>>
      tpu.enqueue_dma source(%dma_start3A_53 : memref<640x128xf32, #tpu.memory_space<vmem_shared>>) target(%dma_start3A_51 : memref<640x128xf32, #tpu.memory_space<hbm>>) target_semaphore(%run_scoped3A : memref<!tpu.dma_semaphore, #tpu.memory_space<semaphore_mem>>)
      %dma_wait3A = arith.constant 0 : i32
      %dma_wait3A_54 = tpu.memref_slice %arg7[%add3A_50, %dma_wait3A] : memref<20480x128xf32, #tpu.memory_space<hbm>> -> memref<640x128xf32, #tpu.memory_space<hbm>>
      %dma_wait3A_55 = arith.constant 0 : i32
      %dma_wait3A_56 = tpu.memref_slice %arg15[%mul3A_0, %dma_wait3A_55] : memref<10240x128xf32, #tpu.memory_space<vmem_shared>> -> memref<640x128xf32, #tpu.memory_space<vmem_shared>>
      tpu.wait_dma2 semaphore(%run_scoped3A : memref<!tpu.dma_semaphore, #tpu.memory_space<semaphore_mem>>) src(%dma_wait3A_56 : memref<640x128xf32, #tpu.memory_space<vmem_shared>>) dst(%dma_wait3A_54 : memref<640x128xf32, #tpu.memory_space<hbm>>)
      tpu.yield
    }) : () -> ()
    return
  }
}

module attributes {stable_mosaic.version = 14 : i64} {
  func.func @_edge_pre_body(%arg0: i32, %arg1: memref<640x256xf32, #tpu.memory_space<vmem>>, %arg2: memref<256x768xbf16, #tpu.memory_space<vmem>>, %arg3: memref<1x256xf32, #tpu.memory_space<vmem>>, %arg4: memref<1x512xf32, #tpu.memory_space<vmem>>, %arg5: memref<2x640x128xf32, #tpu.memory_space<vmem>>, %arg6: memref<2x640x128xf32, #tpu.memory_space<vmem>>) attributes {dimension_semantics = [#tpu.dimension_semantics<arbitrary>], iteration_bounds = array<i64: 250>, scalar_prefetch = 0 : i64, scratch_operands = 0 : i64, tpu.core_type = #tpu.core_type<tc>, window_params = [{transform_indices = @transform_0, window_bounds = array<i64: 640, 256>}, {pipeline_mode = #tpu.pipeline_mode<synchronous>, transform_indices = @transform_1, window_bounds = array<i64: 256, 768>}, {pipeline_mode = #tpu.pipeline_mode<synchronous>, transform_indices = @transform_2, window_bounds = array<i64: 1, 256>}, {pipeline_mode = #tpu.pipeline_mode<synchronous>, transform_indices = @transform_3, window_bounds = array<i64: 1, 512>}, {transform_indices = @transform_4, window_bounds = array<i64: 2, 640, 128>}, {transform_indices = @transform_5, window_bounds = array<i64: 2, 640, 128>}]} {
    %get3A = arith.constant 0 : index
    %get3A_0 = arith.constant 0 : index
    %get3A_1 = vector.load %arg1[%get3A, %get3A_0] : memref<640x256xf32, #tpu.memory_space<vmem>>, vector<640x256xf32>
    %convert_element_type3A = arith.truncf %get3A_1 : vector<640x256xf32> to vector<640x256xbf16>
    %get3A_2 = arith.constant 0 : index
    %get3A_3 = arith.constant 0 : index
    %get3A_4 = vector.load %arg2[%get3A_2, %get3A_3] : memref<256x768xbf16, #tpu.memory_space<vmem>>, vector<256x768xbf16>
    %dot_general3A = arith.constant dense<0.000000e+00> : vector<640x768xf32>
    %dot_general3A_5 = tpu.matmul %convert_element_type3A, %get3A_4, %dot_general3A {dimension_numbers = #tpu.dot_dimension_numbers<[1], [0], [0], [1], [0, 0, 1, 1], [], []>, transpose_lhs_hint = false} : vector<640x256xbf16>, vector<256x768xbf16>, vector<640x768xf32> -> vector<640x768xf32>
    %slice3A = vector.extract_strided_slice %dot_general3A_5 {offsets = [0, 0], sizes = [640, 256], strides = [1, 1]} : vector<640x768xf32> to vector<640x256xf32>
    %slice3A_6 = vector.extract_strided_slice %dot_general3A_5 {offsets = [0, 256], sizes = [640, 512], strides = [1, 1]} : vector<640x768xf32> to vector<640x512xf32>
    %get3A_7 = arith.constant 0 : index
    %get3A_8 = arith.constant 0 : index
    %get3A_9 = vector.load %arg3[%get3A_7, %get3A_8] : memref<1x256xf32, #tpu.memory_space<vmem>>, vector<1x256xf32>
    %mul3A = arith.mulf %get3A_9, %get3A_9 : vector<1x256xf32>
    %reduce_sum3A = arith.constant dense<0.000000e+00> : vector<1xf32>
    %reduce_sum3A_10 = vector.multi_reduction <add>, %mul3A, %reduce_sum3A [1] : vector<1x256xf32> to vector<1xf32>
    %broadcast_in_dim3A = vector.shape_cast %reduce_sum3A_10 : vector<1xf32> to vector<1x1xf32>
    %mul3A_11 = vector.broadcast %get3A_9 : vector<1x256xf32> to vector<640x256xf32>
    %mul3A_12 = arith.mulf %slice3A, %mul3A_11 : vector<640x256xf32>
    %reduce_sum3A_13 = arith.constant dense<0.000000e+00> : vector<640xf32>
    %reduce_sum3A_14 = vector.multi_reduction <add>, %mul3A_12, %reduce_sum3A_13 [1] : vector<640x256xf32> to vector<640xf32>
    %broadcast_in_dim3A_15 = vector.shape_cast %reduce_sum3A_14 : vector<640xf32> to vector<640x1xf32>
    %mul3A_16 = arith.mulf %get3A_1, %get3A_1 : vector<640x256xf32>
    %reduce_sum3A_17 = arith.constant dense<0.000000e+00> : vector<640xf32>
    %reduce_sum3A_18 = vector.multi_reduction <add>, %mul3A_16, %reduce_sum3A_17 [1] : vector<640x256xf32> to vector<640xf32>
    %broadcast_in_dim3A_19 = vector.shape_cast %reduce_sum3A_18 : vector<640xf32> to vector<640x1xf32>
    %sqrt3A = math.sqrt %broadcast_in_dim3A_19 : vector<640x1xf32>
    %jit3A = arith.constant 1.000000e-15 : f32
    %max3A = vector.broadcast %jit3A : f32 to vector<640x1xf32>
    %max3A_20 = arith.maximumf %max3A, %sqrt3A : vector<640x1xf32>
    %mul3A_21 = arith.mulf %slice3A, %slice3A : vector<640x256xf32>
    %reduce_sum3A_22 = arith.constant dense<0.000000e+00> : vector<640xf32>
    %reduce_sum3A_23 = vector.multi_reduction <add>, %mul3A_21, %reduce_sum3A_22 [1] : vector<640x256xf32> to vector<640xf32>
    %broadcast_in_dim3A_24 = vector.shape_cast %reduce_sum3A_23 : vector<640xf32> to vector<640x1xf32>
    %sqrt3A_25 = math.sqrt %broadcast_in_dim3A_24 : vector<640x1xf32>
    %jit3A_26 = arith.constant 1.000000e-15 : f32
    %max3A_27 = vector.broadcast %jit3A_26 : f32 to vector<640x1xf32>
    %max3A_28 = arith.maximumf %max3A_27, %sqrt3A_25 : vector<640x1xf32>
    %div3A = arith.divf %max3A_28, %max3A_20 : vector<640x1xf32>
    %jit3A_29 = arith.constant -0.99999988 : f32
    %jit3A_30 = arith.constant 0.99999988 : f32
    %max3A_31 = vector.broadcast %jit3A_29 : f32 to vector<640x1xf32>
    %max3A_32 = arith.maximumf %max3A_31, %max3A_20 : vector<640x1xf32>
    %min3A = vector.broadcast %jit3A_30 : f32 to vector<640x1xf32>
    %min3A_33 = arith.minimumf %min3A, %max3A_32 : vector<640x1xf32>
    %add3A = arith.constant 1.000000e+00 : f32
    %add3A_34 = vector.broadcast %add3A : f32 to vector<640x1xf32>
    %add3A_35 = arith.addf %add3A_34, %min3A_33 : vector<640x1xf32>
    %sub3A = arith.constant 1.000000e+00 : f32
    %sub3A_36 = vector.broadcast %sub3A : f32 to vector<640x1xf32>
    %sub3A_37 = arith.subf %sub3A_36, %min3A_33 : vector<640x1xf32>
    %div3A_38 = arith.divf %add3A_35, %sub3A_37 : vector<640x1xf32>
    %log3A = math.log %div3A_38 : vector<640x1xf32>
    %mul3A_39 = arith.constant 5.000000e-01 : f32
    %mul3A_40 = vector.broadcast %mul3A_39 : f32 to vector<640x1xf32>
    %mul3A_41 = arith.mulf %mul3A_40, %log3A : vector<640x1xf32>
    %mul3A_42 = arith.mulf %div3A, %mul3A_41 : vector<640x1xf32>
    %tanh3A = math.tanh %mul3A_42 : vector<640x1xf32>
    %min3A_43 = arith.constant 0.999989986 : f32
    %min3A_44 = vector.broadcast %min3A_43 : f32 to vector<640x1xf32>
    %min3A_45 = arith.minimumf %tanh3A, %min3A_44 : vector<640x1xf32>
    %div3A_46 = arith.divf %min3A_45, %max3A_28 : vector<640x1xf32>
    %mul3A_47 = arith.mulf %min3A_45, %min3A_45 : vector<640x1xf32>
    %mul3A_48 = arith.mulf %div3A_46, %broadcast_in_dim3A_15 : vector<640x1xf32>
    %mul3A_49 = arith.constant 2.000000e+00 : f32
    %mul3A_50 = vector.broadcast %mul3A_49 : f32 to vector<640x1xf32>
    %mul3A_51 = arith.mulf %mul3A_50, %mul3A_48 : vector<640x1xf32>
    %add3A_52 = arith.constant 1.000000e+00 : f32
    %add3A_53 = vector.broadcast %add3A_52 : f32 to vector<640x1xf32>
    %add3A_54 = arith.addf %add3A_53, %mul3A_51 : vector<640x1xf32>
    %add3A_55 = vector.broadcast %broadcast_in_dim3A : vector<1x1xf32> to vector<640x1xf32>
    %add3A_56 = arith.addf %add3A_54, %add3A_55 : vector<640x1xf32>
    %sub3A_57 = arith.constant 1.000000e+00 : f32
    %sub3A_58 = vector.broadcast %sub3A_57 : f32 to vector<640x1xf32>
    %sub3A_59 = arith.subf %sub3A_58, %mul3A_47 : vector<640x1xf32>
    %mul3A_60 = arith.constant 2.000000e+00 : f32
    %mul3A_61 = vector.broadcast %mul3A_60 : f32 to vector<640x1xf32>
    %mul3A_62 = arith.mulf %mul3A_61, %mul3A_48 : vector<640x1xf32>
    %add3A_63 = arith.constant 1.000000e+00 : f32
    %add3A_64 = vector.broadcast %add3A_63 : f32 to vector<640x1xf32>
    %add3A_65 = arith.addf %add3A_64, %mul3A_62 : vector<640x1xf32>
    %mul3A_66 = vector.broadcast %broadcast_in_dim3A : vector<1x1xf32> to vector<640x1xf32>
    %mul3A_67 = arith.mulf %mul3A_47, %mul3A_66 : vector<640x1xf32>
    %add3A_68 = arith.addf %add3A_65, %mul3A_67 : vector<640x1xf32>
    %jit3A_69 = arith.constant 1.000000e-15 : f32
    %max3A_70 = vector.broadcast %jit3A_69 : f32 to vector<640x1xf32>
    %max3A_71 = arith.maximumf %max3A_70, %add3A_68 : vector<640x1xf32>
    %mul3A_72 = arith.mulf %add3A_56, %div3A_46 : vector<640x1xf32>
    %div3A_73 = arith.divf %mul3A_72, %max3A_71 : vector<640x1xf32>
    %div3A_74 = arith.divf %sub3A_59, %max3A_71 : vector<640x1xf32>
    %mul3A_75 = arith.mulf %add3A_56, %add3A_56 : vector<640x1xf32>
    %mul3A_76 = arith.mulf %mul3A_75, %mul3A_47 : vector<640x1xf32>
    %mul3A_77 = arith.constant 2.000000e+00 : f32
    %mul3A_78 = vector.broadcast %mul3A_77 : f32 to vector<640x1xf32>
    %mul3A_79 = arith.mulf %mul3A_78, %add3A_56 : vector<640x1xf32>
    %mul3A_80 = arith.mulf %mul3A_79, %sub3A_59 : vector<640x1xf32>
    %mul3A_81 = arith.mulf %mul3A_80, %mul3A_48 : vector<640x1xf32>
    %add3A_82 = arith.addf %mul3A_76, %mul3A_81 : vector<640x1xf32>
    %mul3A_83 = arith.mulf %sub3A_59, %sub3A_59 : vector<640x1xf32>
    %mul3A_84 = vector.broadcast %broadcast_in_dim3A : vector<1x1xf32> to vector<640x1xf32>
    %mul3A_85 = arith.mulf %mul3A_83, %mul3A_84 : vector<640x1xf32>
    %add3A_86 = arith.addf %add3A_82, %mul3A_85 : vector<640x1xf32>
    %sqrt3A_87 = math.sqrt %add3A_86 : vector<640x1xf32>
    %div3A_88 = arith.divf %sqrt3A_87, %max3A_71 : vector<640x1xf32>
    %jit3A_89 = arith.constant 1.000000e-15 : f32
    %max3A_90 = vector.broadcast %jit3A_89 : f32 to vector<640x1xf32>
    %max3A_91 = arith.maximumf %max3A_90, %div3A_88 : vector<640x1xf32>
    %gt3A = arith.constant 0.999989986 : f32
    %gt3A_92 = vector.broadcast %gt3A : f32 to vector<640x1xf32>
    %gt3A_93 = arith.cmpf ogt, %max3A_91, %gt3A_92 : vector<640x1xf32>
    %div3A_94 = arith.constant 0.999989986 : f32
    %div3A_95 = vector.broadcast %div3A_94 : f32 to vector<640x1xf32>
    %div3A_96 = arith.divf %div3A_95, %max3A_91 : vector<640x1xf32>
    %jit3A_97 = arith.constant 1.000000e+00 : f32
    %broadcast_in_dim3A_98 = vector.broadcast %jit3A_97 : f32 to vector<640x1xf32>
    %select_n3A = arith.select %gt3A_93, %div3A_96, %broadcast_in_dim3A_98 : vector<640x1xi1>, vector<640x1xf32>
    %mul3A_99 = arith.mulf %select_n3A, %max3A_91 : vector<640x1xf32>
    %jit3A_100 = arith.constant 1.000000e-15 : f32
    %max3A_101 = vector.broadcast %jit3A_100 : f32 to vector<640x1xf32>
    %max3A_102 = arith.maximumf %max3A_101, %mul3A_99 : vector<640x1xf32>
    %jit3A_103 = arith.constant -0.99999988 : f32
    %jit3A_104 = arith.constant 0.99999988 : f32
    %max3A_105 = vector.broadcast %jit3A_103 : f32 to vector<640x1xf32>
    %max3A_106 = arith.maximumf %max3A_105, %max3A_102 : vector<640x1xf32>
    %min3A_107 = vector.broadcast %jit3A_104 : f32 to vector<640x1xf32>
    %min3A_108 = arith.minimumf %min3A_107, %max3A_106 : vector<640x1xf32>
    %add3A_109 = arith.constant 1.000000e+00 : f32
    %add3A_110 = vector.broadcast %add3A_109 : f32 to vector<640x1xf32>
    %add3A_111 = arith.addf %add3A_110, %min3A_108 : vector<640x1xf32>
    %sub3A_112 = arith.constant 1.000000e+00 : f32
    %sub3A_113 = vector.broadcast %sub3A_112 : f32 to vector<640x1xf32>
    %sub3A_114 = arith.subf %sub3A_113, %min3A_108 : vector<640x1xf32>
    %div3A_115 = arith.divf %add3A_111, %sub3A_114 : vector<640x1xf32>
    %log3A_116 = math.log %div3A_115 : vector<640x1xf32>
    %mul3A_117 = arith.constant 5.000000e-01 : f32
    %mul3A_118 = vector.broadcast %mul3A_117 : f32 to vector<640x1xf32>
    %mul3A_119 = arith.mulf %mul3A_118, %log3A_116 : vector<640x1xf32>
    %div3A_120 = arith.divf %mul3A_119, %max3A_102 : vector<640x1xf32>
    %mul3A_121 = arith.mulf %div3A_120, %select_n3A : vector<640x1xf32>
    %mul3A_122 = arith.mulf %mul3A_121, %div3A_73 : vector<640x1xf32>
    %mul3A_123 = arith.mulf %div3A_120, %select_n3A : vector<640x1xf32>
    %mul3A_124 = arith.mulf %mul3A_123, %div3A_74 : vector<640x1xf32>
    %mul3A_125 = vector.broadcast %mul3A_122 : vector<640x1xf32> to vector<640x512xf32>
    %mul3A_126 = arith.mulf %mul3A_125, %slice3A_6 : vector<640x512xf32>
    %get3A_127 = arith.constant 0 : index
    %get3A_128 = arith.constant 0 : index
    %get3A_129 = vector.load %arg4[%get3A_127, %get3A_128] : memref<1x512xf32, #tpu.memory_space<vmem>>, vector<1x512xf32>
    %mul3A_130 = vector.broadcast %mul3A_124 : vector<640x1xf32> to vector<640x512xf32>
    %mul3A_131 = vector.broadcast %get3A_129 : vector<1x512xf32> to vector<640x512xf32>
    %mul3A_132 = arith.mulf %mul3A_130, %mul3A_131 : vector<640x512xf32>
    %add3A_133 = arith.addf %mul3A_126, %mul3A_132 : vector<640x512xf32>
    %slice3A_134 = vector.extract_strided_slice %add3A_133 {offsets = [0, 0], sizes = [640, 128], strides = [1, 1]} : vector<640x512xf32> to vector<640x128xf32>
    %swap3A = arith.constant 0 : index
    %swap3A_135 = arith.constant 0 : index
    %swap3A_136 = arith.constant 0 : index
    %swap3A_137 = vector.load %arg5[%swap3A, %swap3A_135, %swap3A_136] : memref<2x640x128xf32, #tpu.memory_space<vmem>>, vector<1x640x128xf32>
    %swap3A_138 = vector.shape_cast %swap3A_137 : vector<1x640x128xf32> to vector<640x128xf32>
    %swap3A_139 = vector.shape_cast %slice3A_134 : vector<640x128xf32> to vector<1x640x128xf32>
    tpu.vector_store %arg5[%swap3A, %swap3A_135, %swap3A_136], %swap3A_139 {strides = array<i32>} : memref<2x640x128xf32, #tpu.memory_space<vmem>>, vector<1x640x128xf32>,
    %slice3A_140 = vector.extract_strided_slice %add3A_133 {offsets = [0, 128], sizes = [640, 128], strides = [1, 1]} : vector<640x512xf32> to vector<640x128xf32>
    %swap3A_141 = arith.constant 1 : index
    %swap3A_142 = arith.constant 0 : index
    %swap3A_143 = arith.constant 0 : index
    %swap3A_144 = vector.load %arg5[%swap3A_141, %swap3A_142, %swap3A_143] : memref<2x640x128xf32, #tpu.memory_space<vmem>>, vector<1x640x128xf32>
    %swap3A_145 = vector.shape_cast %swap3A_144 : vector<1x640x128xf32> to vector<640x128xf32>
    %swap3A_146 = vector.shape_cast %slice3A_140 : vector<640x128xf32> to vector<1x640x128xf32>
    tpu.vector_store %arg5[%swap3A_141, %swap3A_142, %swap3A_143], %swap3A_146 {strides = array<i32>} : memref<2x640x128xf32, #tpu.memory_space<vmem>>, vector<1x640x128xf32>,
    %slice3A_147 = vector.extract_strided_slice %add3A_133 {offsets = [0, 256], sizes = [640, 128], strides = [1, 1]} : vector<640x512xf32> to vector<640x128xf32>
    %swap3A_148 = arith.constant 0 : index
    %swap3A_149 = arith.constant 0 : index
    %swap3A_150 = arith.constant 0 : index
    %swap3A_151 = vector.load %arg6[%swap3A_148, %swap3A_149, %swap3A_150] : memref<2x640x128xf32, #tpu.memory_space<vmem>>, vector<1x640x128xf32>
    %swap3A_152 = vector.shape_cast %swap3A_151 : vector<1x640x128xf32> to vector<640x128xf32>
    %swap3A_153 = vector.shape_cast %slice3A_147 : vector<640x128xf32> to vector<1x640x128xf32>
    tpu.vector_store %arg6[%swap3A_148, %swap3A_149, %swap3A_150], %swap3A_153 {strides = array<i32>} : memref<2x640x128xf32, #tpu.memory_space<vmem>>, vector<1x640x128xf32>,
    %slice3A_154 = vector.extract_strided_slice %add3A_133 {offsets = [0, 384], sizes = [640, 128], strides = [1, 1]} : vector<640x512xf32> to vector<640x128xf32>
    %swap3A_155 = arith.constant 1 : index
    %swap3A_156 = arith.constant 0 : index
    %swap3A_157 = arith.constant 0 : index
    %swap3A_158 = vector.load %arg6[%swap3A_155, %swap3A_156, %swap3A_157] : memref<2x640x128xf32, #tpu.memory_space<vmem>>, vector<1x640x128xf32>
    %swap3A_159 = vector.shape_cast %swap3A_158 : vector<1x640x128xf32> to vector<640x128xf32>
    %swap3A_160 = vector.shape_cast %slice3A_154 : vector<640x128xf32> to vector<1x640x128xf32>
    tpu.vector_store %arg6[%swap3A_155, %swap3A_156, %swap3A_157], %swap3A_160 {strides = array<i32>} : memref<2x640x128xf32, #tpu.memory_space<vmem>>, vector<1x640x128xf32>,
    return
  }
  func.func @transform_0(%arg0: i32) -> (i32, i32) {
    %c0_i32 = arith.constant 0 : i32
    %c0_i32_0 = arith.constant 0 : i32
    return %arg0, %c0_i32 : i32, i32
  }
  func.func @transform_1(%arg0: i32) -> (i32, i32) {
    %c0_i32 = arith.constant 0 : i32
    %c0_i32_0 = arith.constant 0 : i32
    %c0_i32_1 = arith.constant 0 : i32
    return %c0_i32, %c0_i32_0 : i32, i32
  }
  func.func @transform_2(%arg0: i32) -> (i32, i32) {
    %c0_i32 = arith.constant 0 : i32
    %c0_i32_0 = arith.constant 0 : i32
    %c0_i32_1 = arith.constant 0 : i32
    return %c0_i32, %c0_i32_0 : i32, i32
  }
  func.func @transform_3(%arg0: i32) -> (i32, i32) {
    %c0_i32 = arith.constant 0 : i32
    %c0_i32_0 = arith.constant 0 : i32
    %c0_i32_1 = arith.constant 0 : i32
    return %c0_i32, %c0_i32_0 : i32, i32
  }
  func.func @transform_4(%arg0: i32) -> (i32, i32, i32) {
    %c0_i32 = arith.constant 0 : i32
    %c0_i32_0 = arith.constant 0 : i32
    %c0_i32_1 = arith.constant 0 : i32
    return %c0_i32, %arg0, %c0_i32_0 : i32, i32, i32
  }
  func.func @transform_5(%arg0: i32) -> (i32, i32, i32) {
    %c0_i32 = arith.constant 0 : i32
    %c0_i32_0 = arith.constant 0 : i32
    %c0_i32_1 = arith.constant 0 : i32
    return %c0_i32, %arg0, %c0_i32_0 : i32, i32, i32
  }
}

module attributes {stable_mosaic.version = 14 : i64} {
  func.func @_node_pre_body(%arg0: i32, %arg1: memref<1000x256xf32, #tpu.memory_space<vmem>>, %arg2: memref<256x512xf32, #tpu.memory_space<vmem>>, %arg3: memref<1x256xf32, #tpu.memory_space<vmem>>, %arg4: memref<1x256xf32, #tpu.memory_space<vmem>>, %arg5: memref<1x256xf32, #tpu.memory_space<vmem>>, %arg6: memref<1000x256xf32, #tpu.memory_space<vmem>>, %arg7: memref<2x1000x128xf32, #tpu.memory_space<vmem>>) attributes {dimension_semantics = [#tpu.dimension_semantics<arbitrary>], iteration_bounds = array<i64: 10>, scalar_prefetch = 0 : i64, scratch_operands = 0 : i64, tpu.core_type = #tpu.core_type<tc>, window_params = [{transform_indices = @transform_0, window_bounds = array<i64: 1000, 256>}, {pipeline_mode = #tpu.pipeline_mode<synchronous>, transform_indices = @transform_1, window_bounds = array<i64: 256, 512>}, {pipeline_mode = #tpu.pipeline_mode<synchronous>, transform_indices = @transform_2, window_bounds = array<i64: 1, 256>}, {pipeline_mode = #tpu.pipeline_mode<synchronous>, transform_indices = @transform_3, window_bounds = array<i64: 1, 256>}, {pipeline_mode = #tpu.pipeline_mode<synchronous>, transform_indices = @transform_4, window_bounds = array<i64: 1, 256>}, {transform_indices = @transform_5, window_bounds = array<i64: 1000, 256>}, {transform_indices = @transform_6, window_bounds = array<i64: 2, 1000, 128>}]} {
    %get3A = arith.constant 0 : index
    %get3A_0 = arith.constant 0 : index
    %get3A_1 = vector.load %arg1[%get3A, %get3A_0] : memref<1000x256xf32, #tpu.memory_space<vmem>>, vector<1000x256xf32>
    %get3A_2 = arith.constant 0 : index
    %get3A_3 = arith.constant 0 : index
    %get3A_4 = vector.load %arg2[%get3A_2, %get3A_3] : memref<256x512xf32, #tpu.memory_space<vmem>>, vector<256x512xf32>
    %dot_general3A = arith.constant dense<0.000000e+00> : vector<1000x512xf32>
    %dot_general3A_5 = tpu.matmul %get3A_1, %get3A_4, %dot_general3A {dimension_numbers = #tpu.dot_dimension_numbers<[1], [0], [0], [1], [0, 0, 1, 1], [], []>, transpose_lhs_hint = false} : vector<1000x256xf32>, vector<256x512xf32>, vector<1000x512xf32> -> vector<1000x512xf32>
    %slice3A = vector.extract_strided_slice %dot_general3A_5 {offsets = [0, 0], sizes = [1000, 256], strides = [1, 1]} : vector<1000x512xf32> to vector<1000x256xf32>
    %slice3A_6 = vector.extract_strided_slice %dot_general3A_5 {offsets = [0, 256], sizes = [1000, 256], strides = [1, 1]} : vector<1000x512xf32> to vector<1000x256xf32>
    %get3A_7 = arith.constant 0 : index
    %get3A_8 = arith.constant 0 : index
    %get3A_9 = vector.load %arg3[%get3A_7, %get3A_8] : memref<1x256xf32, #tpu.memory_space<vmem>>, vector<1x256xf32>
    %mul3A = arith.mulf %get3A_9, %get3A_9 : vector<1x256xf32>
    %reduce_sum3A = arith.constant dense<0.000000e+00> : vector<1xf32>
    %reduce_sum3A_10 = vector.multi_reduction <add>, %mul3A, %reduce_sum3A [1] : vector<1x256xf32> to vector<1xf32>
    %broadcast_in_dim3A = vector.shape_cast %reduce_sum3A_10 : vector<1xf32> to vector<1x1xf32>
    %mul3A_11 = vector.broadcast %get3A_9 : vector<1x256xf32> to vector<1000x256xf32>
    %mul3A_12 = arith.mulf %slice3A, %mul3A_11 : vector<1000x256xf32>
    %reduce_sum3A_13 = arith.constant dense<0.000000e+00> : vector<1000xf32>
    %reduce_sum3A_14 = vector.multi_reduction <add>, %mul3A_12, %reduce_sum3A_13 [1] : vector<1000x256xf32> to vector<1000xf32>
    %broadcast_in_dim3A_15 = vector.shape_cast %reduce_sum3A_14 : vector<1000xf32> to vector<1000x1xf32>
    %mul3A_16 = arith.mulf %get3A_1, %get3A_1 : vector<1000x256xf32>
    %reduce_sum3A_17 = arith.constant dense<0.000000e+00> : vector<1000xf32>
    %reduce_sum3A_18 = vector.multi_reduction <add>, %mul3A_16, %reduce_sum3A_17 [1] : vector<1000x256xf32> to vector<1000xf32>
    %broadcast_in_dim3A_19 = vector.shape_cast %reduce_sum3A_18 : vector<1000xf32> to vector<1000x1xf32>
    %sqrt3A = math.sqrt %broadcast_in_dim3A_19 : vector<1000x1xf32>
    %jit3A = arith.constant 1.000000e-15 : f32
    %max3A = vector.broadcast %jit3A : f32 to vector<1000x1xf32>
    %max3A_20 = arith.maximumf %max3A, %sqrt3A : vector<1000x1xf32>
    %mul3A_21 = arith.mulf %slice3A, %slice3A : vector<1000x256xf32>
    %reduce_sum3A_22 = arith.constant dense<0.000000e+00> : vector<1000xf32>
    %reduce_sum3A_23 = vector.multi_reduction <add>, %mul3A_21, %reduce_sum3A_22 [1] : vector<1000x256xf32> to vector<1000xf32>
    %broadcast_in_dim3A_24 = vector.shape_cast %reduce_sum3A_23 : vector<1000xf32> to vector<1000x1xf32>
    %sqrt3A_25 = math.sqrt %broadcast_in_dim3A_24 : vector<1000x1xf32>
    %jit3A_26 = arith.constant 1.000000e-15 : f32
    %max3A_27 = vector.broadcast %jit3A_26 : f32 to vector<1000x1xf32>
    %max3A_28 = arith.maximumf %max3A_27, %sqrt3A_25 : vector<1000x1xf32>
    %div3A = arith.divf %max3A_28, %max3A_20 : vector<1000x1xf32>
    %jit3A_29 = arith.constant -0.99999988 : f32
    %jit3A_30 = arith.constant 0.99999988 : f32
    %max3A_31 = vector.broadcast %jit3A_29 : f32 to vector<1000x1xf32>
    %max3A_32 = arith.maximumf %max3A_31, %max3A_20 : vector<1000x1xf32>
    %min3A = vector.broadcast %jit3A_30 : f32 to vector<1000x1xf32>
    %min3A_33 = arith.minimumf %min3A, %max3A_32 : vector<1000x1xf32>
    %add3A = arith.constant 1.000000e+00 : f32
    %add3A_34 = vector.broadcast %add3A : f32 to vector<1000x1xf32>
    %add3A_35 = arith.addf %add3A_34, %min3A_33 : vector<1000x1xf32>
    %sub3A = arith.constant 1.000000e+00 : f32
    %sub3A_36 = vector.broadcast %sub3A : f32 to vector<1000x1xf32>
    %sub3A_37 = arith.subf %sub3A_36, %min3A_33 : vector<1000x1xf32>
    %div3A_38 = arith.divf %add3A_35, %sub3A_37 : vector<1000x1xf32>
    %log3A = math.log %div3A_38 : vector<1000x1xf32>
    %mul3A_39 = arith.constant 5.000000e-01 : f32
    %mul3A_40 = vector.broadcast %mul3A_39 : f32 to vector<1000x1xf32>
    %mul3A_41 = arith.mulf %mul3A_40, %log3A : vector<1000x1xf32>
    %mul3A_42 = arith.mulf %div3A, %mul3A_41 : vector<1000x1xf32>
    %tanh3A = math.tanh %mul3A_42 : vector<1000x1xf32>
    %min3A_43 = arith.constant 0.999989986 : f32
    %min3A_44 = vector.broadcast %min3A_43 : f32 to vector<1000x1xf32>
    %min3A_45 = arith.minimumf %tanh3A, %min3A_44 : vector<1000x1xf32>
    %div3A_46 = arith.divf %min3A_45, %max3A_28 : vector<1000x1xf32>
    %mul3A_47 = arith.mulf %min3A_45, %min3A_45 : vector<1000x1xf32>
    %mul3A_48 = arith.mulf %div3A_46, %broadcast_in_dim3A_15 : vector<1000x1xf32>
    %mul3A_49 = arith.constant 2.000000e+00 : f32
    %mul3A_50 = vector.broadcast %mul3A_49 : f32 to vector<1000x1xf32>
    %mul3A_51 = arith.mulf %mul3A_50, %mul3A_48 : vector<1000x1xf32>
    %add3A_52 = arith.constant 1.000000e+00 : f32
    %add3A_53 = vector.broadcast %add3A_52 : f32 to vector<1000x1xf32>
    %add3A_54 = arith.addf %add3A_53, %mul3A_51 : vector<1000x1xf32>
    %add3A_55 = vector.broadcast %broadcast_in_dim3A : vector<1x1xf32> to vector<1000x1xf32>
    %add3A_56 = arith.addf %add3A_54, %add3A_55 : vector<1000x1xf32>
    %sub3A_57 = arith.constant 1.000000e+00 : f32
    %sub3A_58 = vector.broadcast %sub3A_57 : f32 to vector<1000x1xf32>
    %sub3A_59 = arith.subf %sub3A_58, %mul3A_47 : vector<1000x1xf32>
    %mul3A_60 = arith.constant 2.000000e+00 : f32
    %mul3A_61 = vector.broadcast %mul3A_60 : f32 to vector<1000x1xf32>
    %mul3A_62 = arith.mulf %mul3A_61, %mul3A_48 : vector<1000x1xf32>
    %add3A_63 = arith.constant 1.000000e+00 : f32
    %add3A_64 = vector.broadcast %add3A_63 : f32 to vector<1000x1xf32>
    %add3A_65 = arith.addf %add3A_64, %mul3A_62 : vector<1000x1xf32>
    %mul3A_66 = vector.broadcast %broadcast_in_dim3A : vector<1x1xf32> to vector<1000x1xf32>
    %mul3A_67 = arith.mulf %mul3A_47, %mul3A_66 : vector<1000x1xf32>
    %add3A_68 = arith.addf %add3A_65, %mul3A_67 : vector<1000x1xf32>
    %jit3A_69 = arith.constant 1.000000e-15 : f32
    %max3A_70 = vector.broadcast %jit3A_69 : f32 to vector<1000x1xf32>
    %max3A_71 = arith.maximumf %max3A_70, %add3A_68 : vector<1000x1xf32>
    %mul3A_72 = arith.mulf %add3A_56, %div3A_46 : vector<1000x1xf32>
    %div3A_73 = arith.divf %mul3A_72, %max3A_71 : vector<1000x1xf32>
    %div3A_74 = arith.divf %sub3A_59, %max3A_71 : vector<1000x1xf32>
    %mul3A_75 = arith.mulf %add3A_56, %add3A_56 : vector<1000x1xf32>
    %mul3A_76 = arith.mulf %mul3A_75, %mul3A_47 : vector<1000x1xf32>
    %mul3A_77 = arith.constant 2.000000e+00 : f32
    %mul3A_78 = vector.broadcast %mul3A_77 : f32 to vector<1000x1xf32>
    %mul3A_79 = arith.mulf %mul3A_78, %add3A_56 : vector<1000x1xf32>
    %mul3A_80 = arith.mulf %mul3A_79, %sub3A_59 : vector<1000x1xf32>
    %mul3A_81 = arith.mulf %mul3A_80, %mul3A_48 : vector<1000x1xf32>
    %add3A_82 = arith.addf %mul3A_76, %mul3A_81 : vector<1000x1xf32>
    %mul3A_83 = arith.mulf %sub3A_59, %sub3A_59 : vector<1000x1xf32>
    %mul3A_84 = vector.broadcast %broadcast_in_dim3A : vector<1x1xf32> to vector<1000x1xf32>
    %mul3A_85 = arith.mulf %mul3A_83, %mul3A_84 : vector<1000x1xf32>
    %add3A_86 = arith.addf %add3A_82, %mul3A_85 : vector<1000x1xf32>
    %sqrt3A_87 = math.sqrt %add3A_86 : vector<1000x1xf32>
    %div3A_88 = arith.divf %sqrt3A_87, %max3A_71 : vector<1000x1xf32>
    %jit3A_89 = arith.constant 1.000000e-15 : f32
    %max3A_90 = vector.broadcast %jit3A_89 : f32 to vector<1000x1xf32>
    %max3A_91 = arith.maximumf %max3A_90, %div3A_88 : vector<1000x1xf32>
    %gt3A = arith.constant 0.999989986 : f32
    %gt3A_92 = vector.broadcast %gt3A : f32 to vector<1000x1xf32>
    %gt3A_93 = arith.cmpf ogt, %max3A_91, %gt3A_92 : vector<1000x1xf32>
    %div3A_94 = arith.constant 0.999989986 : f32
    %div3A_95 = vector.broadcast %div3A_94 : f32 to vector<1000x1xf32>
    %div3A_96 = arith.divf %div3A_95, %max3A_91 : vector<1000x1xf32>
    %jit3A_97 = arith.constant 1.000000e+00 : f32
    %broadcast_in_dim3A_98 = vector.broadcast %jit3A_97 : f32 to vector<1000x1xf32>
    %select_n3A = arith.select %gt3A_93, %div3A_96, %broadcast_in_dim3A_98 : vector<1000x1xi1>, vector<1000x1xf32>
    %mul3A_99 = arith.mulf %select_n3A, %max3A_91 : vector<1000x1xf32>
    %jit3A_100 = arith.constant 1.000000e-15 : f32
    %max3A_101 = vector.broadcast %jit3A_100 : f32 to vector<1000x1xf32>
    %max3A_102 = arith.maximumf %max3A_101, %mul3A_99 : vector<1000x1xf32>
    %jit3A_103 = arith.constant -0.99999988 : f32
    %jit3A_104 = arith.constant 0.99999988 : f32
    %max3A_105 = vector.broadcast %jit3A_103 : f32 to vector<1000x1xf32>
    %max3A_106 = arith.maximumf %max3A_105, %max3A_102 : vector<1000x1xf32>
    %min3A_107 = vector.broadcast %jit3A_104 : f32 to vector<1000x1xf32>
    %min3A_108 = arith.minimumf %min3A_107, %max3A_106 : vector<1000x1xf32>
    %add3A_109 = arith.constant 1.000000e+00 : f32
    %add3A_110 = vector.broadcast %add3A_109 : f32 to vector<1000x1xf32>
    %add3A_111 = arith.addf %add3A_110, %min3A_108 : vector<1000x1xf32>
    %sub3A_112 = arith.constant 1.000000e+00 : f32
    %sub3A_113 = vector.broadcast %sub3A_112 : f32 to vector<1000x1xf32>
    %sub3A_114 = arith.subf %sub3A_113, %min3A_108 : vector<1000x1xf32>
    %div3A_115 = arith.divf %add3A_111, %sub3A_114 : vector<1000x1xf32>
    %log3A_116 = math.log %div3A_115 : vector<1000x1xf32>
    %mul3A_117 = arith.constant 5.000000e-01 : f32
    %mul3A_118 = vector.broadcast %mul3A_117 : f32 to vector<1000x1xf32>
    %mul3A_119 = arith.mulf %mul3A_118, %log3A_116 : vector<1000x1xf32>
    %div3A_120 = arith.divf %mul3A_119, %max3A_102 : vector<1000x1xf32>
    %mul3A_121 = arith.mulf %div3A_120, %select_n3A : vector<1000x1xf32>
    %mul3A_122 = arith.mulf %mul3A_121, %div3A_73 : vector<1000x1xf32>
    %mul3A_123 = arith.mulf %div3A_120, %select_n3A : vector<1000x1xf32>
    %mul3A_124 = arith.mulf %mul3A_123, %div3A_74 : vector<1000x1xf32>
    %mul3A_125 = vector.broadcast %mul3A_122 : vector<1000x1xf32> to vector<1000x256xf32>
    %mul3A_126 = arith.mulf %mul3A_125, %slice3A : vector<1000x256xf32>
    %mul3A_127 = vector.broadcast %mul3A_124 : vector<1000x1xf32> to vector<1000x256xf32>
    %mul3A_128 = vector.broadcast %get3A_9 : vector<1x256xf32> to vector<1000x256xf32>
    %mul3A_129 = arith.mulf %mul3A_127, %mul3A_128 : vector<1000x256xf32>
    %add3A_130 = arith.addf %mul3A_126, %mul3A_129 : vector<1000x256xf32>
    %swap3A = arith.constant 0 : index
    %swap3A_131 = arith.constant 0 : index
    %swap3A_132 = vector.load %arg6[%swap3A, %swap3A_131] : memref<1000x256xf32, #tpu.memory_space<vmem>>, vector<1000x256xf32>
    tpu.vector_store %arg6[%swap3A, %swap3A_131], %add3A_130 {strides = array<i32>} : memref<1000x256xf32, #tpu.memory_space<vmem>>, vector<1000x256xf32>,
    %mul3A_133 = vector.broadcast %mul3A_122 : vector<1000x1xf32> to vector<1000x256xf32>
    %mul3A_134 = arith.mulf %mul3A_133, %slice3A_6 : vector<1000x256xf32>
    %get3A_135 = arith.constant 0 : index
    %get3A_136 = arith.constant 0 : index
    %get3A_137 = vector.load %arg4[%get3A_135, %get3A_136] : memref<1x256xf32, #tpu.memory_space<vmem>>, vector<1x256xf32>
    %mul3A_138 = vector.broadcast %mul3A_124 : vector<1000x1xf32> to vector<1000x256xf32>
    %mul3A_139 = vector.broadcast %get3A_137 : vector<1x256xf32> to vector<1000x256xf32>
    %mul3A_140 = arith.mulf %mul3A_138, %mul3A_139 : vector<1000x256xf32>
    %get3A_141 = arith.constant 0 : index
    %get3A_142 = arith.constant 0 : index
    %get3A_143 = vector.load %arg5[%get3A_141, %get3A_142] : memref<1x256xf32, #tpu.memory_space<vmem>>, vector<1x256xf32>
    %add3A_144 = vector.broadcast %get3A_143 : vector<1x256xf32> to vector<1000x256xf32>
    %add3A_145 = arith.addf %mul3A_140, %add3A_144 : vector<1000x256xf32>
    %add3A_146 = arith.addf %mul3A_134, %add3A_145 : vector<1000x256xf32>
    %slice3A_147 = vector.extract_strided_slice %add3A_146 {offsets = [0, 0], sizes = [1000, 128], strides = [1, 1]} : vector<1000x256xf32> to vector<1000x128xf32>
    %swap3A_148 = arith.constant 0 : index
    %swap3A_149 = arith.constant 0 : index
    %swap3A_150 = arith.constant 0 : index
    %swap3A_151 = vector.load %arg7[%swap3A_148, %swap3A_149, %swap3A_150] : memref<2x1000x128xf32, #tpu.memory_space<vmem>>, vector<1x1000x128xf32>
    %swap3A_152 = vector.shape_cast %swap3A_151 : vector<1x1000x128xf32> to vector<1000x128xf32>
    %swap3A_153 = vector.shape_cast %slice3A_147 : vector<1000x128xf32> to vector<1x1000x128xf32>
    tpu.vector_store %arg7[%swap3A_148, %swap3A_149, %swap3A_150], %swap3A_153 {strides = array<i32>} : memref<2x1000x128xf32, #tpu.memory_space<vmem>>, vector<1x1000x128xf32>,
    %slice3A_154 = vector.extract_strided_slice %add3A_146 {offsets = [0, 128], sizes = [1000, 128], strides = [1, 1]} : vector<1000x256xf32> to vector<1000x128xf32>
    %swap3A_155 = arith.constant 1 : index
    %swap3A_156 = arith.constant 0 : index
    %swap3A_157 = arith.constant 0 : index
    %swap3A_158 = vector.load %arg7[%swap3A_155, %swap3A_156, %swap3A_157] : memref<2x1000x128xf32, #tpu.memory_space<vmem>>, vector<1x1000x128xf32>
    %swap3A_159 = vector.shape_cast %swap3A_158 : vector<1x1000x128xf32> to vector<1000x128xf32>
    %swap3A_160 = vector.shape_cast %slice3A_154 : vector<1000x128xf32> to vector<1x1000x128xf32>
    tpu.vector_store %arg7[%swap3A_155, %swap3A_156, %swap3A_157], %swap3A_160 {strides = array<i32>} : memref<2x1000x128xf32, #tpu.memory_space<vmem>>, vector<1x1000x128xf32>,
    return
  }
  func.func @transform_0(%arg0: i32) -> (i32, i32) {
    %c0_i32 = arith.constant 0 : i32
    %c0_i32_0 = arith.constant 0 : i32
    return %arg0, %c0_i32 : i32, i32
  }
  func.func @transform_1(%arg0: i32) -> (i32, i32) {
    %c0_i32 = arith.constant 0 : i32
    %c0_i32_0 = arith.constant 0 : i32
    %c0_i32_1 = arith.constant 0 : i32
    return %c0_i32, %c0_i32_0 : i32, i32
  }
  func.func @transform_2(%arg0: i32) -> (i32, i32) {
    %c0_i32 = arith.constant 0 : i32
    %c0_i32_0 = arith.constant 0 : i32
    %c0_i32_1 = arith.constant 0 : i32
    return %c0_i32, %c0_i32_0 : i32, i32
  }
  func.func @transform_3(%arg0: i32) -> (i32, i32) {
    %c0_i32 = arith.constant 0 : i32
    %c0_i32_0 = arith.constant 0 : i32
    %c0_i32_1 = arith.constant 0 : i32
    return %c0_i32, %c0_i32_0 : i32, i32
  }
  func.func @transform_4(%arg0: i32) -> (i32, i32) {
    %c0_i32 = arith.constant 0 : i32
    %c0_i32_0 = arith.constant 0 : i32
    %c0_i32_1 = arith.constant 0 : i32
    return %c0_i32, %c0_i32_0 : i32, i32
  }
  func.func @transform_5(%arg0: i32) -> (i32, i32) {
    %c0_i32 = arith.constant 0 : i32
    %c0_i32_0 = arith.constant 0 : i32
    return %arg0, %c0_i32 : i32, i32
  }
  func.func @transform_6(%arg0: i32) -> (i32, i32, i32) {
    %c0_i32 = arith.constant 0 : i32
    %c0_i32_0 = arith.constant 0 : i32
    %c0_i32_1 = arith.constant 0 : i32
    return %c0_i32, %arg0, %c0_i32_0 : i32, i32, i32
  }
}

module attributes {stable_mosaic.version = 14 : i64} {
  func.func @_mid_body(%arg0: i32, %arg1: memref<1000x256xf32, #tpu.memory_space<vmem>>, %arg2: memref<2x1000x128xf32, #tpu.memory_space<vmem>>, %arg3: memref<2x1000x128xf32, #tpu.memory_space<vmem>>, %arg4: memref<256x256xf32, #tpu.memory_space<vmem>>, %arg5: memref<1x256xf32, #tpu.memory_space<vmem>>, %arg6: memref<1x256xf32, #tpu.memory_space<vmem>>, %arg7: memref<1x256xf32, #tpu.memory_space<vmem>>, %arg8: memref<256x256xf32, #tpu.memory_space<vmem>>, %arg9: memref<1x256xf32, #tpu.memory_space<vmem>>, %arg10: memref<1000x256xf32, #tpu.memory_space<vmem>>, %arg11: memref<2x1000x128xf32, #tpu.memory_space<vmem>>) attributes {dimension_semantics = [#tpu.dimension_semantics<arbitrary>], iteration_bounds = array<i64: 10>, scalar_prefetch = 0 : i64, scratch_operands = 0 : i64, tpu.core_type = #tpu.core_type<tc>, window_params = [{transform_indices = @transform_0, window_bounds = array<i64: 1000, 256>}, {transform_indices = @transform_1, window_bounds = array<i64: 2, 1000, 128>}, {transform_indices = @transform_2, window_bounds = array<i64: 2, 1000, 128>}, {pipeline_mode = #tpu.pipeline_mode<synchronous>, transform_indices = @transform_3, window_bounds = array<i64: 256, 256>}, {pipeline_mode = #tpu.pipeline_mode<synchronous>, transform_indices = @transform_4, window_bounds = array<i64: 1, 256>}, {pipeline_mode = #tpu.pipeline_mode<synchronous>, transform_indices = @transform_5, window_bounds = array<i64: 1, 256>}, {pipeline_mode = #tpu.pipeline_mode<synchronous>, transform_indices = @transform_6, window_bounds = array<i64: 1, 256>}, {pipeline_mode = #tpu.pipeline_mode<synchronous>, transform_indices = @transform_7, window_bounds = array<i64: 256, 256>}, {pipeline_mode = #tpu.pipeline_mode<synchronous>, transform_indices = @transform_8, window_bounds = array<i64: 1, 256>}, {transform_indices = @transform_9, window_bounds = array<i64: 1000, 256>}, {transform_indices = @transform_10, window_bounds = array<i64: 2, 1000, 128>}]} {
    %get3A = arith.constant 0 : index
    %get3A_0 = arith.constant 0 : index
    %get3A_1 = arith.constant 0 : index
    %get3A_2 = vector.load %arg2[%get3A, %get3A_0, %get3A_1] : memref<2x1000x128xf32, #tpu.memory_space<vmem>>, vector<1x1000x128xf32>
    %get3A_3 = vector.shape_cast %get3A_2 : vector<1x1000x128xf32> to vector<1000x128xf32>
    %get3A_4 = arith.constant 1 : index
    %get3A_5 = arith.constant 0 : index
    %get3A_6 = arith.constant 0 : index
    %get3A_7 = vector.load %arg2[%get3A_4, %get3A_5, %get3A_6] : memref<2x1000x128xf32, #tpu.memory_space<vmem>>, vector<1x1000x128xf32>
    %get3A_8 = vector.shape_cast %get3A_7 : vector<1x1000x128xf32> to vector<1000x128xf32>
    %concatenate3A = tpu.concatenate %get3A_3, %get3A_8 in 1 : vector<1000x128xf32>, vector<1000x128xf32> -> vector<1000x256xf32>
    %get3A_9 = arith.constant 0 : index
    %get3A_10 = arith.constant 0 : index
    %get3A_11 = arith.constant 0 : index
    %get3A_12 = vector.load %arg3[%get3A_9, %get3A_10, %get3A_11] : memref<2x1000x128xf32, #tpu.memory_space<vmem>>, vector<1x1000x1xf32>
    %get3A_13 = vector.shape_cast %get3A_12 : vector<1x1000x1xf32> to vector<1000x1xf32>
    %get3A_14 = arith.constant 1 : index
    %get3A_15 = arith.constant 0 : index
    %get3A_16 = arith.constant 0 : index
    %get3A_17 = vector.load %arg3[%get3A_14, %get3A_15, %get3A_16] : memref<2x1000x128xf32, #tpu.memory_space<vmem>>, vector<1x1000x1xf32>
    %get3A_18 = vector.shape_cast %get3A_17 : vector<1x1000x1xf32> to vector<1000x1xf32>
    %add3A = arith.addf %get3A_13, %get3A_18 : vector<1000x1xf32>
    %jit3A = arith.constant 1.000000e+00 : f32
    %max3A = vector.broadcast %jit3A : f32 to vector<1000x1xf32>
    %max3A_19 = arith.maximumf %max3A, %add3A : vector<1000x1xf32>
    %get3A_20 = arith.constant 0 : index
    %get3A_21 = arith.constant 0 : index
    %get3A_22 = vector.load %arg1[%get3A_20, %get3A_21] : memref<1000x256xf32, #tpu.memory_space<vmem>>, vector<1000x256xf32>
    %div3A = vector.broadcast %max3A_19 : vector<1000x1xf32> to vector<1000x256xf32>
    %div3A_23 = arith.divf %concatenate3A, %div3A : vector<1000x256xf32>
    %add3A_24 = arith.addf %get3A_22, %div3A_23 : vector<1000x256xf32>
    %get3A_25 = arith.constant 0 : index
    %get3A_26 = arith.constant 0 : index
    %get3A_27 = vector.load %arg4[%get3A_25, %get3A_26] : memref<256x256xf32, #tpu.memory_space<vmem>>, vector<256x256xf32>
    %dot_general3A = arith.constant dense<0.000000e+00> : vector<1000x256xf32>
    %dot_general3A_28 = tpu.matmul %add3A_24, %get3A_27, %dot_general3A {dimension_numbers = #tpu.dot_dimension_numbers<[1], [0], [0], [1], [0, 0, 1, 1], [], []>, transpose_lhs_hint = false} : vector<1000x256xf32>, vector<256x256xf32>, vector<1000x256xf32> -> vector<1000x256xf32>
    %get3A_29 = arith.constant 0 : index
    %get3A_30 = arith.constant 0 : index
    %get3A_31 = vector.load %arg5[%get3A_29, %get3A_30] : memref<1x256xf32, #tpu.memory_space<vmem>>, vector<1x256xf32>
    %add3A_32 = vector.broadcast %get3A_31 : vector<1x256xf32> to vector<1000x256xf32>
    %add3A_33 = arith.addf %dot_general3A_28, %add3A_32 : vector<1000x256xf32>
    %get3A_34 = arith.constant 0 : index
    %get3A_35 = arith.constant 0 : index
    %get3A_36 = vector.load %arg6[%get3A_34, %get3A_35] : memref<1x256xf32, #tpu.memory_space<vmem>>, vector<1x256xf32>
    %get3A_37 = arith.constant 0 : index
    %get3A_38 = arith.constant 0 : index
    %get3A_39 = vector.load %arg7[%get3A_37, %get3A_38] : memref<1x256xf32, #tpu.memory_space<vmem>>, vector<1x256xf32>
    %reduce_sum3A = arith.constant dense<0.000000e+00> : vector<1000xf32>
    %reduce_sum3A_40 = vector.multi_reduction <add>, %add3A_33, %reduce_sum3A [1] : vector<1000x256xf32> to vector<1000xf32>
    %broadcast_in_dim3A = vector.shape_cast %reduce_sum3A_40 : vector<1000xf32> to vector<1000x1xf32>
    %div3A_41 = arith.constant 2.560000e+02 : f32
    %div3A_42 = vector.broadcast %div3A_41 : f32 to vector<1000x1xf32>
    %div3A_43 = arith.divf %broadcast_in_dim3A, %div3A_42 : vector<1000x1xf32>
    %jit3A_44 = arith.constant 0 : i32
    %reduce_sum3A_45 = arith.constant dense<0.000000e+00> : vector<1000xf32>
    %reduce_sum3A_46 = vector.multi_reduction <add>, %add3A_33, %reduce_sum3A_45 [1] : vector<1000x256xf32> to vector<1000xf32>
    %broadcast_in_dim3A_47 = vector.shape_cast %reduce_sum3A_46 : vector<1000xf32> to vector<1000x1xf32>
    %div3A_48 = arith.constant 2.560000e+02 : f32
    %div3A_49 = vector.broadcast %div3A_48 : f32 to vector<1000x1xf32>
    %div3A_50 = arith.divf %broadcast_in_dim3A_47, %div3A_49 : vector<1000x1xf32>
    %sub3A = vector.broadcast %div3A_50 : vector<1000x1xf32> to vector<1000x256xf32>
    %sub3A_51 = arith.subf %add3A_33, %sub3A : vector<1000x256xf32>
    %square3A = arith.mulf %sub3A_51, %sub3A_51 : vector<1000x256xf32>
    %convert_element_type3A = arith.sitofp %jit3A_44 : i32 to f32
    %sub3A_52 = arith.constant 2.560000e+02 : f32
    %sub3A_53 = arith.subf %sub3A_52, %convert_element_type3A : f32
    %reduce_sum3A_54 = arith.constant dense<0.000000e+00> : vector<1000xf32>
    %reduce_sum3A_55 = vector.multi_reduction <add>, %square3A, %reduce_sum3A_54 [1] : vector<1000x256xf32> to vector<1000xf32>
    %broadcast_in_dim3A_56 = vector.shape_cast %reduce_sum3A_55 : vector<1000xf32> to vector<1000x1xf32>
    %div3A_57 = vector.broadcast %sub3A_53 : f32 to vector<1000x1xf32>
    %div3A_58 = arith.divf %broadcast_in_dim3A_56, %div3A_57 : vector<1000x1xf32>
    %gt3A = arith.constant 0.000000e+00 : f32
    %gt3A_59 = arith.cmpf ogt, %sub3A_53, %gt3A : f32
    %jit3A_60 = arith.constant 0x7FC00000 : f32
    %broadcast_in_dim3A_61 = vector.broadcast %jit3A_60 : f32 to vector<1000x1xf32>
    %select_n3A = arith.select %gt3A_59, %div3A_58, %broadcast_in_dim3A_61 : vector<1000x1xf32>
    %sub3A_62 = vector.broadcast %div3A_43 : vector<1000x1xf32> to vector<1000x256xf32>
    %sub3A_63 = arith.subf %add3A_33, %sub3A_62 : vector<1000x256xf32>
    %add3A_64 = arith.constant 9.99999974E-6 : f32
    %add3A_65 = vector.broadcast %add3A_64 : f32 to vector<1000x1xf32>
    %add3A_66 = arith.addf %select_n3A, %add3A_65 : vector<1000x1xf32>
    %sqrt3A = math.sqrt %add3A_66 : vector<1000x1xf32>
    %div3A_67 = vector.broadcast %sqrt3A : vector<1000x1xf32> to vector<1000x256xf32>
    %div3A_68 = arith.divf %sub3A_63, %div3A_67 : vector<1000x256xf32>
    %mul3A = vector.broadcast %get3A_36 : vector<1x256xf32> to vector<1000x256xf32>
    %mul3A_69 = arith.mulf %div3A_68, %mul3A : vector<1000x256xf32>
    %add3A_70 = vector.broadcast %get3A_39 : vector<1x256xf32> to vector<1000x256xf32>
    %add3A_71 = arith.addf %mul3A_69, %add3A_70 : vector<1000x256xf32>
    %max3A_72 = arith.constant 0.000000e+00 : f32
    %max3A_73 = vector.broadcast %max3A_72 : f32 to vector<1000x256xf32>
    %max3A_74 = arith.maximumf %add3A_71, %max3A_73 : vector<1000x256xf32>
    %mul3A_75 = arith.mulf %max3A_74, %max3A_74 : vector<1000x256xf32>
    %reduce_sum3A_76 = arith.constant dense<0.000000e+00> : vector<1000xf32>
    %reduce_sum3A_77 = vector.multi_reduction <add>, %mul3A_75, %reduce_sum3A_76 [1] : vector<1000x256xf32> to vector<1000xf32>
    %broadcast_in_dim3A_78 = vector.shape_cast %reduce_sum3A_77 : vector<1000xf32> to vector<1000x1xf32>
    %sqrt3A_79 = math.sqrt %broadcast_in_dim3A_78 : vector<1000x1xf32>
    %jit3A_80 = arith.constant 1.000000e-15 : f32
    %max3A_81 = vector.broadcast %jit3A_80 : f32 to vector<1000x1xf32>
    %max3A_82 = arith.maximumf %max3A_81, %sqrt3A_79 : vector<1000x1xf32>
    %tanh3A = math.tanh %max3A_82 : vector<1000x1xf32>
    %min3A = arith.constant 0.999989986 : f32
    %min3A_83 = vector.broadcast %min3A : f32 to vector<1000x1xf32>
    %min3A_84 = arith.minimumf %tanh3A, %min3A_83 : vector<1000x1xf32>
    %jit3A_85 = arith.constant -0.99999988 : f32
    %jit3A_86 = arith.constant 0.99999988 : f32
    %max3A_87 = vector.broadcast %jit3A_85 : f32 to vector<1000x1xf32>
    %max3A_88 = arith.maximumf %max3A_87, %min3A_84 : vector<1000x1xf32>
    %min3A_89 = vector.broadcast %jit3A_86 : f32 to vector<1000x1xf32>
    %min3A_90 = arith.minimumf %min3A_89, %max3A_88 : vector<1000x1xf32>
    %add3A_91 = arith.constant 1.000000e+00 : f32
    %add3A_92 = vector.broadcast %add3A_91 : f32 to vector<1000x1xf32>
    %add3A_93 = arith.addf %add3A_92, %min3A_90 : vector<1000x1xf32>
    %sub3A_94 = arith.constant 1.000000e+00 : f32
    %sub3A_95 = vector.broadcast %sub3A_94 : f32 to vector<1000x1xf32>
    %sub3A_96 = arith.subf %sub3A_95, %min3A_90 : vector<1000x1xf32>
    %div3A_97 = arith.divf %add3A_93, %sub3A_96 : vector<1000x1xf32>
    %log3A = math.log %div3A_97 : vector<1000x1xf32>
    %mul3A_98 = arith.constant 5.000000e-01 : f32
    %mul3A_99 = vector.broadcast %mul3A_98 : f32 to vector<1000x1xf32>
    %mul3A_100 = arith.mulf %mul3A_99, %log3A : vector<1000x1xf32>
    %div3A_101 = arith.divf %mul3A_100, %max3A_82 : vector<1000x1xf32>
    %mul3A_102 = vector.broadcast %div3A_101 : vector<1000x1xf32> to vector<1000x256xf32>
    %mul3A_103 = arith.mulf %mul3A_102, %max3A_74 : vector<1000x256xf32>
    %swap3A = arith.constant 0 : index
    %swap3A_104 = arith.constant 0 : index
    %swap3A_105 = vector.load %arg10[%swap3A, %swap3A_104] : memref<1000x256xf32, #tpu.memory_space<vmem>>, vector<1000x256xf32>
    tpu.vector_store %arg10[%swap3A, %swap3A_104], %mul3A_103 {strides = array<i32>} : memref<1000x256xf32, #tpu.memory_space<vmem>>, vector<1000x256xf32>,
    %get3A_106 = arith.constant 0 : index
    %get3A_107 = arith.constant 0 : index
    %get3A_108 = vector.load %arg8[%get3A_106, %get3A_107] : memref<256x256xf32, #tpu.memory_space<vmem>>, vector<256x256xf32>
    %dot_general3A_109 = arith.constant dense<0.000000e+00> : vector<1000x256xf32>
    %dot_general3A_110 = tpu.matmul %max3A_74, %get3A_108, %dot_general3A_109 {dimension_numbers = #tpu.dot_dimension_numbers<[1], [0], [0], [1], [0, 0, 1, 1], [], []>, transpose_lhs_hint = false} : vector<1000x256xf32>, vector<256x256xf32>, vector<1000x256xf32> -> vector<1000x256xf32>
    %mul3A_111 = vector.broadcast %div3A_101 : vector<1000x1xf32> to vector<1000x256xf32>
    %mul3A_112 = arith.mulf %mul3A_111, %dot_general3A_110 : vector<1000x256xf32>
    %get3A_113 = arith.constant 0 : index
    %get3A_114 = arith.constant 0 : index
    %get3A_115 = vector.load %arg9[%get3A_113, %get3A_114] : memref<1x256xf32, #tpu.memory_space<vmem>>, vector<1x256xf32>
    %add3A_116 = vector.broadcast %get3A_115 : vector<1x256xf32> to vector<1000x256xf32>
    %add3A_117 = arith.addf %mul3A_112, %add3A_116 : vector<1000x256xf32>
    %slice3A = vector.extract_strided_slice %add3A_117 {offsets = [0, 0], sizes = [1000, 128], strides = [1, 1]} : vector<1000x256xf32> to vector<1000x128xf32>
    %swap3A_118 = arith.constant 0 : index
    %swap3A_119 = arith.constant 0 : index
    %swap3A_120 = arith.constant 0 : index
    %swap3A_121 = vector.load %arg11[%swap3A_118, %swap3A_119, %swap3A_120] : memref<2x1000x128xf32, #tpu.memory_space<vmem>>, vector<1x1000x128xf32>
    %swap3A_122 = vector.shape_cast %swap3A_121 : vector<1x1000x128xf32> to vector<1000x128xf32>
    %swap3A_123 = vector.shape_cast %slice3A : vector<1000x128xf32> to vector<1x1000x128xf32>
    tpu.vector_store %arg11[%swap3A_118, %swap3A_119, %swap3A_120], %swap3A_123 {strides = array<i32>} : memref<2x1000x128xf32, #tpu.memory_space<vmem>>, vector<1x1000x128xf32>,
    %slice3A_124 = vector.extract_strided_slice %add3A_117 {offsets = [0, 128], sizes = [1000, 128], strides = [1, 1]} : vector<1000x256xf32> to vector<1000x128xf32>
    %swap3A_125 = arith.constant 1 : index
    %swap3A_126 = arith.constant 0 : index
    %swap3A_127 = arith.constant 0 : index
    %swap3A_128 = vector.load %arg11[%swap3A_125, %swap3A_126, %swap3A_127] : memref<2x1000x128xf32, #tpu.memory_space<vmem>>, vector<1x1000x128xf32>
    %swap3A_129 = vector.shape_cast %swap3A_128 : vector<1x1000x128xf32> to vector<1000x128xf32>
    %swap3A_130 = vector.shape_cast %slice3A_124 : vector<1000x128xf32> to vector<1x1000x128xf32>
    tpu.vector_store %arg11[%swap3A_125, %swap3A_126, %swap3A_127], %swap3A_130 {strides = array<i32>} : memref<2x1000x128xf32, #tpu.memory_space<vmem>>, vector<1x1000x128xf32>,
    return
  }
  func.func @transform_0(%arg0: i32) -> (i32, i32) {
    %c0_i32 = arith.constant 0 : i32
    %c0_i32_0 = arith.constant 0 : i32
    return %arg0, %c0_i32 : i32, i32
  }
  func.func @transform_1(%arg0: i32) -> (i32, i32, i32) {
    %c0_i32 = arith.constant 0 : i32
    %c0_i32_0 = arith.constant 0 : i32
    %c0_i32_1 = arith.constant 0 : i32
    return %c0_i32, %arg0, %c0_i32_0 : i32, i32, i32
  }
  func.func @transform_2(%arg0: i32) -> (i32, i32, i32) {
    %c0_i32 = arith.constant 0 : i32
    %c0_i32_0 = arith.constant 0 : i32
    %c0_i32_1 = arith.constant 0 : i32
    return %c0_i32, %arg0, %c0_i32_0 : i32, i32, i32
  }
  func.func @transform_3(%arg0: i32) -> (i32, i32) {
    %c0_i32 = arith.constant 0 : i32
    %c0_i32_0 = arith.constant 0 : i32
    %c0_i32_1 = arith.constant 0 : i32
    return %c0_i32, %c0_i32_0 : i32, i32
  }
  func.func @transform_4(%arg0: i32) -> (i32, i32) {
    %c0_i32 = arith.constant 0 : i32
    %c0_i32_0 = arith.constant 0 : i32
    %c0_i32_1 = arith.constant 0 : i32
    return %c0_i32, %c0_i32_0 : i32, i32
  }
  func.func @transform_5(%arg0: i32) -> (i32, i32) {
    %c0_i32 = arith.constant 0 : i32
    %c0_i32_0 = arith.constant 0 : i32
    %c0_i32_1 = arith.constant 0 : i32
    return %c0_i32, %c0_i32_0 : i32, i32
  }
  func.func @transform_6(%arg0: i32) -> (i32, i32) {
    %c0_i32 = arith.constant 0 : i32
    %c0_i32_0 = arith.constant 0 : i32
    %c0_i32_1 = arith.constant 0 : i32
    return %c0_i32, %c0_i32_0 : i32, i32
  }
  func.func @transform_7(%arg0: i32) -> (i32, i32) {
    %c0_i32 = arith.constant 0 : i32
    %c0_i32_0 = arith.constant 0 : i32
    %c0_i32_1 = arith.constant 0 : i32
    return %c0_i32, %c0_i32_0 : i32, i32
  }
  func.func @transform_8(%arg0: i32) -> (i32, i32) {
    %c0_i32 = arith.constant 0 : i32
    %c0_i32_0 = arith.constant 0 : i32
    %c0_i32_1 = arith.constant 0 : i32
    return %c0_i32, %c0_i32_0 : i32, i32
  }
  func.func @transform_9(%arg0: i32) -> (i32, i32) {
    %c0_i32 = arith.constant 0 : i32
    %c0_i32_0 = arith.constant 0 : i32
    return %arg0, %c0_i32 : i32, i32
  }
  func.func @transform_10(%arg0: i32) -> (i32, i32, i32) {
    %c0_i32 = arith.constant 0 : i32
    %c0_i32_0 = arith.constant 0 : i32
    %c0_i32_1 = arith.constant 0 : i32
    return %c0_i32, %arg0, %c0_i32_0 : i32, i32, i32
  }
}

module attributes {stable_mosaic.version = 14 : i64} {
  func.func @_final_body(%arg0: i32, %arg1: memref<1000x256xf32, #tpu.memory_space<vmem>>, %arg2: memref<2x1000x128xf32, #tpu.memory_space<vmem>>, %arg3: memref<2x1000x128xf32, #tpu.memory_space<vmem>>, %arg4: memref<256x256xf32, #tpu.memory_space<vmem>>, %arg5: memref<1x256xf32, #tpu.memory_space<vmem>>, %arg6: memref<1x256xf32, #tpu.memory_space<vmem>>, %arg7: memref<1x256xf32, #tpu.memory_space<vmem>>, %arg8: memref<1000x256xf32, #tpu.memory_space<vmem>>) attributes {dimension_semantics = [#tpu.dimension_semantics<arbitrary>], iteration_bounds = array<i64: 10>, scalar_prefetch = 0 : i64, scratch_operands = 0 : i64, tpu.core_type = #tpu.core_type<tc>, window_params = [{transform_indices = @transform_0, window_bounds = array<i64: 1000, 256>}, {transform_indices = @transform_1, window_bounds = array<i64: 2, 1000, 128>}, {transform_indices = @transform_2, window_bounds = array<i64: 2, 1000, 128>}, {pipeline_mode = #tpu.pipeline_mode<synchronous>, transform_indices = @transform_3, window_bounds = array<i64: 256, 256>}, {pipeline_mode = #tpu.pipeline_mode<synchronous>, transform_indices = @transform_4, window_bounds = array<i64: 1, 256>}, {pipeline_mode = #tpu.pipeline_mode<synchronous>, transform_indices = @transform_5, window_bounds = array<i64: 1, 256>}, {pipeline_mode = #tpu.pipeline_mode<synchronous>, transform_indices = @transform_6, window_bounds = array<i64: 1, 256>}, {transform_indices = @transform_7, window_bounds = array<i64: 1000, 256>}]} {
    %get3A = arith.constant 0 : index
    %get3A_0 = arith.constant 0 : index
    %get3A_1 = arith.constant 0 : index
    %get3A_2 = vector.load %arg2[%get3A, %get3A_0, %get3A_1] : memref<2x1000x128xf32, #tpu.memory_space<vmem>>, vector<1x1000x128xf32>
    %get3A_3 = vector.shape_cast %get3A_2 : vector<1x1000x128xf32> to vector<1000x128xf32>
    %get3A_4 = arith.constant 1 : index
    %get3A_5 = arith.constant 0 : index
    %get3A_6 = arith.constant 0 : index
    %get3A_7 = vector.load %arg2[%get3A_4, %get3A_5, %get3A_6] : memref<2x1000x128xf32, #tpu.memory_space<vmem>>, vector<1x1000x128xf32>
    %get3A_8 = vector.shape_cast %get3A_7 : vector<1x1000x128xf32> to vector<1000x128xf32>
    %concatenate3A = tpu.concatenate %get3A_3, %get3A_8 in 1 : vector<1000x128xf32>, vector<1000x128xf32> -> vector<1000x256xf32>
    %get3A_9 = arith.constant 0 : index
    %get3A_10 = arith.constant 0 : index
    %get3A_11 = arith.constant 0 : index
    %get3A_12 = vector.load %arg3[%get3A_9, %get3A_10, %get3A_11] : memref<2x1000x128xf32, #tpu.memory_space<vmem>>, vector<1x1000x1xf32>
    %get3A_13 = vector.shape_cast %get3A_12 : vector<1x1000x1xf32> to vector<1000x1xf32>
    %get3A_14 = arith.constant 1 : index
    %get3A_15 = arith.constant 0 : index
    %get3A_16 = arith.constant 0 : index
    %get3A_17 = vector.load %arg3[%get3A_14, %get3A_15, %get3A_16] : memref<2x1000x128xf32, #tpu.memory_space<vmem>>, vector<1x1000x1xf32>
    %get3A_18 = vector.shape_cast %get3A_17 : vector<1x1000x1xf32> to vector<1000x1xf32>
    %add3A = arith.addf %get3A_13, %get3A_18 : vector<1000x1xf32>
    %jit3A = arith.constant 1.000000e+00 : f32
    %max3A = vector.broadcast %jit3A : f32 to vector<1000x1xf32>
    %max3A_19 = arith.maximumf %max3A, %add3A : vector<1000x1xf32>
    %get3A_20 = arith.constant 0 : index
    %get3A_21 = arith.constant 0 : index
    %get3A_22 = vector.load %arg1[%get3A_20, %get3A_21] : memref<1000x256xf32, #tpu.memory_space<vmem>>, vector<1000x256xf32>
    %div3A = vector.broadcast %max3A_19 : vector<1000x1xf32> to vector<1000x256xf32>
    %div3A_23 = arith.divf %concatenate3A, %div3A : vector<1000x256xf32>
    %add3A_24 = arith.addf %get3A_22, %div3A_23 : vector<1000x256xf32>
    %get3A_25 = arith.constant 0 : index
    %get3A_26 = arith.constant 0 : index
    %get3A_27 = vector.load %arg4[%get3A_25, %get3A_26] : memref<256x256xf32, #tpu.memory_space<vmem>>, vector<256x256xf32>
    %dot_general3A = arith.constant dense<0.000000e+00> : vector<1000x256xf32>
    %dot_general3A_28 = tpu.matmul %add3A_24, %get3A_27, %dot_general3A {dimension_numbers = #tpu.dot_dimension_numbers<[1], [0], [0], [1], [0, 0, 1, 1], [], []>, transpose_lhs_hint = false} : vector<1000x256xf32>, vector<256x256xf32>, vector<1000x256xf32> -> vector<1000x256xf32>
    %get3A_29 = arith.constant 0 : index
    %get3A_30 = arith.constant 0 : index
    %get3A_31 = vector.load %arg5[%get3A_29, %get3A_30] : memref<1x256xf32, #tpu.memory_space<vmem>>, vector<1x256xf32>
    %add3A_32 = vector.broadcast %get3A_31 : vector<1x256xf32> to vector<1000x256xf32>
    %add3A_33 = arith.addf %dot_general3A_28, %add3A_32 : vector<1000x256xf32>
    %get3A_34 = arith.constant 0 : index
    %get3A_35 = arith.constant 0 : index
    %get3A_36 = vector.load %arg6[%get3A_34, %get3A_35] : memref<1x256xf32, #tpu.memory_space<vmem>>, vector<1x256xf32>
    %get3A_37 = arith.constant 0 : index
    %get3A_38 = arith.constant 0 : index
    %get3A_39 = vector.load %arg7[%get3A_37, %get3A_38] : memref<1x256xf32, #tpu.memory_space<vmem>>, vector<1x256xf32>
    %reduce_sum3A = arith.constant dense<0.000000e+00> : vector<1000xf32>
    %reduce_sum3A_40 = vector.multi_reduction <add>, %add3A_33, %reduce_sum3A [1] : vector<1000x256xf32> to vector<1000xf32>
    %broadcast_in_dim3A = vector.shape_cast %reduce_sum3A_40 : vector<1000xf32> to vector<1000x1xf32>
    %div3A_41 = arith.constant 2.560000e+02 : f32
    %div3A_42 = vector.broadcast %div3A_41 : f32 to vector<1000x1xf32>
    %div3A_43 = arith.divf %broadcast_in_dim3A, %div3A_42 : vector<1000x1xf32>
    %jit3A_44 = arith.constant 0 : i32
    %reduce_sum3A_45 = arith.constant dense<0.000000e+00> : vector<1000xf32>
    %reduce_sum3A_46 = vector.multi_reduction <add>, %add3A_33, %reduce_sum3A_45 [1] : vector<1000x256xf32> to vector<1000xf32>
    %broadcast_in_dim3A_47 = vector.shape_cast %reduce_sum3A_46 : vector<1000xf32> to vector<1000x1xf32>
    %div3A_48 = arith.constant 2.560000e+02 : f32
    %div3A_49 = vector.broadcast %div3A_48 : f32 to vector<1000x1xf32>
    %div3A_50 = arith.divf %broadcast_in_dim3A_47, %div3A_49 : vector<1000x1xf32>
    %sub3A = vector.broadcast %div3A_50 : vector<1000x1xf32> to vector<1000x256xf32>
    %sub3A_51 = arith.subf %add3A_33, %sub3A : vector<1000x256xf32>
    %square3A = arith.mulf %sub3A_51, %sub3A_51 : vector<1000x256xf32>
    %convert_element_type3A = arith.sitofp %jit3A_44 : i32 to f32
    %sub3A_52 = arith.constant 2.560000e+02 : f32
    %sub3A_53 = arith.subf %sub3A_52, %convert_element_type3A : f32
    %reduce_sum3A_54 = arith.constant dense<0.000000e+00> : vector<1000xf32>
    %reduce_sum3A_55 = vector.multi_reduction <add>, %square3A, %reduce_sum3A_54 [1] : vector<1000x256xf32> to vector<1000xf32>
    %broadcast_in_dim3A_56 = vector.shape_cast %reduce_sum3A_55 : vector<1000xf32> to vector<1000x1xf32>
    %div3A_57 = vector.broadcast %sub3A_53 : f32 to vector<1000x1xf32>
    %div3A_58 = arith.divf %broadcast_in_dim3A_56, %div3A_57 : vector<1000x1xf32>
    %gt3A = arith.constant 0.000000e+00 : f32
    %gt3A_59 = arith.cmpf ogt, %sub3A_53, %gt3A : f32
    %jit3A_60 = arith.constant 0x7FC00000 : f32
    %broadcast_in_dim3A_61 = vector.broadcast %jit3A_60 : f32 to vector<1000x1xf32>
    %select_n3A = arith.select %gt3A_59, %div3A_58, %broadcast_in_dim3A_61 : vector<1000x1xf32>
    %sub3A_62 = vector.broadcast %div3A_43 : vector<1000x1xf32> to vector<1000x256xf32>
    %sub3A_63 = arith.subf %add3A_33, %sub3A_62 : vector<1000x256xf32>
    %add3A_64 = arith.constant 9.99999974E-6 : f32
    %add3A_65 = vector.broadcast %add3A_64 : f32 to vector<1000x1xf32>
    %add3A_66 = arith.addf %select_n3A, %add3A_65 : vector<1000x1xf32>
    %sqrt3A = math.sqrt %add3A_66 : vector<1000x1xf32>
    %div3A_67 = vector.broadcast %sqrt3A : vector<1000x1xf32> to vector<1000x256xf32>
    %div3A_68 = arith.divf %sub3A_63, %div3A_67 : vector<1000x256xf32>
    %mul3A = vector.broadcast %get3A_36 : vector<1x256xf32> to vector<1000x256xf32>
    %mul3A_69 = arith.mulf %div3A_68, %mul3A : vector<1000x256xf32>
    %add3A_70 = vector.broadcast %get3A_39 : vector<1x256xf32> to vector<1000x256xf32>
    %add3A_71 = arith.addf %mul3A_69, %add3A_70 : vector<1000x256xf32>
    %max3A_72 = arith.constant 0.000000e+00 : f32
    %max3A_73 = vector.broadcast %max3A_72 : f32 to vector<1000x256xf32>
    %max3A_74 = arith.maximumf %add3A_71, %max3A_73 : vector<1000x256xf32>
    %mul3A_75 = arith.mulf %max3A_74, %max3A_74 : vector<1000x256xf32>
    %reduce_sum3A_76 = arith.constant dense<0.000000e+00> : vector<1000xf32>
    %reduce_sum3A_77 = vector.multi_reduction <add>, %mul3A_75, %reduce_sum3A_76 [1] : vector<1000x256xf32> to vector<1000xf32>
    %broadcast_in_dim3A_78 = vector.shape_cast %reduce_sum3A_77 : vector<1000xf32> to vector<1000x1xf32>
    %sqrt3A_79 = math.sqrt %broadcast_in_dim3A_78 : vector<1000x1xf32>
    %jit3A_80 = arith.constant 1.000000e-15 : f32
    %max3A_81 = vector.broadcast %jit3A_80 : f32 to vector<1000x1xf32>
    %max3A_82 = arith.maximumf %max3A_81, %sqrt3A_79 : vector<1000x1xf32>
    %tanh3A = math.tanh %max3A_82 : vector<1000x1xf32>
    %min3A = arith.constant 0.999989986 : f32
    %min3A_83 = vector.broadcast %min3A : f32 to vector<1000x1xf32>
    %min3A_84 = arith.minimumf %tanh3A, %min3A_83 : vector<1000x1xf32>
    %div3A_85 = arith.divf %min3A_84, %max3A_82 : vector<1000x1xf32>
    %mul3A_86 = vector.broadcast %div3A_85 : vector<1000x1xf32> to vector<1000x256xf32>
    %mul3A_87 = arith.mulf %mul3A_86, %max3A_74 : vector<1000x256xf32>
    %swap3A = arith.constant 0 : index
    %swap3A_88 = arith.constant 0 : index
    %swap3A_89 = vector.load %arg8[%swap3A, %swap3A_88] : memref<1000x256xf32, #tpu.memory_space<vmem>>, vector<1000x256xf32>
    tpu.vector_store %arg8[%swap3A, %swap3A_88], %mul3A_87 {strides = array<i32>} : memref<1000x256xf32, #tpu.memory_space<vmem>>, vector<1000x256xf32>,
    return
  }
  func.func @transform_0(%arg0: i32) -> (i32, i32) {
    %c0_i32 = arith.constant 0 : i32
    %c0_i32_0 = arith.constant 0 : i32
    return %arg0, %c0_i32 : i32, i32
  }
  func.func @transform_1(%arg0: i32) -> (i32, i32, i32) {
    %c0_i32 = arith.constant 0 : i32
    %c0_i32_0 = arith.constant 0 : i32
    %c0_i32_1 = arith.constant 0 : i32
    return %c0_i32, %arg0, %c0_i32_0 : i32, i32, i32
  }
  func.func @transform_2(%arg0: i32) -> (i32, i32, i32) {
    %c0_i32 = arith.constant 0 : i32
    %c0_i32_0 = arith.constant 0 : i32
    %c0_i32_1 = arith.constant 0 : i32
    return %c0_i32, %arg0, %c0_i32_0 : i32, i32, i32
  }
  func.func @transform_3(%arg0: i32) -> (i32, i32) {
    %c0_i32 = arith.constant 0 : i32
    %c0_i32_0 = arith.constant 0 : i32
    %c0_i32_1 = arith.constant 0 : i32
    return %c0_i32, %c0_i32_0 : i32, i32
  }
  func.func @transform_4(%arg0: i32) -> (i32, i32) {
    %c0_i32 = arith.constant 0 : i32
    %c0_i32_0 = arith.constant 0 : i32
    %c0_i32_1 = arith.constant 0 : i32
    return %c0_i32, %c0_i32_0 : i32, i32
  }
  func.func @transform_5(%arg0: i32) -> (i32, i32) {
    %c0_i32 = arith.constant 0 : i32
    %c0_i32_0 = arith.constant 0 : i32
    %c0_i32_1 = arith.constant 0 : i32
    return %c0_i32, %c0_i32_0 : i32, i32
  }
  func.func @transform_6(%arg0: i32) -> (i32, i32) {
    %c0_i32 = arith.constant 0 : i32
    %c0_i32_0 = arith.constant 0 : i32
    %c0_i32_1 = arith.constant 0 : i32
    return %c0_i32, %c0_i32_0 : i32, i32
  }
  func.func @transform_7(%arg0: i32) -> (i32, i32) {
    %c0_i32 = arith.constant 0 : i32
    %c0_i32_0 = arith.constant 0 : i32
    return %arg0, %c0_i32 : i32, i32
  }
}

</mosaic_0001>

<sc_bundles>
// kernel: kernel.11.cloned.1.call-start
scs
__scs_entry_jumppad:
0x0: {  	(pc) =	sbr.rel $0x88, $3  }
0x1: {  	(tag) =	ssettag $0x0;
	lr =	simm.s32 $0x1  }
0x2: {  	[smem:$0x3F8E] =	sst lr;
	_ =	strace $0xD0000000  }
0x3: {  	_ = 	snop  }
0x4: {  	_ = 	snop  }
0x5: {  	_ = 	snop  }
0x6: {  	_ = 	snop  }
0x7: {  	_ = 	snop  }
__scs_overlays_trampoline_lowered:
0x8: {  	[smem:$0x3F9D] =	sst s0  }
0x9: {  	[smem:$0x3F9E] =	sst s1  }
0xa: {  	[smem:$0x3F9F] =	sst s2  }
0xb: {  	[smem:$0x3FA0] =	sst s3  }
0xc: {  	[smem:$0x3FA1] =	sst s4  }
0xd: {  	[smem:$0x3FA2] =	sst s5  }
0xe: {  	[smem:$0x3FA3] =	sst s6  }
0xf: {  	[smem:$0x3FA4] =	sst s7  }
0x10: {  	[smem:$0x3FA5] =	sst s8  }
0x11: {  	[smem:$0x3FA6] =	sst s9;
	s0 =	simm.s32 @!p0 $0x0  }
0x12: {  	s1 =	sld [smem:$0x3F8C];
	s0 =	simm.s32 @p0 $0x1  }
0x13: {  	[smem:$0x3FA7] =	sst s0;
	s0 =	simm.s32 @!p1 $0x0  }
0x14: {  	s2 =	sld [smem:$0x3F8B];
	s0 =	simm.s32 @p1 $0x1  }
0x15: {  	[smem:$0x3FA8] =	sst s0;
	s0 =	simm.s32 @!p2 $0x0  }
0x16: {  	s3 =	sld [smem:$0x3FDB];
	s0 =	simm.s32 @p2 $0x1  }
0x17: {  	s4 =	simm.s32 $0x1BF5;
	[smem:$0x3FAA] =	sst s0  }
0x18: {  	s0 =	sld [smem:$0x3F8D];
	_ =	swait.ge [sflag:s4], $0x0  }
0x19: {  	s7 =	sld [smem:$0x3F8E]  }
0x1a: {  	s8 =	sadd.s32 $0xFFFFE003, lr  }
0x1b: {  	s9 =	sadd.s32 $0xFFFFFEF7, lr;
	s5 =	simm.s32 $0xFFFFFFFF;
	p2 =	slt.u32 s8, $0xFFFFF086  }
0x1c: {  	p1 =	slt.u32 s9, $0xF7A;
	s5 =	simm.s32 @!p2 $0x0  }
0x1d: {  	s5 =	simm.s32 @p1 $0x1;
	p0 =	seq.s32 s7, s2  }
0x1e: {  	s7 =	smul.u32 @!p0 $0xF7A, s2;
	p2 =	seq.s32 @!p0 s5, $0x0  }
0x1f: {  	s9 =	smul.u32 $0xF7A, s1;
	s8 =	simm.s32 @!p0 $0x1BF5;
	p2 =	por !p2, p0  }
0x20: {  	[sflag:s8] =	ssyncset.s32 @!p0 $0xFFFFF086;
	s6 =	sadd.s32 @!p0 s3, s7;
	s7 =	simm.s32 @!p0 $0x108  }
0x21: {  	s3 =	sadd.s32 s3, s9;
	s6 =	sadd.s32 @!p0 $0x88, s6;
	s7 =	simm.s32 @p2 $0x1082  }
0x22: {  	[simem:s7], [sflag:s8] =	dma.local @!p0 [hbm:s6], $0xF7A  }
0x23: {  	s9 =	sor.u32 $0xD0000000, s2;
	s6 =	simm.s32 $0x108;
	_ =	swait.ge @!p0 [sflag:s8], $0x0  }
0x24: {  	s3 =	sadd.s32 $0x88, s3;
	s6 =	simm.s32 @!p1 $0x1082;
	[sflag:s4] =	ssyncset.s32 $0xFFFFF086  }
0x25: {  	[simem:s6], [sflag:s4] =	dma.local [hbm:s3], $0xF7A  }
0x26: {  	[smem:$0x3F8E] =	sst s1;
	(tag) =	ssettag s2;
	_ =	strace s9  }
0x27: {  	s1 =	sld [smem:$0x3F9E]  }
0x28: {  	s2 =	sld [smem:$0x3F9F]  }
0x29: {  	s4 =	sld [smem:$0x3FA1]  }
0x2a: {  	p0 =	seq.s32 s5, $0x0;
	s5 =	sld [smem:$0x3FA2]  }
0x2b: {  	s6 =	sld [smem:$0x3FA3]  }
0x2c: {  	s7 =	sld [smem:$0x3FA4]  }
0x2d: {  	s3 =	simm.s32 $0x108;
	s8 =	sld [smem:$0x3FA5]  }
0x2e: {  	s3 =	simm.s32 @!p0 $0x1082;
	s9 =	sld [smem:$0x3FA6]  }
0x2f: {  	lr =	sadd.s32 s0, s3;
	s0 =	sld [smem:$0x3F9D]  }
0x30: {  	s3 =	sld [smem:$0x3FA0]  }
0x31: {  	[smem:$0x3FA9] =	sst s10  }
0x32: {  	s10 =	sld [smem:$0x3FA7];
	_ =	sdelay $0x3  }
0x33: {  	p0 =	seq.s32 s10, $0x1;
	s10 =	sld [smem:$0x3FA9];
	_ =	sdelay $0x3  }
0x34: {  	[smem:$0x3FA9] =	sst s10  }
0x35: {  	s10 =	sld [smem:$0x3FA8];
	_ =	sdelay $0x3  }
0x36: {  	p1 =	seq.s32 s10, $0x1;
	s10 =	sld [smem:$0x3FA9];
	_ =	sdelay $0x3  }
0x37: {  	[smem:$0x3FA9] =	sst s10  }
0x38: {  	s10 =	sld [smem:$0x3FAA]  }
0x39: {  	_ = 	snop;
	(pc) =	sbr.ind lr, $3  }
0x3a: {  	_ = 	snop  }
0x3b: {  	_ = 	snop  }
0x3c: {  	p2 =	seq.s32 s10, $0x1;
	s10 =	sld [smem:$0x3FA9]  }
0x3d: {  	_ =	shalt  }
0x3e: {  	_ =	shalt  }
0x3f: {  	_ =	shalt  }
0x40: {  	_ =	shalt  }
0x41: {  	_ =	shalt  }
0x42: {  	_ =	shalt  }
0x43: {  	_ =	shalt  }
0x44: {  	_ =	shalt  }
0x45: {  	_ =	shalt  }
0x46: {  	_ =	shalt  }
0x47: {  	_ =	shalt  }
0x48: {  	_ =	shalt  }
0x49: {  	_ =	shalt  }
0x4a: {  	_ =	shalt  }
0x4b: {  	_ =	shalt  }
0x4c: {  	_ =	shalt  }
0x4d: {  	_ =	shalt  }
0x4e: {  	_ =	shalt  }
0x4f: {  	_ =	shalt  }
0x50: {  	_ =	shalt  }
0x51: {  	_ =	shalt  }
0x52: {  	_ =	shalt  }
0x53: {  	_ =	shalt  }
0x54: {  	_ =	shalt  }
0x55: {  	_ =	shalt  }
0x56: {  	_ =	shalt  }
0x57: {  	_ =	shalt  }
0x58: {  	_ =	shalt  }
0x59: {  	_ =	shalt  }
0x5a: {  	_ =	shalt  }
0x5b: {  	_ =	shalt  }
0x5c: {  	_ =	shalt  }
0x5d: {  	_ =	shalt  }
0x5e: {  	_ =	shalt  }
0x5f: {  	_ =	shalt  }
0x60: {  	_ =	shalt  }
0x61: {  	_ =	shalt  }
0x62: {  	_ =	shalt  }
0x63: {  	_ =	shalt  }
0x64: {  	_ =	shalt  }
0x65: {  	_ =	shalt  }
0x66: {  	_ =	shalt  }
0x67: {  	_ =	shalt  }
0x68: {  	_ =	shalt  }
0x69: {  	_ =	shalt  }
0x6a: {  	_ =	shalt  }
0x6b: {  	_ =	shalt  }
0x6c: {  	_ =	shalt  }
0x6d: {  	_ =	shalt  }
0x6e: {  	_ =	shalt  }
0x6f: {  	_ =	shalt  }
0x70: {  	_ =	shalt  }
0x71: {  	_ =	shalt  }
0x72: {  	_ =	shalt  }
0x73: {  	_ =	shalt  }
0x74: {  	_ =	shalt  }
0x75: {  	_ =	shalt  }
0x76: {  	_ =	shalt  }
0x77: {  	_ =	shalt  }
0x78: {  	_ =	shalt  }
0x79: {  	_ =	shalt  }
0x7a: {  	_ =	shalt  }
0x7b: {  	_ =	shalt  }
0x7c: {  	_ =	shalt  }
0x7d: {  	_ =	shalt  }
0x7e: {  	_ =	shalt  }
0x7f: {  	_ =	shalt  }
0x80: {  	_ =	shalt  }
0x81: {  	_ =	shalt  }
0x82: {  	_ =	shalt  }
0x83: {  	_ =	shalt  }
0x84: {  	_ =	shalt  }
0x85: {  	_ =	shalt  }
0x86: {  	_ =	shalt  }
0x87: {  	_ =	shalt  }
.Lfunc_end0:
.L_simem_size_0:
called_computation.1_lowered:
.L_overlay_start_0:
0x88: {  	s2 =	sld [smem:$0x3FD9]  }
0x89: {  	s3 =	sld [smem:$0x3FFE];
	_ =	sdelay $0x1  }
0x8a: {  	s1 =	srdreg.scid  }
0x8b: {  	s0 =	sand.u32 $0x1, s1  }
0x8c: {  	s16 =	sshll.u32 s0, $0xA;
	s2 =	sadd.s32 s3, s2  }
0x8d: {  	s2 =	sadd.s32 s2, s16  }
0x8e: {  	[smem:$0x3FB5] =	sst s2  }
0x8f: {  	_ = 	snop  }
0x90: {  	(tm) =	ssettm $0x1  }
0x91: {  	s17 =	sld [smem:$0x3FFB];
	_ =	sdelay $0x3  }
0x92: {  	_ =	strace s17  }
0x93: {  	s2 =	sld [smem:$0x3FFC];
	_ =	sdelay $0x3  }
0x94: {  	_ =	strace s2  }
0x95: {  	s2 =	sld [smem:$0x3FFD];
	_ =	sdelay $0x3  }
0x96: {  	_ =	strace s2  }
0x97: {  	_ =	strace $0x8FFFFFFF  }
0x98: {  	s18 =	sld [smem:$0x3FDB];
	_ =	sdelay $0x1  }
0x99: {  	s19 =	simm.s32 $_scs_section_size  }
0x9a: {  	s4 =	simm.s32 $_size__tile_overlayer_lowered;
	s5 =	simm.s32 $_tile_overlayer_lowered  }
0x9b: {  	s22 =	simm.s32 $0x1BFF;
	s21 =	sshll.u32 s5, $0x1;
	s2 =	sadd.s32 s19, s18  }
0x9c: {  	s6 =	simm.s32 $0x0;
	s20 =	sshll.u32 s4, $0x1;
	s4 =	sadd.s32 s21, s2  }
0x9d: {  	[timem:s6], [sflag:s22] =	dma.local [hbm:s4], s20  }
0x9e: {  	_ =	swait.ge [sflag:s22], s20  }
0x9f: {  	s3 =	ssub.s32 $0x0, s20;
	[sflag:s22] =	ssyncset.done $0x0  }
0xa0: {  	[sflag:s22] =	ssyncadd.s32 s3;
	_ =	sdelay $0x1  }
0xa1: {  	s23 =	simm.s32 $0x1B8B  }
0xa2: {  	_ =	swait.ge [sflag:s23], $0x1  }
0xa3: {  	[sflag:s23] =	ssyncset.done $0x0  }
0xa4: {  	s25 =	simm.s32 $0x1B8E;
	s24 =	sld [smem:$0x3FFE];
	[sflag:s23] =	ssyncadd.s32 $0xFFFFFFFF  }
0xa5: {  	s26 =	simm.s32 $execute0_lowered;
	[smem:$0x3FD2] =	sst s25  }
0xa6: {  	s4 =	sshll.u32 s26, $0x1;
	_ =	strace $0x80000049;
	[dreg:$0x1] =	wrdreg $0xFFFFFFFF  }
0xa7: {  	s28 =	simm.s32 $_size_execute0_lowered;
	s2 =	sadd.s32 s2, s4;
	[dreg:$0x0] =	wrdreg $0x0  }
0xa8: {  	s4 =	sshll.u32 s28, $0x1;
	[dreg:$0x2] =	wrdreg s2  }
0xa9: {  	[dreg:$0x3] =	wrdreg s4  }
0xaa: {  	[dreg:$0x4] =	wrdreg $0xC0  }
0xab: {  	_ =	task [dreg:s6], $0x5FFFF  }
0xac: {  	[dreg:$0x1] =	wrdreg $0xFFFFFFFF  }
0xad: {  	[dreg:$0x0] =	wrdreg $0x60  }
0xae: {  	[dreg:$0x2] =	wrdreg s24  }
0xaf: {  	[dreg:$0x3] =	wrdreg $0x89800  }
0xb0: {  	[dreg:$0x4] =	wrdreg $0x9  }
0xb1: {  	_ =	task.clear_ibuf [dreg:s6], $0x5FFFF;
	_ =	strace $0x90000049  }
0xb2: {  	s29 =	simm.s32 $0x9;
	_ =	strace $0x8000004B  }
0xb3: {  	_ =	swait.ge [sflag:s29], $0x1  }
0xb4: {  	[sflag:s29] =	ssyncadd.s32 $0xFFFFFFFF  }
0xb5: {  	_ =	strace $0x9000004B  }
0xb6: {  	_ =	sfence  }
0xb7: {  	s30 =	sld [smem:$0x0];
	_ =	sdelay $0x2  }
0xb8: {  	s31 =	sshll.u32 s1, $0xD;
	s1 =	sshrl.u32 s1, $0x2  }
0xb9: {  	s3 =	sand.u32 $0x4000, s31;
	s1 =	sadd.s32 s1, s30  }
0xba: {  	s0 =	sor.u32 s3, s0;
	s1 =	sshll.u32 s1, $0x11  }
0xbb: {  	s0 =	sor.u32 s1, s0  }
0xbc: {  	s0 =	sadd.s32 $0x8F2B, s0  }
0xbd: {  	[sflag:s0] =	ssyncadd.remote.s32 $0x1  }
0xbe: {  	_ =	sfence.sel $0xFFFF  }
0xbf: {  	[dreg:$0x0] =	wrdreg $0xFFFFFFFF;
	(pc) =	sbr.abs _section_cstart, $3  }
0xc0: {  	[dreg:$0x1] =	wrdreg $0xFFFFFFFF  }
0xc1: {  	_ =	task.clear_ibuf [dreg:s6], $0x2FFFF;
	_ =	strace $0x9FFFFFFF  }
0xc2: {  	(tm) =	ssettm $0x7FFFFFFF  }
0xc3: {  	_ =	shalt  }
tec
execute0_lowered:
.L_overlay_start_1:
0x0: {  	(tag) =	ssettag $0x1  }
0x1: {  	s0 =	rddreg [dreg:$0x0]  }
0x2: {  	s1 =	rddreg [dreg:$0x1]  }
0x3: {  	s3 =	simm.s32 $0x0;
	s2 =	srdreg.scid;
	s12 =	stileid.u32  }
0x4: {  	[smem:$0x7FF] =	sst s3;
	s8 =	smul.u32 $0x2800, s12  }
0x5: {  	s2 =	sand.u32 $0x1, s2;
	s4 =	sadd.s32 $0x9CF400, s0;
	s5 =	sadd.s32 $0x4ED400, s0  }
0x6: {  	s6 =	sadd.s32 $0x6400, s0;
	s9 =	smul.u32 $0x28000, s2;
	s10 =	ssub.s32 $0x2, s2  }
0x7: {  	s7 =	sadd.s32 $0x1400, s0;
	s26 =	smul.u32 $0x50000, s12;
	s11 =	sshrl.u32 s10, $0x1  }
0x8: {  	_ =	strace $0x8000004A;
	s8 =	sadd.s32 s8, s9;
	s11 =	ssub.s32 s10, s11  }
0x9: {  	s9 =	sshrl.u32 s26, $0x2;
	s0 =	sadd.s32 s8, s0;
	s11 =	smax.u32 s11, $0x1  }
0xa: {  	s9 =	sadd.s32 s9, s1;
	s0 =	sadd.s32 $0xA1D600, s0;
	[dreg:$0x4] =	wrdreg s11  }
0xb: {  	s10 =	smul.u32 $0x2710, s12;
	s12 =	sadd.s32 $0x1000, s9;
	[dreg:$0x3] =	wrdreg s0  }
0xc: {  	s13 =	sadd.s32 $0x2000, s9;
	[dreg:$0x5] =	wrdreg s12  }
0xd: {  	s14 =	sadd.s32 $0x3000, s9;
	[dreg:$0x6] =	wrdreg s13  }
0xe: {  	s15 =	sadd.s32 $0x4000, s9;
	[dreg:$0x7] =	wrdreg s14  }
0xf: {  	s16 =	sadd.s32 $0x5000, s9;
	[dreg:$0x8] =	wrdreg s15  }
0x10: {  	s19 =	smul.u32 $0x2710, s2;
	s17 =	sadd.s32 $0x6000, s9;
	[dreg:$0x9] =	wrdreg s16  }
0x11: {  	s18 =	sadd.s32 $0x7000, s9;
	[dreg:$0xa] =	wrdreg s17  }
0x12: {  	v0 =	vmov s19;
	s19 =	simm.s32 $0x3;
	s20 =	sadd.s32 $0x8000, s9;
	[dreg:$0xb] =	wrdreg s18  }
0x13: {  	s8 =	smul.u32 $0x27100, s2;
	s21 =	sadd.s32 $0x9000, s9;
	[dreg:$0xc] =	wrdreg s20  }
0x14: {  	s2 =	simm.s32 $0x7980;
	s22 =	sadd.s32 $0xA000, s9;
	[dreg:$0xd] =	wrdreg s21  }
0x15: {  	s23 =	sadd.s32 $0xB000, s9;
	s24 =	sadd.s32 $0xC000, s9;
	[dreg:$0xe] =	wrdreg s22  }
0x16: {  	s25 =	sadd.s32 $0xD000, s9;
	s26 =	sadd.s32 $0xE000, s9;
	[dreg:$0xf] =	wrdreg s23  }
0x17: {  	s28 =	sadd.s32 $0xF000, s9;
	s29 =	sadd.s32 $0x10000, s9;
	[dreg:$0x10] =	wrdreg s24  }
0x18: {  	s30 =	sadd.s32 $0x11000, s9;
	s31 =	sadd.s32 $0x12000, s9;
	[dreg:$0x11] =	wrdreg s25  }
0x19: {  	s11 =	simm.s32 $0x5;
	[dreg:$0x12] =	wrdreg s26;
	s0 =	sadd.s32 $0x13000, s9  }
0x1a: {  	s12 =	simm.s32 $0x2980;
	s13 =	simm.s32 $0x80;
	s14 =	simm.s32 $0x1  }
0x1b: {  	s15 =	simm.s32 $0x50;
	s16 =	simm.s32 $0x100;
	s17 =	simm.s32 $0x180  }
0x1c: {  	v1 =	vimm.f32 $0.0e+00;
	s18 =	simm.s32 $0x4;
	s20 =	simm.s32 $0x2;
	s21 =	simm.s32 $0x5180  }
.LBB2_1:
0x1d: {  	s22 =	simm.s32 $0x0;
	s23 =	simm.s32 $0x200  }
.LBB2_2:
0x1e: {  	p0 =	sne.s32 s23, $0x3E00;
	[tilespmem:s22+$0x79F0] =	vst v1  }
0x1f: {  	[tilespmem:s22+$0x7980] =	vst v1  }
0x20: {  	[tilespmem:s22+$0x7990] =	vst v1  }
.Ltmp0:
0x21: {  	[tilespmem:s22+$0x79A0] =	vst v1;
	(pc) =	sbr.rel @p0 .LBB2_2-.Ltmp0, $4  }
0x22: {  	[tilespmem:s22+$0x79B0] =	vst v1  }
0x23: {  	[tilespmem:s22+$0x79C0] =	vst v1  }
0x24: {  	[tilespmem:s22+$0x79D0] =	vst v1  }
0x25: {  	[tilespmem:s22+$0x79E0] =	vst v1;
	s22 =	sshra.s32 s23, $0x2;
	s23 =	sadd.s32 $0x200, s23  }
0x26: {  	[tilespmem:s22+$0x79F0] =	vst v1  }
0x27: {  	[tilespmem:s22+$0x7980] =	vst v1  }
0x28: {  	[tilespmem:s22+$0x7990] =	vst v1  }
0x29: {  	[tilespmem:s22+$0x79A0] =	vst v1  }
0x2a: {  	[tilespmem:s22+$0x79B0] =	vst v1  }
0x2b: {  	[tilespmem:s22+$0x79C0] =	vst v1  }
0x2c: {  	[tilespmem:s22+$0x79D0] =	vst v1  }
0x2d: {  	[tilespmem:s22+$0x79E0] =	vst v1  }
0x2e: {  	[spmem:s9] =	stream.linear.scatter [tilespmem:s2], [sflag:$0x5], $0x1000, $0x38;
	[tilespmem:$0x1C980] =	vst v63  }
0x2f: {  	_ =	swait.ge [sflag:s11], $0x1000  }
0x30: {  	[sflag:s11] =	ssyncset.done $0x0  }
0x31: {  	s25 =	rddreg [dreg:$0x5];
	[sflag:s11] =	ssyncadd.s32 $0xFFFFF000  }
0x32: {  	[spmem:s25] =	stream.linear.scatter [tilespmem:s2], [sflag:$0x5], $0x1000, $0x38;
	[tilespmem:$0x1C980] =	vst v63  }
0x33: {  	_ =	swait.ge [sflag:s11], $0x1000  }
0x34: {  	[sflag:s11] =	ssyncset.done $0x0  }
0x35: {  	s26 =	rddreg [dreg:$0x6];
	[sflag:s11] =	ssyncadd.s32 $0xFFFFF000  }
0x36: {  	[spmem:s26] =	stream.linear.scatter [tilespmem:s2], [sflag:$0x5], $0x1000, $0x38;
	[tilespmem:$0x1C980] =	vst v63  }
0x37: {  	_ =	swait.ge [sflag:s11], $0x1000  }
0x38: {  	[sflag:s11] =	ssyncset.done $0x0  }
0x39: {  	s23 =	rddreg [dreg:$0x7];
	[sflag:s11] =	ssyncadd.s32 $0xFFFFF000  }
0x3a: {  	[spmem:s23] =	stream.linear.scatter [tilespmem:s2], [sflag:$0x5], $0x1000, $0x38;
	[tilespmem:$0x1C980] =	vst v63  }
0x3b: {  	_ =	swait.ge [sflag:s11], $0x1000  }
0x3c: {  	[sflag:s11] =	ssyncset.done $0x0  }
0x3d: {  	s24 =	rddreg [dreg:$0x8];
	[sflag:s11] =	ssyncadd.s32 $0xFFFFF000  }
0x3e: {  	[spmem:s24] =	stream.linear.scatter [tilespmem:s2], [sflag:$0x5], $0x1000, $0x38;
	[tilespmem:$0x1C980] =	vst v63  }
0x3f: {  	_ =	swait.ge [sflag:s11], $0x1000  }
0x40: {  	[sflag:s11] =	ssyncset.done $0x0  }
0x41: {  	s25 =	rddreg [dreg:$0x9];
	[sflag:s11] =	ssyncadd.s32 $0xFFFFF000  }
0x42: {  	[spmem:s25] =	stream.linear.scatter [tilespmem:s2], [sflag:$0x5], $0x1000, $0x38;
	[tilespmem:$0x1C980] =	vst v63  }
0x43: {  	_ =	swait.ge [sflag:s11], $0x1000  }
0x44: {  	[sflag:s11] =	ssyncset.done $0x0  }
0x45: {  	s26 =	rddreg [dreg:$0xa];
	[sflag:s11] =	ssyncadd.s32 $0xFFFFF000  }
0x46: {  	[spmem:s26] =	stream.linear.scatter [tilespmem:s2], [sflag:$0x5], $0x1000, $0x38;
	[tilespmem:$0x1C980] =	vst v63  }
0x47: {  	_ =	swait.ge [sflag:s11], $0x1000  }
0x48: {  	[sflag:s11] =	ssyncset.done $0x0  }
0x49: {  	s23 =	rddreg [dreg:$0xb];
	[sflag:s11] =	ssyncadd.s32 $0xFFFFF000  }
0x4a: {  	[spmem:s23] =	stream.linear.scatter [tilespmem:s2], [sflag:$0x5], $0x1000, $0x38;
	[tilespmem:$0x1C980] =	vst v63  }
0x4b: {  	_ =	swait.ge [sflag:s11], $0x1000  }
0x4c: {  	[sflag:s11] =	ssyncset.done $0x0  }
0x4d: {  	s24 =	rddreg [dreg:$0xc];
	[sflag:s11] =	ssyncadd.s32 $0xFFFFF000  }
0x4e: {  	[spmem:s24] =	stream.linear.scatter [tilespmem:s2], [sflag:$0x5], $0x1000, $0x38;
	[tilespmem:$0x1C980] =	vst v63  }
0x4f: {  	_ =	swait.ge [sflag:s11], $0x1000  }
0x50: {  	[sflag:s11] =	ssyncset.done $0x0  }
0x51: {  	s25 =	rddreg [dreg:$0xd];
	[sflag:s11] =	ssyncadd.s32 $0xFFFFF000  }
0x52: {  	[spmem:s25] =	stream.linear.scatter [tilespmem:s2], [sflag:$0x5], $0x1000, $0x38;
	[tilespmem:$0x1C980] =	vst v63  }
0x53: {  	_ =	swait.ge [sflag:s11], $0x1000  }
0x54: {  	[sflag:s11] =	ssyncset.done $0x0  }
0x55: {  	s26 =	rddreg [dreg:$0xe];
	[sflag:s11] =	ssyncadd.s32 $0xFFFFF000  }
0x56: {  	[spmem:s26] =	stream.linear.scatter [tilespmem:s2], [sflag:$0x5], $0x1000, $0x38;
	[tilespmem:$0x1C980] =	vst v63  }
0x57: {  	_ =	swait.ge [sflag:s11], $0x1000  }
0x58: {  	[sflag:s11] =	ssyncset.done $0x0  }
0x59: {  	s23 =	rddreg [dreg:$0xf];
	[sflag:s11] =	ssyncadd.s32 $0xFFFFF000  }
0x5a: {  	[spmem:s23] =	stream.linear.scatter [tilespmem:s2], [sflag:$0x5], $0x1000, $0x38;
	[tilespmem:$0x1C980] =	vst v63  }
0x5b: {  	_ =	swait.ge [sflag:s11], $0x1000  }
0x5c: {  	[sflag:s11] =	ssyncset.done $0x0  }
0x5d: {  	s24 =	rddreg [dreg:$0x10];
	[sflag:s11] =	ssyncadd.s32 $0xFFFFF000  }
0x5e: {  	[spmem:s24] =	stream.linear.scatter [tilespmem:s2], [sflag:$0x5], $0x1000, $0x38;
	[tilespmem:$0x1C980] =	vst v63  }
0x5f: {  	_ =	swait.ge [sflag:s11], $0x1000  }
0x60: {  	[sflag:s11] =	ssyncset.done $0x0  }
0x61: {  	s25 =	rddreg [dreg:$0x11];
	[sflag:s11] =	ssyncadd.s32 $0xFFFFF000  }
0x62: {  	[spmem:s25] =	stream.linear.scatter [tilespmem:s2], [sflag:$0x5], $0x1000, $0x38;
	[tilespmem:$0x1C980] =	vst v63  }
0x63: {  	_ =	swait.ge [sflag:s11], $0x1000  }
0x64: {  	[sflag:s11] =	ssyncset.done $0x0  }
0x65: {  	s26 =	rddreg [dreg:$0x12];
	[sflag:s11] =	ssyncadd.s32 $0xFFFFF000  }
0x66: {  	[spmem:s26] =	stream.linear.scatter [tilespmem:s2], [sflag:$0x5], $0x1000, $0x38;
	[tilespmem:$0x1C980] =	vst v63  }
0x67: {  	_ =	swait.ge [sflag:s11], $0x1000  }
0x68: {  	[sflag:s11] =	ssyncset.done $0x0  }
0x69: {  	[sflag:s11] =	ssyncadd.s32 $0xFFFFF000  }
0x6a: {  	[spmem:s28] =	stream.linear.scatter [tilespmem:s2], [sflag:$0x5], $0x1000, $0x38;
	[tilespmem:$0x1C980] =	vst v63  }
0x6b: {  	_ =	swait.ge [sflag:s11], $0x1000  }
0x6c: {  	[sflag:s11] =	ssyncset.done $0x0  }
0x6d: {  	[sflag:s11] =	ssyncadd.s32 $0xFFFFF000  }
0x6e: {  	[spmem:s29] =	stream.linear.scatter [tilespmem:s2], [sflag:$0x5], $0x1000, $0x38;
	[tilespmem:$0x1C980] =	vst v63  }
0x6f: {  	_ =	swait.ge [sflag:s11], $0x1000  }
0x70: {  	[sflag:s11] =	ssyncset.done $0x0  }
0x71: {  	[sflag:s11] =	ssyncadd.s32 $0xFFFFF000  }
0x72: {  	[spmem:s30] =	stream.linear.scatter [tilespmem:s2], [sflag:$0x5], $0x1000, $0x38;
	[tilespmem:$0x1C980] =	vst v63  }
0x73: {  	_ =	swait.ge [sflag:s11], $0x1000  }
0x74: {  	[sflag:s11] =	ssyncset.done $0x0  }
0x75: {  	[sflag:s11] =	ssyncadd.s32 $0xFFFFF000  }
0x76: {  	[spmem:s31] =	stream.linear.scatter [tilespmem:s2], [sflag:$0x5], $0x1000, $0x38;
	[tilespmem:$0x1C980] =	vst v63  }
0x77: {  	_ =	swait.ge [sflag:s11], $0x1000  }
0x78: {  	[sflag:s11] =	ssyncset.done $0x0  }
0x79: {  	[sflag:s11] =	ssyncadd.s32 $0xFFFFF000  }
0x7a: {  	[spmem:s0] =	stream.linear.scatter [tilespmem:s2], [sflag:$0x5], $0x1000, $0x38;
	[tilespmem:$0x1C980] =	vst v63  }
0x7b: {  	_ =	swait.ge [sflag:s11], $0x1000  }
0x7c: {  	[sflag:s11] =	ssyncset.done $0x0  }
0x7d: {  	[sflag:s11] =	ssyncadd.s32 $0xFFFFF000  }
0x7e: {  	s22 =	simm.s32 $0x0;
	s23 =	simm.s32 $0x0;
	[bflag:$0x0] =	sbarrier.arrive $0xFFFF  }
.LBB2_4:
0x7f: {  	s24 =	smul.u32 $0x50, s23;
	_ =	sdelay $0x1  }
0x80: {  	s24 =	sadd.s32 s10, s24  }
0x81: {  	s25 =	sadd.s32 s8, s24  }
0x82: {  	s25 =	sshll.u32 s25, $0x4  }
0x83: {  	s24 =	sshrl.u32 s24, $0x3;
	s25 =	sadd.s32 s5, s25  }
0x84: {  	[tilespmem:s12], [sflag:$0x3] =	stream.linear.gather [hbm4b:s25+s22], $0x2800, $0x38;
	[tilespmem:$0x1C980] =	vst v63  }
0x85: {  	s26 =	sadd.s32 s7, s24  }
0x86: {  	[tilespmem:s13], [sflag:$0x2] =	stream.linear.gather [hbm4b:s26+s22], $0x50, $0x38;
	[tilespmem:$0x1C980] =	vst v63  }
0x87: {  	s24 =	sadd.s32 s6, s24  }
0x88: {  	[tilespmem:s22], [sflag:$0x1] =	stream.linear.gather [hbm4b:s24+s22], $0x50, $0x38;
	[tilespmem:$0x1C980] =	vst v63  }
0x89: {  	_ =	swait.ge [sflag:s14], $0x50  }
0x8a: {  	[sflag:s14] =	ssyncset.done $0x0  }
0x8b: {  	[sflag:s14] =	ssyncadd.s32 $0xFFFFFFB0  }
0x8c: {  	v2 =	vld [tilespmem:$0x0]  }
0x8d: {  	v3 =	vld [tilespmem:$0x10]  }
0x8e: {  	v4 =	vld [tilespmem:$0x20]  }
0x8f: {  	v5 =	vld [tilespmem:$0x30]  }
0x90: {  	v6 =	vld [tilespmem:$0x40]  }
0x91: {  	v2 =	vadd.s32 v0, v2  }
0x92: {  	[tilespmem:$0x100] =	vst v2;
	v2 =	vadd.s32 v0, v3  }
0x93: {  	[tilespmem:$0x110] =	vst v2;
	v2 =	vadd.s32 v0, v4  }
0x94: {  	[tilespmem:$0x120] =	vst v2;
	v2 =	vadd.s32 v0, v5  }
0x95: {  	[tilespmem:$0x130] =	vst v2;
	v2 =	vadd.s32 v0, v6  }
0x96: {  	[tilespmem:$0x140] =	vst v2  }
0x97: {  	[tilespmem:s17], [sflag:$0x4] =	stream.indirect.gather [hbm4b:s4+s15], $0x80, s16, s15, $0xb8;
	[tilespmem:$0x1C980] =	vst v63  }
0x98: {  	_ =	swait.ge [sflag:s18], $0x2800  }
0x99: {  	[sflag:s18] =	ssyncset.done $0x0  }
0x9a: {  	[sflag:s18] =	ssyncadd.s32 $0xFFFFD800  }
0x9b: {  	_ =	swait.ge [sflag:s19], $0x2800  }
0x9c: {  	[sflag:s19] =	ssyncset.done $0x0  }
0x9d: {  	s24 =	simm.s32 $0x0;
	[sflag:s19] =	ssyncadd.s32 $0xFFFFD800  }
0x9e: {  	v2 =	vld [tilespmem:s24+$0x1F0]  }
0x9f: {  	v3 =	vld [tilespmem:s24+$0x29F0]  }
0xa0: {  	v4 =	vld [tilespmem:s24+$0x180]  }
0xa1: {  	v5 =	vld [tilespmem:s24+$0x2980]  }
0xa2: {  	v6 =	vld [tilespmem:s24+$0x190]  }
0xa3: {  	v7 =	vld [tilespmem:s24+$0x2990]  }
0xa4: {  	v8 =	vld [tilespmem:s24+$0x1A0]  }
0xa5: {  	v2 =	vadd.f32 v3, v2;
	v3 =	vld [tilespmem:s24+$0x29A0]  }
0xa6: {  	v9 =	vld [tilespmem:s24+$0x1B0]  }
0xa7: {  	v10 =	vld [tilespmem:s24+$0x29B0];
	v4 =	vadd.f32 v5, v4  }
0xa8: {  	v11 =	vld [tilespmem:s24+$0x1C0];
	v2 =	vmax.f32 v2, $0.0e+00  }
0xa9: {  	[tilespmem:s24+$0x51F0] =	vst v2;
	v2 =	vmax.f32 v4, $0.0e+00;
	v4 =	vadd.f32 v7, v6;
	v7 =	vld [tilespmem:s24+$0x29C0]  }
0xaa: {  	v5 =	vld [tilespmem:s24+$0x29D0];
	v3 =	vadd.f32 v3, v8  }
0xab: {  	[tilespmem:s24+$0x5180] =	vst v2;
	v2 =	vld [tilespmem:s24+$0x1D0];
	v4 =	vmax.f32 v4, $0.0e+00  }
0xac: {  	v6 =	vld [tilespmem:s24+$0x29E0];
	v8 =	vadd.f32 v10, v9;
	[tilespmem:s24+$0x5190] =	vst v4;
	v4 =	vmax.f32 v3, $0.0e+00  }
0xad: {  	s25 =	simm.s32 $0x80;
	v3 =	vld [tilespmem:s24+$0x1E0];
	[tilespmem:s24+$0x51A0] =	vst v4  }
0xae: {  	s26 =	simm.s32 $0x400;
	v8 =	vmax.f32 v8, $0.0e+00;
	v7 =	vadd.f32 v7, v11;
	v4 =	vld [tilespmem:s25+$0x1F0]  }
.LBB2_5:
0xaf: {  	p0 =	sne.s32 s26, $0x9E00;
	v9 =	vld [tilespmem:s25+$0x29F0];
	[tilespmem:s24+$0x51B0] =	vst v8  }
0xb0: {  	v8 =	vld [tilespmem:s25+$0x180];
	v7 =	vmax.f32 v7, $0.0e+00;
	v2 =	vadd.f32 v5, v2  }
0xb1: {  	v5 =	vld [tilespmem:s25+$0x2980];
	[tilespmem:s24+$0x51C0] =	vst v7  }
0xb2: {  	v7 =	vld [tilespmem:s25+$0x190];
	v2 =	vmax.f32 v2, $0.0e+00;
	v3 =	vadd.f32 v6, v3  }
0xb3: {  	v6 =	vld [tilespmem:s25+$0x2990];
	[tilespmem:s24+$0x51D0] =	vst v2  }
0xb4: {  	v2 =	vld [tilespmem:s25+$0x1A0];
	v4 =	vadd.f32 v9, v4;
	v3 =	vmax.f32 v3, $0.0e+00  }
0xb5: {  	v9 =	vld [tilespmem:s25+$0x29A0];
	[tilespmem:s24+$0x51E0] =	vst v3;
	s24 =	smov.u32 s25  }
0xb6: {  	v3 =	vadd.f32 v5, v8;
	v8 =	vld [tilespmem:s24+$0x1B0];
	v4 =	vmax.f32 v4, $0.0e+00  }
0xb7: {  	v10 =	vld [tilespmem:s24+$0x29B0];
	[tilespmem:s24+$0x51F0] =	vst v4  }
0xb8: {  	v3 =	vmax.f32 v3, $0.0e+00;
	v4 =	vadd.f32 v6, v7;
	v7 =	vld [tilespmem:s24+$0x1C0]  }
0xb9: {  	[tilespmem:s24+$0x5180] =	vst v3;
	v11 =	vld [tilespmem:s24+$0x29C0]  }
.Ltmp1:
0xba: {  	v3 =	vmax.f32 v4, $0.0e+00;
	v4 =	vadd.f32 v9, v2;
	v2 =	vld [tilespmem:s24+$0x1D0];
	(pc) =	sbr.rel @p0 .LBB2_5-.Ltmp1, $4  }
0xbb: {  	[tilespmem:s24+$0x5190] =	vst v3;
	v5 =	vld [tilespmem:s24+$0x29D0]  }
0xbc: {  	v4 =	vmax.f32 v4, $0.0e+00;
	v8 =	vadd.f32 v10, v8;
	v3 =	vld [tilespmem:s24+$0x1E0]  }
0xbd: {  	s25 =	sshra.s32 s26, $0x2;
	[tilespmem:s24+$0x51A0] =	vst v4;
	v6 =	vld [tilespmem:s24+$0x29E0]  }
0xbe: {  	s26 =	sadd.s32 $0x200, s26;
	v4 =	vld [tilespmem:s25+$0x1F0];
	v8 =	vmax.f32 v8, $0.0e+00;
	v7 =	vadd.f32 v11, v7  }
0xbf: {  	v9 =	vld [tilespmem:s25+$0x29F0];
	[tilespmem:s24+$0x51B0] =	vst v8  }
0xc0: {  	v8 =	vld [tilespmem:s25+$0x180];
	v7 =	vmax.f32 v7, $0.0e+00;
	v2 =	vadd.f32 v5, v2  }
0xc1: {  	v10 =	vld [tilespmem:s25+$0x2980];
	[tilespmem:s24+$0x51C0] =	vst v7  }
0xc2: {  	v55 =	vld [tilespmem:s25+$0x190];
	v2 =	vmax.f32 v2, $0.0e+00;
	v3 =	vadd.f32 v6, v3  }
0xc3: {  	v7 =	vld [tilespmem:s25+$0x2990];
	[tilespmem:s24+$0x51D0] =	vst v2  }
0xc4: {  	v2 =	vld [tilespmem:s25+$0x1A0];
	v3 =	vmax.f32 v3, $0.0e+00  }
0xc5: {  	v56 =	vld [tilespmem:s25+$0x29A0];
	[tilespmem:s24+$0x51E0] =	vst v3  }
0xc6: {  	v3 =	vld [tilespmem:s25+$0x1B0]  }
0xc7: {  	v57 =	vld [tilespmem:s25+$0x29B0]  }
0xc8: {  	v59 =	vld [tilespmem:s25+$0x1C0]  }
0xc9: {  	v60 =	vld [tilespmem:s25+$0x29C0]  }
0xca: {  	v61 =	vld [tilespmem:s25+$0x1D0];
	v2 =	vadd.f32 v56, v2  }
0xcb: {  	v62 =	vld [tilespmem:s25+$0x29D0]  }
0xcc: {  	v4 =	vadd.f32 v9, v4;
	v63 =	vld [tilespmem:s25+$0x1E0];
	v2 =	vmax.f32 v2, $0.0e+00  }
0xcd: {  	v8 =	vadd.f32 v10, v8;
	[tilespmem:s25+$0x51A0] =	vst v2;
	v2 =	vld [tilespmem:s25+$0x29E0]  }
0xce: {  	v4 =	vmax.f32 v4, $0.0e+00;
	v5 =	vadd.f32 v7, v55  }
0xcf: {  	[tilespmem:s25+$0x51F0] =	vst v4;
	v58 =	vmax.f32 v8, $0.0e+00;
	v3 =	vadd.f32 v57, v3  }
0xd0: {  	[tilespmem:s25+$0x5180] =	vst v58;
	v5 =	vmax.f32 v5, $0.0e+00;
	v4 =	vadd.f32 v60, v59  }
0xd1: {  	[tilespmem:s25+$0x5190] =	vst v5;
	v5 =	vadd.f32 v62, v61;
	v3 =	vmax.f32 v3, $0.0e+00  }
0xd2: {  	[tilespmem:s25+$0x51B0] =	vst v3;
	v3 =	vmax.f32 v4, $0.0e+00;
	v2 =	vadd.f32 v2, v63  }
0xd3: {  	[tilespmem:s25+$0x51C0] =	vst v3;
	v3 =	vmax.f32 v5, $0.0e+00  }
0xd4: {  	[tilespmem:s25+$0x51D0] =	vst v3;
	v2 =	vmax.f32 v2, $0.0e+00  }
0xd5: {  	[tilespmem:s25+$0x51E0] =	vst v2  }
0xd6: {  	s23 =	sadd.s32 $0x1, s23;
	_ =	swait.ge [sflag:s20], $0x50  }
0xd7: {  	p0 =	sne.s32 s23, $0x7D;
	[sflag:s20] =	ssyncset.done $0x0  }
.Ltmp2:
0xd8: {  	[sflag:s20] =	ssyncadd.s32 $0xFFFFFFB0;
	(pc) =	sbr.rel @p0 .LBB2_4-.Ltmp2, $4  }
0xd9: {  	[spmem:s1] =	stream.indirect.scatter.add.f32 [tilespmem:s21], [sflag:$0x5], $0x80, s13, s15, $0xb8;
	[tilespmem:$0x1C980] =	vst v63  }
0xda: {  	_ =	swait.ge [sflag:s11], $0x2800  }
0xdb: {  	[sflag:s11] =	ssyncset.done $0x0  }
0xdc: {  	[sflag:s11] =	ssyncadd.s32 $0xFFFFD800  }
0xdd: {  	s22 =	stileid.u32  }
0xde: {  	[bflag:$0x0] =	sbarrier.arrive $0xFFFF;
	s22 =	sshll.u32 s22, $0x6  }
0xdf: {  	s23 =	sshrl.u32 s9, $0x3;
	s24 =	rddreg [dreg:$0x3];
	s22 =	sor.u32 $0x1C05, s22  }
0xe0: {  	[hbm:s24], [sflag:s22] =	dma.local [spmem:s23], $0x2800  }
0xe1: {  	_ =	swait.ge [sflag:s11], $0x2800  }
0xe2: {  	s3 =	sadd.s32 $0x1, s3;
	s26 =	rddreg [dreg:$0x4]  }
0xe3: {  	p0 =	sne.s32 s3, s26  }
.Ltmp3:
0xe4: {  	_ = 	snop;
	(pc) =	sbr.rel @p0 .LBB2_1-.Ltmp3, $3  }
0xe5: {  	_ =	sdelay $0x1  }
0xe6: {  	[sflag:s11] =	ssyncset.done $0x0  }
0xe7: {  	[sflag:s11] =	ssyncadd.s32 $0xFFFFD800  }
0xe8: {  	_ =	sfence.sel $0x180000  }
0xe9: {  	[bflag:$0x0] =	sbarrier.arrive $0xFFFF  }
0xea: {  	_ =	strace $0x9000004A  }
0xeb: {  	s0 =	stileid.u32;
	[bflag:$0x2] =	sbarrier.arrive $0xFFFF  }
0xec: {  	p0 =	sne.s32 s0, $0x0;
	s0 =	rddreg [dreg:$0x2]  }
0xed: {  	s0 =	sadd.s32 @!p0 $0x100000, s0  }
0xee: {  	[sflag:s0] =	ssyncadd.tile.s32 @!p0 $0x1;
	_ =	shalt  }
.Lfunc_end2:
_tile_overlayer_lowered:
.L_overlay_start_2:
0xef: {  	(tag) =	ssettag $0x2  }
0xf0: {  	s0 =	rddreg [dreg:$0x0];
	s2 =	stileid.u32  }
0xf1: {  	s1 =	rddreg [dreg:$0x1];
	p0 =	sne.s32 s2, $0x0  }
0xf2: {  	s3 =	rddreg [dreg:$0x2];
	[bflag:$0x3] =	sbarrier.arrive $0xFFFF;
	s2 =	simm.s32 @!p0 $0x1C05  }
0xf3: {  	[timem:s3], [sflag:s2] =	dma.local @!p0 [hbm:s0], s1  }
0xf4: {  	s0 =	simm.s32 @!p0 $0x5  }
0xf5: {  	_ =	swait.ge @!p0 [sflag:s0], s1  }
0xf6: {  	s1 =	ssub.s32 @!p0 $0x0, s1;
	[sflag:s0] =	ssyncset.done @!p0 $0x0  }
0xf7: {  	[sflag:s0] =	ssyncadd.s32 @!p0 s1  }
0xf8: {  	[bflag:$0x3] =	sbarrier.arrive $0xFFFF  }
0xf9: {  	_ =	shalt  }

// kernel: kernel.8.cloned.1.call-start
scs
__scs_entry_jumppad:
0x0: {  	(pc) =	sbr.rel $0x88, $3  }
0x1: {  	(tag) =	ssettag $0x0;
	lr =	simm.s32 $0x1  }
0x2: {  	[smem:$0x3F8E] =	sst lr;
	_ =	strace $0xD0000000  }
0x3: {  	_ = 	snop  }
0x4: {  	_ = 	snop  }
0x5: {  	_ = 	snop  }
0x6: {  	_ = 	snop  }
0x7: {  	_ = 	snop  }
__scs_overlays_trampoline_lowered:
0x8: {  	[smem:$0x3F9D] =	sst s0  }
0x9: {  	[smem:$0x3F9E] =	sst s1  }
0xa: {  	[smem:$0x3F9F] =	sst s2  }
0xb: {  	[smem:$0x3FA0] =	sst s3  }
0xc: {  	[smem:$0x3FA1] =	sst s4  }
0xd: {  	[smem:$0x3FA2] =	sst s5  }
0xe: {  	[smem:$0x3FA3] =	sst s6  }
0xf: {  	[smem:$0x3FA4] =	sst s7  }
0x10: {  	[smem:$0x3FA5] =	sst s8  }
0x11: {  	[smem:$0x3FA6] =	sst s9;
	s0 =	simm.s32 @!p0 $0x0  }
0x12: {  	s1 =	sld [smem:$0x3F8C];
	s0 =	simm.s32 @p0 $0x1  }
0x13: {  	[smem:$0x3FA7] =	sst s0;
	s0 =	simm.s32 @!p1 $0x0  }
0x14: {  	s2 =	sld [smem:$0x3F8B];
	s0 =	simm.s32 @p1 $0x1  }
0x15: {  	[smem:$0x3FA8] =	sst s0;
	s0 =	simm.s32 @!p2 $0x0  }
0x16: {  	s3 =	sld [smem:$0x3FDB];
	s0 =	simm.s32 @p2 $0x1  }
0x17: {  	s4 =	simm.s32 $0x1BF5;
	[smem:$0x3FAA] =	sst s0  }
0x18: {  	s0 =	sld [smem:$0x3F8D];
	_ =	swait.ge [sflag:s4], $0x0  }
0x19: {  	s7 =	sld [smem:$0x3F8E]  }
0x1a: {  	s8 =	sadd.s32 $0xFFFFE003, lr  }
0x1b: {  	s9 =	sadd.s32 $0xFFFFFEF7, lr;
	s5 =	simm.s32 $0xFFFFFFFF;
	p2 =	slt.u32 s8, $0xFFFFF086  }
0x1c: {  	p1 =	slt.u32 s9, $0xF7A;
	s5 =	simm.s32 @!p2 $0x0  }
0x1d: {  	s5 =	simm.s32 @p1 $0x1;
	p0 =	seq.s32 s7, s2  }
0x1e: {  	s7 =	smul.u32 @!p0 $0xF7A, s2;
	p2 =	seq.s32 @!p0 s5, $0x0  }
0x1f: {  	s9 =	smul.u32 $0xF7A, s1;
	s8 =	simm.s32 @!p0 $0x1BF5;
	p2 =	por !p2, p0  }
0x20: {  	[sflag:s8] =	ssyncset.s32 @!p0 $0xFFFFF086;
	s6 =	sadd.s32 @!p0 s3, s7;
	s7 =	simm.s32 @!p0 $0x108  }
0x21: {  	s3 =	sadd.s32 s3, s9;
	s6 =	sadd.s32 @!p0 $0x88, s6;
	s7 =	simm.s32 @p2 $0x1082  }
0x22: {  	[simem:s7], [sflag:s8] =	dma.local @!p0 [hbm:s6], $0xF7A  }
0x23: {  	s9 =	sor.u32 $0xD0000000, s2;
	s6 =	simm.s32 $0x108;
	_ =	swait.ge @!p0 [sflag:s8], $0x0  }
0x24: {  	s3 =	sadd.s32 $0x88, s3;
	s6 =	simm.s32 @!p1 $0x1082;
	[sflag:s4] =	ssyncset.s32 $0xFFFFF086  }
0x25: {  	[simem:s6], [sflag:s4] =	dma.local [hbm:s3], $0xF7A  }
0x26: {  	[smem:$0x3F8E] =	sst s1;
	(tag) =	ssettag s2;
	_ =	strace s9  }
0x27: {  	s1 =	sld [smem:$0x3F9E]  }
0x28: {  	s2 =	sld [smem:$0x3F9F]  }
0x29: {  	s4 =	sld [smem:$0x3FA1]  }
0x2a: {  	p0 =	seq.s32 s5, $0x0;
	s5 =	sld [smem:$0x3FA2]  }
0x2b: {  	s6 =	sld [smem:$0x3FA3]  }
0x2c: {  	s7 =	sld [smem:$0x3FA4]  }
0x2d: {  	s3 =	simm.s32 $0x108;
	s8 =	sld [smem:$0x3FA5]  }
0x2e: {  	s3 =	simm.s32 @!p0 $0x1082;
	s9 =	sld [smem:$0x3FA6]  }
0x2f: {  	lr =	sadd.s32 s0, s3;
	s0 =	sld [smem:$0x3F9D]  }
0x30: {  	s3 =	sld [smem:$0x3FA0]  }
0x31: {  	[smem:$0x3FA9] =	sst s10  }
0x32: {  	s10 =	sld [smem:$0x3FA7];
	_ =	sdelay $0x3  }
0x33: {  	p0 =	seq.s32 s10, $0x1;
	s10 =	sld [smem:$0x3FA9];
	_ =	sdelay $0x3  }
0x34: {  	[smem:$0x3FA9] =	sst s10  }
0x35: {  	s10 =	sld [smem:$0x3FA8];
	_ =	sdelay $0x3  }
0x36: {  	p1 =	seq.s32 s10, $0x1;
	s10 =	sld [smem:$0x3FA9];
	_ =	sdelay $0x3  }
0x37: {  	[smem:$0x3FA9] =	sst s10  }
0x38: {  	s10 =	sld [smem:$0x3FAA]  }
0x39: {  	_ = 	snop;
	(pc) =	sbr.ind lr, $3  }
0x3a: {  	_ = 	snop  }
0x3b: {  	_ = 	snop  }
0x3c: {  	p2 =	seq.s32 s10, $0x1;
	s10 =	sld [smem:$0x3FA9]  }
0x3d: {  	_ =	shalt  }
0x3e: {  	_ =	shalt  }
0x3f: {  	_ =	shalt  }
0x40: {  	_ =	shalt  }
0x41: {  	_ =	shalt  }
0x42: {  	_ =	shalt  }
0x43: {  	_ =	shalt  }
0x44: {  	_ =	shalt  }
0x45: {  	_ =	shalt  }
0x46: {  	_ =	shalt  }
0x47: {  	_ =	shalt  }
0x48: {  	_ =	shalt  }
0x49: {  	_ =	shalt  }
0x4a: {  	_ =	shalt  }
0x4b: {  	_ =	shalt  }
0x4c: {  	_ =	shalt  }
0x4d: {  	_ =	shalt  }
0x4e: {  	_ =	shalt  }
0x4f: {  	_ =	shalt  }
0x50: {  	_ =	shalt  }
0x51: {  	_ =	shalt  }
0x52: {  	_ =	shalt  }
0x53: {  	_ =	shalt  }
0x54: {  	_ =	shalt  }
0x55: {  	_ =	shalt  }
0x56: {  	_ =	shalt  }
0x57: {  	_ =	shalt  }
0x58: {  	_ =	shalt  }
0x59: {  	_ =	shalt  }
0x5a: {  	_ =	shalt  }
0x5b: {  	_ =	shalt  }
0x5c: {  	_ =	shalt  }
0x5d: {  	_ =	shalt  }
0x5e: {  	_ =	shalt  }
0x5f: {  	_ =	shalt  }
0x60: {  	_ =	shalt  }
0x61: {  	_ =	shalt  }
0x62: {  	_ =	shalt  }
0x63: {  	_ =	shalt  }
0x64: {  	_ =	shalt  }
0x65: {  	_ =	shalt  }
0x66: {  	_ =	shalt  }
0x67: {  	_ =	shalt  }
0x68: {  	_ =	shalt  }
0x69: {  	_ =	shalt  }
0x6a: {  	_ =	shalt  }
0x6b: {  	_ =	shalt  }
0x6c: {  	_ =	shalt  }
0x6d: {  	_ =	shalt  }
0x6e: {  	_ =	shalt  }
0x6f: {  	_ =	shalt  }
0x70: {  	_ =	shalt  }
0x71: {  	_ =	shalt  }
0x72: {  	_ =	shalt  }
0x73: {  	_ =	shalt  }
0x74: {  	_ =	shalt  }
0x75: {  	_ =	shalt  }
0x76: {  	_ =	shalt  }
0x77: {  	_ =	shalt  }
0x78: {  	_ =	shalt  }
0x79: {  	_ =	shalt  }
0x7a: {  	_ =	shalt  }
0x7b: {  	_ =	shalt  }
0x7c: {  	_ =	shalt  }
0x7d: {  	_ =	shalt  }
0x7e: {  	_ =	shalt  }
0x7f: {  	_ =	shalt  }
0x80: {  	_ =	shalt  }
0x81: {  	_ =	shalt  }
0x82: {  	_ =	shalt  }
0x83: {  	_ =	shalt  }
0x84: {  	_ =	shalt  }
0x85: {  	_ =	shalt  }
0x86: {  	_ =	shalt  }
0x87: {  	_ =	shalt  }
.Lfunc_end0:
.L_simem_size_0:
called_computation_lowered:
.L_overlay_start_0:
0x88: {  	s2 =	sld [smem:$0x3FD9]  }
0x89: {  	s3 =	sld [smem:$0x3FFE];
	_ =	sdelay $0x1  }
0x8a: {  	s1 =	srdreg.scid  }
0x8b: {  	s0 =	sand.u32 $0x1, s1  }
0x8c: {  	s16 =	sshll.u32 s0, $0xA;
	s2 =	sadd.s32 s3, s2  }
0x8d: {  	s2 =	sadd.s32 s2, s16  }
0x8e: {  	[smem:$0x3FB5] =	sst s2  }
0x8f: {  	_ = 	snop  }
0x90: {  	(tm) =	ssettm $0x1  }
0x91: {  	s17 =	sld [smem:$0x3FFB];
	_ =	sdelay $0x3  }
0x92: {  	_ =	strace s17  }
0x93: {  	s2 =	sld [smem:$0x3FFC];
	_ =	sdelay $0x3  }
0x94: {  	_ =	strace s2  }
0x95: {  	s2 =	sld [smem:$0x3FFD];
	_ =	sdelay $0x3  }
0x96: {  	_ =	strace s2  }
0x97: {  	_ =	strace $0x8FFFFFFF  }
0x98: {  	s18 =	sld [smem:$0x3FDB];
	_ =	sdelay $0x1  }
0x99: {  	s19 =	simm.s32 $_scs_section_size  }
0x9a: {  	s4 =	simm.s32 $_size__tile_overlayer_lowered;
	s5 =	simm.s32 $_tile_overlayer_lowered  }
0x9b: {  	s22 =	simm.s32 $0x1BFF;
	s21 =	sshll.u32 s5, $0x1;
	s2 =	sadd.s32 s19, s18  }
0x9c: {  	s6 =	simm.s32 $0x0;
	s20 =	sshll.u32 s4, $0x1;
	s4 =	sadd.s32 s21, s2  }
0x9d: {  	[timem:s6], [sflag:s22] =	dma.local [hbm:s4], s20  }
0x9e: {  	_ =	swait.ge [sflag:s22], s20  }
0x9f: {  	s3 =	ssub.s32 $0x0, s20;
	[sflag:s22] =	ssyncset.done $0x0  }
0xa0: {  	[sflag:s22] =	ssyncadd.s32 s3;
	_ =	sdelay $0x1  }
0xa1: {  	s23 =	simm.s32 $0x1B8B  }
0xa2: {  	_ =	swait.ge [sflag:s23], $0x1  }
0xa3: {  	[sflag:s23] =	ssyncset.done $0x0  }
0xa4: {  	s25 =	simm.s32 $0x1B8E;
	s24 =	sld [smem:$0x3FFE];
	[sflag:s23] =	ssyncadd.s32 $0xFFFFFFFF  }
0xa5: {  	s26 =	simm.s32 $execute0_lowered;
	[smem:$0x3FD2] =	sst s25  }
0xa6: {  	s4 =	sshll.u32 s26, $0x1;
	_ =	strace $0x80000046;
	[dreg:$0x1] =	wrdreg $0xFFFFFFFF  }
0xa7: {  	s28 =	simm.s32 $_size_execute0_lowered;
	s2 =	sadd.s32 s2, s4;
	[dreg:$0x0] =	wrdreg $0x0  }
0xa8: {  	s4 =	sshll.u32 s28, $0x1;
	[dreg:$0x2] =	wrdreg s2  }
0xa9: {  	[dreg:$0x3] =	wrdreg s4  }
0xaa: {  	[dreg:$0x4] =	wrdreg $0xC0  }
0xab: {  	_ =	task [dreg:s6], $0x5FFFF  }
0xac: {  	[dreg:$0x1] =	wrdreg $0xFFFFFFFF  }
0xad: {  	[dreg:$0x0] =	wrdreg $0x60  }
0xae: {  	[dreg:$0x2] =	wrdreg s24  }
0xaf: {  	[dreg:$0x3] =	wrdreg $0x89800  }
0xb0: {  	[dreg:$0x4] =	wrdreg $0x9  }
0xb1: {  	_ =	task.clear_ibuf [dreg:s6], $0x5FFFF;
	_ =	strace $0x90000046  }
0xb2: {  	s29 =	simm.s32 $0x9;
	_ =	strace $0x80000048  }
0xb3: {  	_ =	swait.ge [sflag:s29], $0x1  }
0xb4: {  	[sflag:s29] =	ssyncadd.s32 $0xFFFFFFFF  }
0xb5: {  	_ =	strace $0x90000048  }
0xb6: {  	_ =	sfence  }
0xb7: {  	s30 =	sld [smem:$0x0];
	_ =	sdelay $0x2  }
0xb8: {  	s31 =	sshll.u32 s1, $0xD;
	s1 =	sshrl.u32 s1, $0x2  }
0xb9: {  	s3 =	sand.u32 $0x4000, s31;
	s1 =	sadd.s32 s1, s30  }
0xba: {  	s0 =	sor.u32 s3, s0;
	s1 =	sshll.u32 s1, $0x11  }
0xbb: {  	s0 =	sor.u32 s1, s0  }
0xbc: {  	s0 =	sadd.s32 $0x8F2B, s0  }
0xbd: {  	[sflag:s0] =	ssyncadd.remote.s32 $0x1  }
0xbe: {  	_ =	sfence.sel $0xFFFF  }
0xbf: {  	[dreg:$0x0] =	wrdreg $0xFFFFFFFF;
	(pc) =	sbr.abs _section_cstart, $3  }
0xc0: {  	[dreg:$0x1] =	wrdreg $0xFFFFFFFF  }
0xc1: {  	_ =	task.clear_ibuf [dreg:s6], $0x2FFFF;
	_ =	strace $0x9FFFFFFF  }
0xc2: {  	(tm) =	ssettm $0x7FFFFFFF  }
0xc3: {  	_ =	shalt  }
tec
execute0_lowered:
.L_overlay_start_1:
0x0: {  	(tag) =	ssettag $0x1  }
0x1: {  	s0 =	rddreg [dreg:$0x0]  }
0x2: {  	s2 =	rddreg [dreg:$0x1];
	s13 =	stileid.u32  }
0x3: {  	s1 =	srdreg.scid;
	s8 =	smul.u32 $0x280, s13  }
0x4: {  	s3 =	simm.s32 $0x0;
	s1 =	sand.u32 $0x1, s1;
	s10 =	smul.u32 $0x50000, s13  }
0x5: {  	s28 =	simm.s32 $0x1CA00;
	s9 =	smul.u32 $0x2800, s1;
	s19 =	ssub.s32 $0x2, s1  }
0x6: {  	[smem:$0x7FF] =	sst s3;
	s20 =	sshrl.u32 s19, $0x1;
	s21 =	sshrl.u32 s10, $0x2  }
0x7: {  	s8 =	sadd.s32 s8, s9;
	s12 =	ssub.s32 s19, s20;
	s9 =	sadd.s32 s21, s2  }
0x8: {  	_ =	strace $0x80000047;
	s22 =	smax.u32 s12, $0x1;
	[dreg:$0x3] =	wrdreg s9  }
0x9: {  	s29 =	simm.s32 $0x0;
	s24 =	sadd.s32 $0x1000, s9;
	[dreg:$0x6] =	wrdreg s22  }
0xa: {  	s4 =	sadd.s32 $0x9CF400, s0;
	s25 =	sadd.s32 $0x2000, s9;
	[dreg:$0x7] =	wrdreg s24  }
0xb: {  	s5 =	sadd.s32 $0xB400, s0;
	s30 =	sadd.s32 $0x3000, s9;
	[dreg:$0x8] =	wrdreg s25  }
0xc: {  	s26 =	smul.u32 $0x1388, s13;
	s31 =	sadd.s32 $0x4000, s9;
	[dreg:$0x9] =	wrdreg s30  }
0xd: {  	s10 =	smul.u32 $0x2710, s13;
	s13 =	sadd.s32 $0x5000, s9;
	[dreg:$0xa] =	wrdreg s31  }
0xe: {  	s6 =	sadd.s32 $0x6400, s0;
	s15 =	sadd.s32 $0x7000, s9;
	[dreg:$0xb] =	wrdreg s13  }
0xf: {  	s7 =	sadd.s32 $0x1400, s0;
	s16 =	sadd.s32 $0x8000, s9;
	[dreg:$0xd] =	wrdreg s15  }
0x10: {  	s11 =	smul.u32 $0x2710, s1;
	s17 =	sadd.s32 $0x9000, s9;
	[dreg:$0xe] =	wrdreg s16  }
0x11: {  	s23 =	smul.u32 $0x13880, s1;
	s18 =	sadd.s32 $0xA000, s9;
	[dreg:$0xf] =	wrdreg s17  }
0x12: {  	s8 =	sshll.u32 s8, $0x4;
	s19 =	sadd.s32 $0xB000, s9;
	[dreg:$0x10] =	wrdreg s18  }
0x13: {  	s20 =	sadd.s32 $0xC000, s9;
	s21 =	sadd.s32 $0xD000, s9;
	[dreg:$0x11] =	wrdreg s19  }
0x14: {  	s12 =	simm.s32 $0x7980;
	s0 =	sadd.s32 s8, s0;
	[dreg:$0x12] =	wrdreg s20  }
0x15: {  	s8 =	smul.u32 $0x27100, s1;
	[dreg:$0x13] =	wrdreg s21;
	s22 =	sadd.s32 $0xE000, s9  }
0x16: {  	s25 =	sadd.s32 $0x10000, s9;
	s30 =	sadd.s32 $0x12000, s9;
	s31 =	sadd.s32 $0x13000, s9  }
0x17: {  	s13 =	simm.s32 $0x5;
	s15 =	simm.s32 $0x80;
	[dreg:$0x14] =	wrdreg s22  }
0x18: {  	s16 =	simm.s32 $0x1;
	s17 =	simm.s32 $0x50;
	[dreg:$0x16] =	wrdreg s25  }
0x19: {  	s18 =	simm.s32 $0x100;
	s19 =	simm.s32 $0x180;
	[dreg:$0x18] =	wrdreg s30  }
0x1a: {  	s20 =	simm.s32 $0x4;
	s14 =	sadd.s32 $0xA1D600, s0;
	[dreg:$0x19] =	wrdreg s31  }
0x1b: {  	s21 =	simm.s32 $0x3;
	s0 =	sadd.s32 $0xA6D600, s0;
	[dreg:$0x4] =	wrdreg s14  }
0x1c: {  	s22 =	simm.s32 $0x2;
	[dreg:$0x5] =	wrdreg s0;
	s14 =	sadd.s32 $0x6000, s9  }
0x1d: {  	s0 =	sadd.s32 s26, s23;
	s23 =	sadd.s32 $0xF000, s9;
	[dreg:$0xc] =	wrdreg s14  }
0x1e: {  	s25 =	simm.s32 $0x1C980;
	s26 =	sadd.s32 $0x11000, s9;
	[dreg:$0x15] =	wrdreg s23  }
0x1f: {  	s0 =	sshrl.u32 s0, $0x3;
	[dreg:$0x17] =	wrdreg s26;
	s14 =	simm.s32 $0x2980  }
0x20: {  	v1 =	vimm.f32 $0.0e+00;
	v2 =	vimm.f32 $1.000000000e+00;
	v0 =	vmov s11;
	s23 =	simm.s32 $0x5180;
	s26 =	simm.s32 $0x28;
	s24 =	sadd.s32 s0, s7  }
.LBB2_1:
0x21: {  	s0 =	simm.s32 $0x0;
	s1 =	simm.s32 $0x200  }
.LBB2_2:
0x22: {  	p0 =	sne.s32 s1, $0x3E00;
	[tilespmem:s0+$0x79F0] =	vst v1  }
0x23: {  	[tilespmem:s0+$0x7980] =	vst v1  }
0x24: {  	[tilespmem:s0+$0x7990] =	vst v1  }
.Ltmp0:
0x25: {  	[tilespmem:s0+$0x79A0] =	vst v1;
	(pc) =	sbr.rel @p0 .LBB2_2-.Ltmp0, $4  }
0x26: {  	[tilespmem:s0+$0x79B0] =	vst v1  }
0x27: {  	[tilespmem:s0+$0x79C0] =	vst v1  }
0x28: {  	[tilespmem:s0+$0x79D0] =	vst v1  }
0x29: {  	[tilespmem:s0+$0x79E0] =	vst v1;
	s0 =	sshra.s32 s1, $0x2;
	s1 =	sadd.s32 $0x200, s1  }
0x2a: {  	[tilespmem:s0+$0x79F0] =	vst v1  }
0x2b: {  	[tilespmem:s0+$0x7980] =	vst v1  }
0x2c: {  	[tilespmem:s0+$0x7990] =	vst v1  }
0x2d: {  	[tilespmem:s0+$0x79A0] =	vst v1  }
0x2e: {  	[tilespmem:s0+$0x79B0] =	vst v1  }
0x2f: {  	[tilespmem:s0+$0x79C0] =	vst v1  }
0x30: {  	[tilespmem:s0+$0x79D0] =	vst v1  }
0x31: {  	[tilespmem:s0+$0x79E0] =	vst v1  }
0x32: {  	[spmem:s9] =	stream.linear.scatter [tilespmem:s12], [sflag:$0x5], $0x1000, $0x38;
	[tilespmem:$0x1DE00] =	vst v63  }
0x33: {  	_ =	swait.ge [sflag:s13], $0x1000  }
0x34: {  	[sflag:s13] =	ssyncset.done $0x0  }
0x35: {  	s11 =	rddreg [dreg:$0x7];
	[sflag:s13] =	ssyncadd.s32 $0xFFFFF000  }
0x36: {  	[spmem:s11] =	stream.linear.scatter [tilespmem:s12], [sflag:$0x5], $0x1000, $0x38;
	[tilespmem:$0x1DE00] =	vst v63  }
0x37: {  	_ =	swait.ge [sflag:s13], $0x1000  }
0x38: {  	[sflag:s13] =	ssyncset.done $0x0  }
0x39: {  	s1 =	rddreg [dreg:$0x8];
	[sflag:s13] =	ssyncadd.s32 $0xFFFFF000  }
0x3a: {  	[spmem:s1] =	stream.linear.scatter [tilespmem:s12], [sflag:$0x5], $0x1000, $0x38;
	[tilespmem:$0x1DE00] =	vst v63  }
0x3b: {  	_ =	swait.ge [sflag:s13], $0x1000  }
0x3c: {  	[sflag:s13] =	ssyncset.done $0x0  }
0x3d: {  	s11 =	rddreg [dreg:$0x9];
	[sflag:s13] =	ssyncadd.s32 $0xFFFFF000  }
0x3e: {  	[spmem:s11] =	stream.linear.scatter [tilespmem:s12], [sflag:$0x5], $0x1000, $0x38;
	[tilespmem:$0x1DE00] =	vst v63  }
0x3f: {  	_ =	swait.ge [sflag:s13], $0x1000  }
0x40: {  	[sflag:s13] =	ssyncset.done $0x0  }
0x41: {  	s1 =	rddreg [dreg:$0xa];
	[sflag:s13] =	ssyncadd.s32 $0xFFFFF000  }
0x42: {  	[spmem:s1] =	stream.linear.scatter [tilespmem:s12], [sflag:$0x5], $0x1000, $0x38;
	[tilespmem:$0x1DE00] =	vst v63  }
0x43: {  	_ =	swait.ge [sflag:s13], $0x1000  }
0x44: {  	[sflag:s13] =	ssyncset.done $0x0  }
0x45: {  	s11 =	rddreg [dreg:$0xb];
	[sflag:s13] =	ssyncadd.s32 $0xFFFFF000  }
0x46: {  	[spmem:s11] =	stream.linear.scatter [tilespmem:s12], [sflag:$0x5], $0x1000, $0x38;
	[tilespmem:$0x1DE00] =	vst v63  }
0x47: {  	_ =	swait.ge [sflag:s13], $0x1000  }
0x48: {  	[sflag:s13] =	ssyncset.done $0x0  }
0x49: {  	s1 =	rddreg [dreg:$0xc];
	[sflag:s13] =	ssyncadd.s32 $0xFFFFF000  }
0x4a: {  	[spmem:s1] =	stream.linear.scatter [tilespmem:s12], [sflag:$0x5], $0x1000, $0x38;
	[tilespmem:$0x1DE00] =	vst v63  }
0x4b: {  	_ =	swait.ge [sflag:s13], $0x1000  }
0x4c: {  	[sflag:s13] =	ssyncset.done $0x0  }
0x4d: {  	s11 =	rddreg [dreg:$0xd];
	[sflag:s13] =	ssyncadd.s32 $0xFFFFF000  }
0x4e: {  	[spmem:s11] =	stream.linear.scatter [tilespmem:s12], [sflag:$0x5], $0x1000, $0x38;
	[tilespmem:$0x1DE00] =	vst v63  }
0x4f: {  	_ =	swait.ge [sflag:s13], $0x1000  }
0x50: {  	[sflag:s13] =	ssyncset.done $0x0  }
0x51: {  	s1 =	rddreg [dreg:$0xe];
	[sflag:s13] =	ssyncadd.s32 $0xFFFFF000  }
0x52: {  	[spmem:s1] =	stream.linear.scatter [tilespmem:s12], [sflag:$0x5], $0x1000, $0x38;
	[tilespmem:$0x1DE00] =	vst v63  }
0x53: {  	_ =	swait.ge [sflag:s13], $0x1000  }
0x54: {  	[sflag:s13] =	ssyncset.done $0x0  }
0x55: {  	s11 =	rddreg [dreg:$0xf];
	[sflag:s13] =	ssyncadd.s32 $0xFFFFF000  }
0x56: {  	[spmem:s11] =	stream.linear.scatter [tilespmem:s12], [sflag:$0x5], $0x1000, $0x38;
	[tilespmem:$0x1DE00] =	vst v63  }
0x57: {  	_ =	swait.ge [sflag:s13], $0x1000  }
0x58: {  	[sflag:s13] =	ssyncset.done $0x0  }
0x59: {  	s1 =	rddreg [dreg:$0x10];
	[sflag:s13] =	ssyncadd.s32 $0xFFFFF000  }
0x5a: {  	[spmem:s1] =	stream.linear.scatter [tilespmem:s12], [sflag:$0x5], $0x1000, $0x38;
	[tilespmem:$0x1DE00] =	vst v63  }
0x5b: {  	_ =	swait.ge [sflag:s13], $0x1000  }
0x5c: {  	[sflag:s13] =	ssyncset.done $0x0  }
0x5d: {  	s11 =	rddreg [dreg:$0x11];
	[sflag:s13] =	ssyncadd.s32 $0xFFFFF000  }
0x5e: {  	[spmem:s11] =	stream.linear.scatter [tilespmem:s12], [sflag:$0x5], $0x1000, $0x38;
	[tilespmem:$0x1DE00] =	vst v63  }
0x5f: {  	_ =	swait.ge [sflag:s13], $0x1000  }
0x60: {  	[sflag:s13] =	ssyncset.done $0x0  }
0x61: {  	s1 =	rddreg [dreg:$0x12];
	[sflag:s13] =	ssyncadd.s32 $0xFFFFF000  }
0x62: {  	[spmem:s1] =	stream.linear.scatter [tilespmem:s12], [sflag:$0x5], $0x1000, $0x38;
	[tilespmem:$0x1DE00] =	vst v63  }
0x63: {  	_ =	swait.ge [sflag:s13], $0x1000  }
0x64: {  	[sflag:s13] =	ssyncset.done $0x0  }
0x65: {  	s11 =	rddreg [dreg:$0x13];
	[sflag:s13] =	ssyncadd.s32 $0xFFFFF000  }
0x66: {  	[spmem:s11] =	stream.linear.scatter [tilespmem:s12], [sflag:$0x5], $0x1000, $0x38;
	[tilespmem:$0x1DE00] =	vst v63  }
0x67: {  	_ =	swait.ge [sflag:s13], $0x1000  }
0x68: {  	[sflag:s13] =	ssyncset.done $0x0  }
0x69: {  	s1 =	rddreg [dreg:$0x14];
	[sflag:s13] =	ssyncadd.s32 $0xFFFFF000  }
0x6a: {  	[spmem:s1] =	stream.linear.scatter [tilespmem:s12], [sflag:$0x5], $0x1000, $0x38;
	[tilespmem:$0x1DE00] =	vst v63  }
0x6b: {  	_ =	swait.ge [sflag:s13], $0x1000  }
0x6c: {  	[sflag:s13] =	ssyncset.done $0x0  }
0x6d: {  	s11 =	rddreg [dreg:$0x15];
	[sflag:s13] =	ssyncadd.s32 $0xFFFFF000  }
0x6e: {  	[spmem:s11] =	stream.linear.scatter [tilespmem:s12], [sflag:$0x5], $0x1000, $0x38;
	[tilespmem:$0x1DE00] =	vst v63  }
0x6f: {  	_ =	swait.ge [sflag:s13], $0x1000  }
0x70: {  	[sflag:s13] =	ssyncset.done $0x0  }
0x71: {  	s1 =	rddreg [dreg:$0x16];
	[sflag:s13] =	ssyncadd.s32 $0xFFFFF000  }
0x72: {  	[spmem:s1] =	stream.linear.scatter [tilespmem:s12], [sflag:$0x5], $0x1000, $0x38;
	[tilespmem:$0x1DE00] =	vst v63  }
0x73: {  	_ =	swait.ge [sflag:s13], $0x1000  }
0x74: {  	[sflag:s13] =	ssyncset.done $0x0  }
0x75: {  	s11 =	rddreg [dreg:$0x17];
	[sflag:s13] =	ssyncadd.s32 $0xFFFFF000  }
0x76: {  	[spmem:s11] =	stream.linear.scatter [tilespmem:s12], [sflag:$0x5], $0x1000, $0x38;
	[tilespmem:$0x1DE00] =	vst v63  }
0x77: {  	_ =	swait.ge [sflag:s13], $0x1000  }
0x78: {  	[sflag:s13] =	ssyncset.done $0x0  }
0x79: {  	s1 =	rddreg [dreg:$0x18];
	[sflag:s13] =	ssyncadd.s32 $0xFFFFF000  }
0x7a: {  	[spmem:s1] =	stream.linear.scatter [tilespmem:s12], [sflag:$0x5], $0x1000, $0x38;
	[tilespmem:$0x1DE00] =	vst v63  }
0x7b: {  	_ =	swait.ge [sflag:s13], $0x1000  }
0x7c: {  	[sflag:s13] =	ssyncset.done $0x0  }
0x7d: {  	s11 =	rddreg [dreg:$0x19];
	[sflag:s13] =	ssyncadd.s32 $0xFFFFF000  }
0x7e: {  	[spmem:s11] =	stream.linear.scatter [tilespmem:s12], [sflag:$0x5], $0x1000, $0x38;
	[tilespmem:$0x1DE00] =	vst v63  }
0x7f: {  	_ =	swait.ge [sflag:s13], $0x1000  }
0x80: {  	[sflag:s13] =	ssyncset.done $0x0  }
0x81: {  	[sflag:s13] =	ssyncadd.s32 $0xFFFFF000  }
0x82: {  	s30 =	simm.s32 $0x0;
	s31 =	simm.s32 $0x0;
	[bflag:$0x0] =	sbarrier.arrive $0xFFFF  }
.LBB2_4:
0x83: {  	s0 =	smul.u32 $0x50, s31;
	_ =	sdelay $0x1  }
0x84: {  	s0 =	sadd.s32 s10, s0  }
0x85: {  	s1 =	sadd.s32 s8, s0  }
0x86: {  	s1 =	sshll.u32 s1, $0x4  }
0x87: {  	s0 =	sshrl.u32 s0, $0x3;
	s1 =	sadd.s32 s5, s1  }
0x88: {  	[tilespmem:s14], [sflag:$0x3] =	stream.linear.gather [hbm4b:s1+s30], $0x2800, $0x38;
	[tilespmem:$0x1DE00] =	vst v63  }
0x89: {  	s11 =	sadd.s32 s7, s0  }
0x8a: {  	[tilespmem:s15], [sflag:$0x2] =	stream.linear.gather [hbm4b:s11+s30], $0x50, $0x38;
	[tilespmem:$0x1DE00] =	vst v63  }
0x8b: {  	s0 =	sadd.s32 s6, s0  }
0x8c: {  	[tilespmem:s30], [sflag:$0x1] =	stream.linear.gather [hbm4b:s0+s30], $0x50, $0x38;
	[tilespmem:$0x1DE00] =	vst v63  }
0x8d: {  	_ =	swait.ge [sflag:s16], $0x50  }
0x8e: {  	[sflag:s16] =	ssyncset.done $0x0  }
0x8f: {  	[sflag:s16] =	ssyncadd.s32 $0xFFFFFFB0  }
0x90: {  	v3 =	vld [tilespmem:$0x0]  }
0x91: {  	v4 =	vld [tilespmem:$0x10]  }
0x92: {  	v5 =	vld [tilespmem:$0x20]  }
0x93: {  	v6 =	vld [tilespmem:$0x30]  }
0x94: {  	v7 =	vld [tilespmem:$0x40]  }
0x95: {  	v3 =	vadd.s32 v0, v3  }
0x96: {  	[tilespmem:$0x100] =	vst v3;
	v3 =	vadd.s32 v0, v4  }
0x97: {  	[tilespmem:$0x110] =	vst v3;
	v3 =	vadd.s32 v0, v5  }
0x98: {  	[tilespmem:$0x120] =	vst v3;
	v3 =	vadd.s32 v0, v6  }
0x99: {  	[tilespmem:$0x130] =	vst v3;
	v3 =	vadd.s32 v0, v7  }
0x9a: {  	[tilespmem:$0x140] =	vst v3  }
0x9b: {  	[tilespmem:s19], [sflag:$0x4] =	stream.indirect.gather [hbm4b:s4+s17], $0x80, s18, s17, $0xb8;
	[tilespmem:$0x1DE00] =	vst v63  }
0x9c: {  	_ =	swait.ge [sflag:s20], $0x2800  }
0x9d: {  	[sflag:s20] =	ssyncset.done $0x0  }
0x9e: {  	[sflag:s20] =	ssyncadd.s32 $0xFFFFD800  }
0x9f: {  	_ =	swait.ge [sflag:s21], $0x2800  }
0xa0: {  	[sflag:s21] =	ssyncset.done $0x0  }
0xa1: {  	s0 =	simm.s32 $0x0;
	[sflag:s21] =	ssyncadd.s32 $0xFFFFD800  }
0xa2: {  	v3 =	vld [tilespmem:s0+$0x1F0]  }
0xa3: {  	v4 =	vld [tilespmem:s0+$0x29F0]  }
0xa4: {  	v5 =	vld [tilespmem:s0+$0x180]  }
0xa5: {  	v6 =	vld [tilespmem:s0+$0x2980]  }
0xa6: {  	v7 =	vld [tilespmem:s0+$0x190]  }
0xa7: {  	v8 =	vld [tilespmem:s0+$0x2990]  }
0xa8: {  	v9 =	vld [tilespmem:s0+$0x1A0]  }
0xa9: {  	v3 =	vadd.f32 v4, v3;
	v4 =	vld [tilespmem:s0+$0x29A0]  }
0xaa: {  	v10 =	vld [tilespmem:s0+$0x1B0]  }
0xab: {  	v11 =	vld [tilespmem:s0+$0x29B0];
	v5 =	vadd.f32 v6, v5  }
0xac: {  	v12 =	vld [tilespmem:s0+$0x1C0];
	v3 =	vmax.f32 v3, $0.0e+00  }
0xad: {  	[tilespmem:s0+$0x51F0] =	vst v3;
	v3 =	vmax.f32 v5, $0.0e+00;
	v5 =	vadd.f32 v8, v7;
	v8 =	vld [tilespmem:s0+$0x29C0]  }
0xae: {  	v6 =	vld [tilespmem:s0+$0x29D0];
	v4 =	vadd.f32 v4, v9  }
0xaf: {  	[tilespmem:s0+$0x5180] =	vst v3;
	v3 =	vld [tilespmem:s0+$0x1D0];
	v5 =	vmax.f32 v5, $0.0e+00  }
0xb0: {  	v7 =	vld [tilespmem:s0+$0x29E0];
	v9 =	vadd.f32 v11, v10;
	[tilespmem:s0+$0x5190] =	vst v5;
	v5 =	vmax.f32 v4, $0.0e+00  }
0xb1: {  	s1 =	simm.s32 $0x80;
	v4 =	vld [tilespmem:s0+$0x1E0];
	[tilespmem:s0+$0x51A0] =	vst v5  }
0xb2: {  	s11 =	simm.s32 $0x400;
	v9 =	vmax.f32 v9, $0.0e+00;
	v8 =	vadd.f32 v8, v12;
	v5 =	vld [tilespmem:s1+$0x1F0]  }
.LBB2_5:
0xb3: {  	p0 =	sne.s32 s11, $0x9E00;
	v10 =	vld [tilespmem:s1+$0x29F0];
	[tilespmem:s0+$0x51B0] =	vst v9  }
0xb4: {  	v9 =	vld [tilespmem:s1+$0x180];
	v8 =	vmax.f32 v8, $0.0e+00;
	v3 =	vadd.f32 v6, v3  }
0xb5: {  	v6 =	vld [tilespmem:s1+$0x2980];
	[tilespmem:s0+$0x51C0] =	vst v8  }
0xb6: {  	v8 =	vld [tilespmem:s1+$0x190];
	v3 =	vmax.f32 v3, $0.0e+00;
	v4 =	vadd.f32 v7, v4  }
0xb7: {  	v7 =	vld [tilespmem:s1+$0x2990];
	[tilespmem:s0+$0x51D0] =	vst v3  }
0xb8: {  	v3 =	vld [tilespmem:s1+$0x1A0];
	v5 =	vadd.f32 v10, v5;
	v4 =	vmax.f32 v4, $0.0e+00  }
0xb9: {  	v10 =	vld [tilespmem:s1+$0x29A0];
	[tilespmem:s0+$0x51E0] =	vst v4;
	s0 =	smov.u32 s1  }
0xba: {  	v4 =	vadd.f32 v6, v9;
	v9 =	vld [tilespmem:s0+$0x1B0];
	v5 =	vmax.f32 v5, $0.0e+00  }
0xbb: {  	v11 =	vld [tilespmem:s0+$0x29B0];
	[tilespmem:s0+$0x51F0] =	vst v5  }
0xbc: {  	v4 =	vmax.f32 v4, $0.0e+00;
	v5 =	vadd.f32 v7, v8;
	v8 =	vld [tilespmem:s0+$0x1C0]  }
0xbd: {  	[tilespmem:s0+$0x5180] =	vst v4;
	v12 =	vld [tilespmem:s0+$0x29C0]  }
.Ltmp1:
0xbe: {  	v4 =	vmax.f32 v5, $0.0e+00;
	v5 =	vadd.f32 v10, v3;
	v3 =	vld [tilespmem:s0+$0x1D0];
	(pc) =	sbr.rel @p0 .LBB2_5-.Ltmp1, $4  }
0xbf: {  	[tilespmem:s0+$0x5190] =	vst v4;
	v6 =	vld [tilespmem:s0+$0x29D0]  }
0xc0: {  	v5 =	vmax.f32 v5, $0.0e+00;
	v9 =	vadd.f32 v11, v9;
	v4 =	vld [tilespmem:s0+$0x1E0]  }
0xc1: {  	s1 =	sshra.s32 s11, $0x2;
	[tilespmem:s0+$0x51A0] =	vst v5;
	v7 =	vld [tilespmem:s0+$0x29E0]  }
0xc2: {  	s11 =	sadd.s32 $0x200, s11;
	v5 =	vld [tilespmem:s1+$0x1F0];
	v9 =	vmax.f32 v9, $0.0e+00;
	v8 =	vadd.f32 v12, v8  }
0xc3: {  	v10 =	vld [tilespmem:s1+$0x29F0];
	[tilespmem:s0+$0x51B0] =	vst v9  }
0xc4: {  	v9 =	vld [tilespmem:s1+$0x180];
	v8 =	vmax.f32 v8, $0.0e+00;
	v3 =	vadd.f32 v6, v3  }
0xc5: {  	v11 =	vld [tilespmem:s1+$0x2980];
	[tilespmem:s0+$0x51C0] =	vst v8  }
0xc6: {  	v53 =	vld [tilespmem:s1+$0x190];
	v3 =	vmax.f32 v3, $0.0e+00;
	v4 =	vadd.f32 v7, v4  }
0xc7: {  	v8 =	vld [tilespmem:s1+$0x2990];
	[tilespmem:s0+$0x51D0] =	vst v3  }
0xc8: {  	v3 =	vld [tilespmem:s1+$0x1A0];
	v4 =	vmax.f32 v4, $0.0e+00  }
0xc9: {  	v54 =	vld [tilespmem:s1+$0x29A0];
	[tilespmem:s0+$0x51E0] =	vst v4  }
0xca: {  	v4 =	vld [tilespmem:s1+$0x1B0]  }
0xcb: {  	v55 =	vld [tilespmem:s1+$0x29B0]  }
0xcc: {  	v57 =	vld [tilespmem:s1+$0x1C0]  }
0xcd: {  	v58 =	vld [tilespmem:s1+$0x29C0]  }
0xce: {  	v59 =	vld [tilespmem:s1+$0x1D0];
	v3 =	vadd.f32 v54, v3  }
0xcf: {  	v60 =	vld [tilespmem:s1+$0x29D0]  }
0xd0: {  	v5 =	vadd.f32 v10, v5;
	v61 =	vld [tilespmem:s1+$0x1E0];
	v3 =	vmax.f32 v3, $0.0e+00  }
0xd1: {  	v9 =	vadd.f32 v11, v9;
	[tilespmem:s1+$0x51A0] =	vst v3;
	v3 =	vld [tilespmem:s1+$0x29E0]  }
0xd2: {  	v5 =	vmax.f32 v5, $0.0e+00;
	v6 =	vadd.f32 v8, v53  }
0xd3: {  	[tilespmem:s1+$0x51F0] =	vst v5;
	v56 =	vmax.f32 v9, $0.0e+00;
	v4 =	vadd.f32 v55, v4  }
0xd4: {  	[tilespmem:s1+$0x5180] =	vst v56;
	v6 =	vmax.f32 v6, $0.0e+00;
	v5 =	vadd.f32 v58, v57  }
0xd5: {  	[tilespmem:s1+$0x5190] =	vst v6;
	v6 =	vadd.f32 v60, v59;
	v4 =	vmax.f32 v4, $0.0e+00  }
0xd6: {  	v62 =	vmax.f32 v5, $0.0e+00;
	[tilespmem:s1+$0x51B0] =	vst v4;
	v3 =	vadd.f32 v3, v61  }
0xd7: {  	v63 =	vmax.f32 v6, $0.0e+00;
	[tilespmem:s1+$0x51C0] =	vst v62  }
0xd8: {  	[tilespmem:s1+$0x51D0] =	vst v63;
	v3 =	vmax.f32 v3, $0.0e+00  }
0xd9: {  	[tilespmem:s1+$0x51E0] =	vst v3  }
0xda: {  	s31 =	sadd.s32 $0x1, s31;
	_ =	swait.ge [sflag:s22], $0x50  }
0xdb: {  	p0 =	sne.s32 s31, $0x7D;
	[sflag:s22] =	ssyncset.done $0x0  }
.Ltmp2:
0xdc: {  	[sflag:s22] =	ssyncadd.s32 $0xFFFFFFB0;
	(pc) =	sbr.rel @p0 .LBB2_4-.Ltmp2, $4  }
0xdd: {  	[spmem:s2] =	stream.indirect.scatter.add.f32 [tilespmem:s23], [sflag:$0x5], $0x80, s15, s17, $0xb8;
	[tilespmem:$0x1DE00] =	vst v63  }
0xde: {  	_ =	swait.ge [sflag:s13], $0x2800  }
0xdf: {  	[sflag:s13] =	ssyncset.done $0x0  }
0xe0: {  	[sflag:s13] =	ssyncadd.s32 $0xFFFFD800  }
0xe1: {  	s0 =	stileid.u32  }
0xe2: {  	[bflag:$0x0] =	sbarrier.arrive $0xFFFF;
	s0 =	sshll.u32 s0, $0x6  }
0xe3: {  	s31 =	sshrl.u32 s9, $0x3;
	s1 =	rddreg [dreg:$0x4];
	s30 =	sor.u32 $0x1C05, s0  }
0xe4: {  	[hbm:s1], [sflag:s30] =	dma.local [spmem:s31], $0x2800  }
0xe5: {  	_ =	swait.ge [sflag:s13], $0x2800  }
0xe6: {  	[sflag:s13] =	ssyncset.done $0x0  }
0xe7: {  	[sflag:s13] =	ssyncadd.s32 $0xFFFFD800  }
0xe8: {  	[spmem:s9] =	stream.linear.scatter [tilespmem:s12], [sflag:$0x5], $0x1000, $0x38;
	[tilespmem:$0x1DE00] =	vst v63  }
0xe9: {  	_ =	swait.ge [sflag:s13], $0x1000  }
0xea: {  	[sflag:s13] =	ssyncset.done $0x0  }
0xeb: {  	s11 =	rddreg [dreg:$0x7];
	[sflag:s13] =	ssyncadd.s32 $0xFFFFF000  }
0xec: {  	[spmem:s11] =	stream.linear.scatter [tilespmem:s12], [sflag:$0x5], $0x1000, $0x38;
	[tilespmem:$0x1DE00] =	vst v63  }
0xed: {  	_ =	swait.ge [sflag:s13], $0x1000  }
0xee: {  	[sflag:s13] =	ssyncset.done $0x0  }
0xef: {  	s1 =	rddreg [dreg:$0x8];
	[sflag:s13] =	ssyncadd.s32 $0xFFFFF000  }
0xf0: {  	[spmem:s1] =	stream.linear.scatter [tilespmem:s12], [sflag:$0x5], $0x1000, $0x38;
	[tilespmem:$0x1DE00] =	vst v63  }
0xf1: {  	_ =	swait.ge [sflag:s13], $0x1000  }
0xf2: {  	[sflag:s13] =	ssyncset.done $0x0  }
0xf3: {  	s9 =	rddreg [dreg:$0x9];
	[sflag:s13] =	ssyncadd.s32 $0xFFFFF000  }
0xf4: {  	[spmem:s9] =	stream.linear.scatter [tilespmem:s12], [sflag:$0x5], $0x1000, $0x38;
	[tilespmem:$0x1DE00] =	vst v63  }
0xf5: {  	_ =	swait.ge [sflag:s13], $0x1000  }
0xf6: {  	[sflag:s13] =	ssyncset.done $0x0  }
0xf7: {  	s11 =	rddreg [dreg:$0xa];
	[sflag:s13] =	ssyncadd.s32 $0xFFFFF000  }
0xf8: {  	[spmem:s11] =	stream.linear.scatter [tilespmem:s12], [sflag:$0x5], $0x1000, $0x38;
	[tilespmem:$0x1DE00] =	vst v63  }
0xf9: {  	_ =	swait.ge [sflag:s13], $0x1000  }
0xfa: {  	[sflag:s13] =	ssyncset.done $0x0  }
0xfb: {  	s1 =	rddreg [dreg:$0xb];
	[sflag:s13] =	ssyncadd.s32 $0xFFFFF000  }
0xfc: {  	[spmem:s1] =	stream.linear.scatter [tilespmem:s12], [sflag:$0x5], $0x1000, $0x38;
	[tilespmem:$0x1DE00] =	vst v63  }
0xfd: {  	_ =	swait.ge [sflag:s13], $0x1000  }
0xfe: {  	[sflag:s13] =	ssyncset.done $0x0  }
0xff: {  	s9 =	rddreg [dreg:$0xc];
	[sflag:s13] =	ssyncadd.s32 $0xFFFFF000  }
0x100: {  	[spmem:s9] =	stream.linear.scatter [tilespmem:s12], [sflag:$0x5], $0x1000, $0x38;
	[tilespmem:$0x1DE00] =	vst v63  }
0x101: {  	_ =	swait.ge [sflag:s13], $0x1000  }
0x102: {  	[sflag:s13] =	ssyncset.done $0x0  }
0x103: {  	s11 =	rddreg [dreg:$0xd];
	[sflag:s13] =	ssyncadd.s32 $0xFFFFF000  }
0x104: {  	[spmem:s11] =	stream.linear.scatter [tilespmem:s12], [sflag:$0x5], $0x1000, $0x38;
	[tilespmem:$0x1DE00] =	vst v63  }
0x105: {  	_ =	swait.ge [sflag:s13], $0x1000  }
0x106: {  	[sflag:s13] =	ssyncset.done $0x0  }
0x107: {  	s1 =	rddreg [dreg:$0xe];
	[sflag:s13] =	ssyncadd.s32 $0xFFFFF000  }
0x108: {  	[spmem:s1] =	stream.linear.scatter [tilespmem:s12], [sflag:$0x5], $0x1000, $0x38;
	[tilespmem:$0x1DE00] =	vst v63  }
0x109: {  	_ =	swait.ge [sflag:s13], $0x1000  }
0x10a: {  	[sflag:s13] =	ssyncset.done $0x0  }
0x10b: {  	s9 =	rddreg [dreg:$0xf];
	[sflag:s13] =	ssyncadd.s32 $0xFFFFF000  }
0x10c: {  	[spmem:s9] =	stream.linear.scatter [tilespmem:s12], [sflag:$0x5], $0x1000, $0x38;
	[tilespmem:$0x1DE00] =	vst v63  }
0x10d: {  	_ =	swait.ge [sflag:s13], $0x1000  }
0x10e: {  	[sflag:s13] =	ssyncset.done $0x0  }
0x10f: {  	s11 =	rddreg [dreg:$0x10];
	[sflag:s13] =	ssyncadd.s32 $0xFFFFF000  }
0x110: {  	[spmem:s11] =	stream.linear.scatter [tilespmem:s12], [sflag:$0x5], $0x1000, $0x38;
	[tilespmem:$0x1DE00] =	vst v63  }
0x111: {  	_ =	swait.ge [sflag:s13], $0x1000  }
0x112: {  	[sflag:s13] =	ssyncset.done $0x0  }
0x113: {  	s1 =	rddreg [dreg:$0x11];
	[sflag:s13] =	ssyncadd.s32 $0xFFFFF000  }
0x114: {  	[spmem:s1] =	stream.linear.scatter [tilespmem:s12], [sflag:$0x5], $0x1000, $0x38;
	[tilespmem:$0x1DE00] =	vst v63  }
0x115: {  	_ =	swait.ge [sflag:s13], $0x1000  }
0x116: {  	[sflag:s13] =	ssyncset.done $0x0  }
0x117: {  	s9 =	rddreg [dreg:$0x12];
	[sflag:s13] =	ssyncadd.s32 $0xFFFFF000  }
0x118: {  	[spmem:s9] =	stream.linear.scatter [tilespmem:s12], [sflag:$0x5], $0x1000, $0x38;
	[tilespmem:$0x1DE00] =	vst v63  }
0x119: {  	_ =	swait.ge [sflag:s13], $0x1000  }
0x11a: {  	[sflag:s13] =	ssyncset.done $0x0  }
0x11b: {  	s11 =	rddreg [dreg:$0x13];
	[sflag:s13] =	ssyncadd.s32 $0xFFFFF000  }
0x11c: {  	[spmem:s11] =	stream.linear.scatter [tilespmem:s12], [sflag:$0x5], $0x1000, $0x38;
	[tilespmem:$0x1DE00] =	vst v63  }
0x11d: {  	_ =	swait.ge [sflag:s13], $0x1000  }
0x11e: {  	[sflag:s13] =	ssyncset.done $0x0  }
0x11f: {  	s1 =	rddreg [dreg:$0x14];
	[sflag:s13] =	ssyncadd.s32 $0xFFFFF000  }
0x120: {  	[spmem:s1] =	stream.linear.scatter [tilespmem:s12], [sflag:$0x5], $0x1000, $0x38;
	[tilespmem:$0x1DE00] =	vst v63  }
0x121: {  	_ =	swait.ge [sflag:s13], $0x1000  }
0x122: {  	[sflag:s13] =	ssyncset.done $0x0  }
0x123: {  	s9 =	rddreg [dreg:$0x15];
	[sflag:s13] =	ssyncadd.s32 $0xFFFFF000  }
0x124: {  	[spmem:s9] =	stream.linear.scatter [tilespmem:s12], [sflag:$0x5], $0x1000, $0x38;
	[tilespmem:$0x1DE00] =	vst v63  }
0x125: {  	_ =	swait.ge [sflag:s13], $0x1000  }
0x126: {  	[sflag:s13] =	ssyncset.done $0x0  }
0x127: {  	s11 =	rddreg [dreg:$0x16];
	[sflag:s13] =	ssyncadd.s32 $0xFFFFF000  }
0x128: {  	[spmem:s11] =	stream.linear.scatter [tilespmem:s12], [sflag:$0x5], $0x1000, $0x38;
	[tilespmem:$0x1DE00] =	vst v63  }
0x129: {  	_ =	swait.ge [sflag:s13], $0x1000  }
0x12a: {  	[sflag:s13] =	ssyncset.done $0x0  }
0x12b: {  	s1 =	rddreg [dreg:$0x17];
	[sflag:s13] =	ssyncadd.s32 $0xFFFFF000  }
0x12c: {  	[spmem:s1] =	stream.linear.scatter [tilespmem:s12], [sflag:$0x5], $0x1000, $0x38;
	[tilespmem:$0x1DE00] =	vst v63  }
0x12d: {  	_ =	swait.ge [sflag:s13], $0x1000  }
0x12e: {  	[sflag:s13] =	ssyncset.done $0x0  }
0x12f: {  	s9 =	rddreg [dreg:$0x18];
	[sflag:s13] =	ssyncadd.s32 $0xFFFFF000  }
0x130: {  	[spmem:s9] =	stream.linear.scatter [tilespmem:s12], [sflag:$0x5], $0x1000, $0x38;
	[tilespmem:$0x1DE00] =	vst v63  }
0x131: {  	_ =	swait.ge [sflag:s13], $0x1000  }
0x132: {  	[sflag:s13] =	ssyncset.done $0x0  }
0x133: {  	s11 =	rddreg [dreg:$0x19];
	[sflag:s13] =	ssyncadd.s32 $0xFFFFF000  }
0x134: {  	[spmem:s11] =	stream.linear.scatter [tilespmem:s12], [sflag:$0x5], $0x1000, $0x38;
	[tilespmem:$0x1DE00] =	vst v63  }
0x135: {  	_ =	swait.ge [sflag:s13], $0x1000  }
0x136: {  	[sflag:s13] =	ssyncset.done $0x0  }
0x137: {  	s0 =	simm.s32 $0x0;
	s1 =	simm.s32 $0x200;
	[sflag:s13] =	ssyncadd.s32 $0xFFFFF000  }
.LBB2_8:
0x138: {  	p0 =	sne.s32 s1, $0x4E00;
	[tilespmem:s0+$0x1CA70] =	vst v2  }
0x139: {  	[tilespmem:s0+$0x1CA00] =	vst v2  }
0x13a: {  	[tilespmem:s0+$0x1CA10] =	vst v2  }
.Ltmp3:
0x13b: {  	[tilespmem:s0+$0x1CA20] =	vst v2;
	(pc) =	sbr.rel @p0 .LBB2_8-.Ltmp3, $4  }
0x13c: {  	[tilespmem:s0+$0x1CA30] =	vst v2  }
0x13d: {  	[tilespmem:s0+$0x1CA40] =	vst v2  }
0x13e: {  	[tilespmem:s0+$0x1CA50] =	vst v2  }
0x13f: {  	[tilespmem:s0+$0x1CA60] =	vst v2;
	s0 =	sshra.s32 s1, $0x2;
	s1 =	sadd.s32 $0x200, s1  }
0x140: {  	[tilespmem:s0+$0x1CA70] =	vst v2  }
0x141: {  	[tilespmem:s0+$0x1CA00] =	vst v2  }
0x142: {  	[tilespmem:s0+$0x1CA10] =	vst v2  }
0x143: {  	[tilespmem:s0+$0x1CA20] =	vst v2  }
0x144: {  	[tilespmem:s0+$0x1CA30] =	vst v2  }
0x145: {  	[tilespmem:s0+$0x1CA40] =	vst v2  }
0x146: {  	[tilespmem:s0+$0x1CA50] =	vst v2  }
0x147: {  	[tilespmem:s0+$0x1CA60] =	vst v2  }
0x148: {  	s11 =	sadd.s32 $0x0, s24;
	[bflag:$0x0] =	sbarrier.arrive $0xFFFF  }
0x149: {  	[tilespmem:s25], [sflag:$0x5] =	stream.linear.gather [hbm4b:s11+s3], $0x28, $0x38;
	[tilespmem:$0x1DE00] =	vst v63  }
0x14a: {  	_ =	swait.ge [sflag:s13], $0x28  }
0x14b: {  	[sflag:s13] =	ssyncset.done $0x0  }
0x14c: {  	[sflag:s13] =	ssyncadd.s32 $0xFFFFFFD8  }
0x14d: {  	[spmem:s2] =	stream.indirect.scatter.add.f32 [tilespmem:s28], [sflag:$0x5], $0x80, s25, s26, $0xb8;
	[tilespmem:$0x1DE00] =	vst v63  }
0x14e: {  	_ =	swait.ge [sflag:s13], $0x1400  }
0x14f: {  	s0 =	simm.s32 $0x5;
	s1 =	simm.s32 $0xA;
	[sflag:s13] =	ssyncset.done $0x0  }
.LBB2_10:
0x150: {  	s11 =	sadd.s32 s0, s24  }
0x151: {  	[sflag:s13] =	ssyncadd.s32 $0xFFFFEC00;
	s0 =	smov.u32 s1;
	s9 =	sadd.s32 $0x5, s1  }
0x152: {  	[tilespmem:s25], [sflag:$0x5] =	stream.linear.gather [hbm4b:s11+s3], $0x28, $0x38;
	[tilespmem:$0x1DE00] =	vst v63  }
0x153: {  	p0 =	sne.s32 s1, $0x26C;
	_ =	swait.ge [sflag:s13], $0x28  }
.Ltmp4:
0x154: {  	[sflag:s13] =	ssyncset.done $0x0;
	(pc) =	sbr.rel @p0 .LBB2_10-.Ltmp4, $4  }
0x155: {  	[sflag:s13] =	ssyncadd.s32 $0xFFFFFFD8  }
0x156: {  	[spmem:s2] =	stream.indirect.scatter.add.f32 [tilespmem:s28], [sflag:$0x5], $0x80, s25, s26, $0xb8;
	[tilespmem:$0x1DE00] =	vst v63  }
0x157: {  	_ =	swait.ge [sflag:s13], $0x1400  }
0x158: {  	s1 =	smov.u32 s9;
	[sflag:s13] =	ssyncset.done $0x0  }
0x159: {  	s0 =	sadd.s32 s0, s24;
	[sflag:s13] =	ssyncadd.s32 $0xFFFFEC00  }
0x15a: {  	[tilespmem:s25], [sflag:$0x5] =	stream.linear.gather [hbm4b:s0+s3], $0x28, $0x38;
	[tilespmem:$0x1DE00] =	vst v63  }
0x15b: {  	_ =	swait.ge [sflag:s13], $0x28  }
0x15c: {  	[sflag:s13] =	ssyncset.done $0x0  }
0x15d: {  	[sflag:s13] =	ssyncadd.s32 $0xFFFFFFD8  }
0x15e: {  	[spmem:s2] =	stream.indirect.scatter.add.f32 [tilespmem:s28], [sflag:$0x5], $0x80, s25, s26, $0xb8;
	[tilespmem:$0x1DE00] =	vst v63  }
0x15f: {  	_ =	swait.ge [sflag:s13], $0x1400  }
0x160: {  	[sflag:s13] =	ssyncset.done $0x0  }
0x161: {  	[sflag:s13] =	ssyncadd.s32 $0xFFFFEC00  }
0x162: {  	[bflag:$0x0] =	sbarrier.arrive $0xFFFF  }
0x163: {  	s11 =	rddreg [dreg:$0x5]  }
0x164: {  	[hbm:s11], [sflag:s30] =	dma.local [spmem:s31], $0x2800  }
0x165: {  	_ =	swait.ge [sflag:s13], $0x2800  }
0x166: {  	s29 =	sadd.s32 $0x1, s29;
	s31 =	rddreg [dreg:$0x6]  }
0x167: {  	p0 =	sne.s32 s29, s31  }
.Ltmp5:
0x168: {  	_ = 	snop;
	(pc) =	sbr.rel @p0 .LBB2_1-.Ltmp5, $3  }
0x169: {  	_ =	sdelay $0x1  }
0x16a: {  	[sflag:s13] =	ssyncset.done $0x0  }
0x16b: {  	s9 =	rddreg [dreg:$0x3];
	[sflag:s13] =	ssyncadd.s32 $0xFFFFD800  }
0x16c: {  	_ =	sfence.sel $0x180000  }
0x16d: {  	[bflag:$0x0] =	sbarrier.arrive $0xFFFF  }
0x16e: {  	_ =	strace $0x90000047  }
0x16f: {  	s0 =	stileid.u32;
	[bflag:$0x2] =	sbarrier.arrive $0xFFFF  }
0x170: {  	p0 =	sne.s32 s0, $0x0;
	s0 =	rddreg [dreg:$0x2]  }
0x171: {  	s0 =	sadd.s32 @!p0 $0x100000, s0  }
0x172: {  	[sflag:s0] =	ssyncadd.tile.s32 @!p0 $0x1;
	_ =	shalt  }
.Lfunc_end2:
_tile_overlayer_lowered:
.L_overlay_start_2:
0x173: {  	(tag) =	ssettag $0x2  }
0x174: {  	s0 =	rddreg [dreg:$0x0];
	s2 =	stileid.u32  }
0x175: {  	s1 =	rddreg [dreg:$0x1];
	p0 =	sne.s32 s2, $0x0  }
0x176: {  	s3 =	rddreg [dreg:$0x2];
	[bflag:$0x3] =	sbarrier.arrive $0xFFFF;
	s2 =	simm.s32 @!p0 $0x1C05  }
0x177: {  	[timem:s3], [sflag:s2] =	dma.local @!p0 [hbm:s0], s1  }
0x178: {  	s0 =	simm.s32 @!p0 $0x5  }
0x179: {  	_ =	swait.ge @!p0 [sflag:s0], s1  }
0x17a: {  	s1 =	ssub.s32 @!p0 $0x0, s1;
	[sflag:s0] =	ssyncset.done @!p0 $0x0  }
0x17b: {  	[sflag:s0] =	ssyncadd.s32 @!p0 s1  }
0x17c: {  	[bflag:$0x3] =	sbarrier.arrive $0xFFFF  }
0x17d: {  	_ =	shalt  }

</sc_bundles>
